<compile_context>
chip_gen: v7x
topology: tpu7x:2x2x1
jax: 0.10.2.dev20260603
libtpu: 0.0.44.dev20260713+nightly
codegen_flags: <defaults>
</compile_context>

<pallas_src>
import functools

import jax
import jax.numpy as jnp
from jax import lax
from jax.experimental import pallas as pl
from jax.experimental.pallas import tpu as pltpu
from jax.experimental.pallas import tpu_sc as plsc
import numpy as np

_SHAPE = (4, 1, 96, 128, 128)
_N = int(np.prod(_SHAPE))
_COLS = 128
_ROWS = _N // _COLS

_FACTOR = 1.0
_GAMA = 1.5
_EPS = 1e-08
_LN2 = 0.6931471805599453
_LOG2E = 1.4426950408889634

_SC_WORKERS = 32
_SC_CHUNK = 16384
_SC_K = 1
_N_SC = _SC_WORKERS * _SC_K * _SC_CHUNK
_N_TC = _N - _N_SC
_TC_ROWS = _N_TC // _COLS
_BLK_ROWS = 5632
_GRID = _TC_ROWS // _BLK_ROWS
assert _TC_ROWS % _BLK_ROWS == 0

_CHUNK = 64
_NCHUNK = _BLK_ROWS // _CHUNK

_P0 = 1.4426688879949858
_P1 = -0.7201758374630753
_P2 = 0.46802731058715463
_P3 = -0.30104668882778535
_P4 = 0.14468385867161748
_P5 = -0.03417637074728508


def _tc_body(x_ref, y_ref, out_ref, acc_ref):
    i = pl.program_id(0)

    def _step(k, carry):
        sA, sC, sM = carry
        xb = x_ref[pl.ds(k * _CHUNK, _CHUNK), :]
        yb = y_ref[pl.ds(k * _CHUNK, _CHUNK), :]
        yf = yb.astype(jnp.float32)
        z = xb * (2.0 * yf - 1.0)
        a = jnp.minimum(z * (-_LOG2E), 126.0)
        u = jnp.exp2(a)
        d = 1.0 + u
        L = jnp.log2(d)
        c = jnp.exp2(1.5 * (a - L)) * L
        return (sA + yf * c, sC + c, sM + yf)

    z0 = jnp.zeros((_CHUNK, _COLS), jnp.float32)
    carry = (z0, z0, z0)
    for k in range(_NCHUNK):
        carry = _step(k, carry)
    sA, sC, sM = carry

    @pl.when(i == 0)
    def _init():
        acc_ref[...] = jnp.zeros_like(acc_ref)

    acc_ref[0, :] += jnp.sum(sA, axis=0)
    acc_ref[1, :] += jnp.sum(sC, axis=0)
    acc_ref[2, :] += jnp.sum(sM, axis=0)

    @pl.when(i == _GRID - 1)
    def _fin():
        out_ref[0] = jnp.sum(acc_ref[0, :]) * _LN2
        out_ref[1] = jnp.sum(acc_ref[1, :]) * _LN2
        out_ref[2] = jnp.sum(acc_ref[2, :])


def _tc_call(x2, y2):
    return pl.pallas_call(
        _tc_body,
        grid=(_GRID,),
        in_specs=[
            pl.BlockSpec((_BLK_ROWS, _COLS), lambda i: (i, 0)),
            pl.BlockSpec((_BLK_ROWS, _COLS), lambda i: (i, 0)),
        ],
        out_specs=pl.BlockSpec(memory_space=pltpu.SMEM),
        out_shape=jax.ShapeDtypeStruct((3,), jnp.float32),
        scratch_shapes=[pltpu.VMEM((3, _COLS), jnp.float32)],
    )(x2, y2)


def _sc_chunk_sums(xbuf, ybuf, carry_in):
    def body(i, carry):
        sA, sC, sM = carry
        xv = xbuf[pl.ds(i * 16, 16)]
        yv = ybuf[pl.ds(i * 16, 16)]
        yf = yv.astype(jnp.float32)
        z = xv * (2.0 * yf - 1.0)
        zz = jnp.minimum(-z, 87.0)
        u = jnp.exp(zz)
        d = 1.0 + u
        di = lax.bitcast_convert_type(d, jnp.int32)
        e = lax.shift_right_arithmetic(di, 23) - 127
        m = lax.bitcast_convert_type(
            (di & 0x007FFFFF) | 0x3F800000, jnp.float32)
        f = m - 1.0
        poly = f * (_P0 + f * (_P1 + f * (_P2 + f * (_P3 + f * (_P4 + f * _P5)))))
        lnd = (e.astype(jnp.float32) + poly) * _LN2
        g = jnp.exp(1.5 * (zz - lnd))
        c = g * lnd
        return (sA + yf * c, sC + c, sM + yf)

    return lax.fori_loop(0, _SC_CHUNK // 16, body, carry_in)


def _sc_kernel_body(x_hbm, y_hbm, out_hbm,
                    xb0, xb1, yb0, yb1, acc, s0, s1, s2, s3):
    wid = lax.axis_index("s") * 2 + lax.axis_index("c")
    base = _N_TC + wid * (_SC_K * _SC_CHUNK)

    xbufs = (xb0, xb1)
    ybufs = (yb0, yb1)
    xsems = (s0, s1)
    ysems = (s2, s3)

    cps = []
    for k in range(_SC_K):
        b = k % 2
        off = base + k * _SC_CHUNK
        cpx = pltpu.make_async_copy(
            x_hbm.at[pl.ds(off, _SC_CHUNK)], xbufs[b], xsems[b])
        cpy = pltpu.make_async_copy(
            y_hbm.at[pl.ds(off, _SC_CHUNK)], ybufs[b], ysems[b])
        cpx.start()
        cpy.start()
        cps.append((cpx, cpy))

    zv = jnp.zeros((16,), jnp.float32)
    carry = (zv, zv, zv)
    for k in range(_SC_K):
        b = k % 2
        cps[k][0].wait()
        cps[k][1].wait()
        carry = _sc_chunk_sums(xbufs[b], ybufs[b], carry)
    sA, sC, sM = carry

    acc[0] = sA
    acc[1] = sC
    acc[2] = sM
    pltpu.sync_copy(acc, out_hbm.at[wid])


def _sc_call(xf, yf):
    mesh = plsc.VectorSubcoreMesh(core_axis_name="c", subcore_axis_name="s")
    fn = functools.partial(
        pl.kernel,
        out_type=jax.ShapeDtypeStruct((_SC_WORKERS, 3, 16), jnp.float32),
        mesh=mesh,
        scratch_types=[
            pltpu.VMEM((_SC_CHUNK,), jnp.float32),
            pltpu.VMEM((_SC_CHUNK,), jnp.float32),
            pltpu.VMEM((_SC_CHUNK,), jnp.int32),
            pltpu.VMEM((_SC_CHUNK,), jnp.int32),
            pltpu.VMEM((3, 16), jnp.float32),
            pltpu.SemaphoreType.DMA,
            pltpu.SemaphoreType.DMA,
            pltpu.SemaphoreType.DMA,
            pltpu.SemaphoreType.DMA,
        ],
    )(_sc_kernel_body)
    return fn(xf, yf)


def kernel(x, y):
    xf = x.reshape(_N)
    yflat = y.reshape(_N)
    x2 = xf.reshape(_ROWS, _COLS)
    y2 = yflat.reshape(_ROWS, _COLS)

    sc = _sc_call(xf, yflat)
    tc = _tc_call(x2, y2)

    A = tc[0] + jnp.sum(sc[:, 0, :])
    C = tc[1] + jnp.sum(sc[:, 1, :])
    M = tc[2] + jnp.sum(sc[:, 2, :])
    B = C - A
    loss = (_FACTOR * ((_N - M) / M) * A + (2.0 - _FACTOR) * B) / _N
    return loss

# --- scband reference (transcript-rebuilt; emitter-appended) ---
"""Pipeline reference for scband-focal-loss-32736240730452 (READ-ONLY COPY).

The authoritative reference and input builder live on the scoring server;
editing this copy changes nothing except your own understanding.
"""

import jax, jax.numpy as jnp
import numpy as np

SHAPE = (4, 1, 96, 128, 128)

def setup_inputs(seed: int = 0) -> dict:
    key = jax.random.key(seed)
    k1, k2 = jax.random.split(key)
    x = jax.random.normal(k1, SHAPE, dtype=jnp.float32)
    y = jax.random.randint(k2, SHAPE, 0, 2, dtype=jnp.int32)
    return {"x": x, "y": y}

def reference(x, y):
    factor = 1.0
    gama = 1.5
    eps = 1e-08
    p = jax.nn.sigmoid(x)
    yf = y.astype(jnp.float32)
    N = float(np.prod(SHAPE))
    M = jnp.sum(yf)
    # torch gathers positive = p[nonzero(y)] and negative = (1-p)[nonzero(1-y)];
    # mathematically equivalent masked sums (jit-friendly, same values):
    # positive_loss = sum over y==1 of -(1-p)^g * ((N-M)/M) * log(p+eps)
    # negative_loss = sum over y==0 of -(1-(1-p))^g * log((1-p)+eps) = -(p)^g * log(1-p+eps)
    pos_term = -((1.0 - p) ** gama) * ((N - M) / M) * jnp.log(p + eps)
    neg_term = -(p ** gama) * jnp.log((1.0 - p) + eps)
    positive_loss = jnp.sum(yf * pos_term)
    negative_loss = jnp.sum((1.0 - yf) * neg_term)
    loss = factor * positive_loss + (2.0 - factor) * negative_loss
    return loss / N

if __name__ == "__main__":
    import jax
    _d = setup_inputs()
    print(jax.jit(kernel)(*tuple(_d.values())))

</pallas_src>

<mosaic_0001>
#map = affine_map<(d0, d1) -> (0)>
#map1 = affine_map<(d0, d1) -> (0, 0, 0)>
module attributes {stable_mosaic.version = 14 : i64} {
  func.func @_sc_kernel_body(%arg0: i32, %arg1: i32, %arg2: memref<6291456xf32, #tpu.memory_space<hbm>>, %arg3: memref<6291456xi32, #tpu.memory_space<hbm>>, %arg4: memref<32x3x16xf32, #tpu.memory_space<hbm>>, %arg5: memref<16384xf32, #tpu.memory_space<vmem>>, %arg6: memref<16384xf32, #tpu.memory_space<vmem>>, %arg7: memref<16384xi32, #tpu.memory_space<vmem>>, %arg8: memref<16384xi32, #tpu.memory_space<vmem>>, %arg9: memref<3x16xf32, #tpu.memory_space<vmem>>, %arg10: memref<!tpu.dma_semaphore, #tpu.memory_space<semaphore_mem>>, %arg11: memref<!tpu.dma_semaphore, #tpu.memory_space<semaphore_mem>>, %arg12: memref<!tpu.dma_semaphore, #tpu.memory_space<semaphore_mem>>, %arg13: memref<!tpu.dma_semaphore, #tpu.memory_space<semaphore_mem>>) attributes {dimension_semantics = [#tpu.dimension_semantics<core_parallel>, #tpu.dimension_semantics<subcore_parallel>], iteration_bounds = array<i64: 2, 16>, scalar_prefetch = 0 : i64, scratch_operands = 9 : i64, tpu.core_type = #tpu.core_type<sc_vector_subcore>, window_params = [{transform_indices = #map}, {transform_indices = #map}, {transform_indices = #map1}]} {
    %mul3A = arith.constant 2 : i32
    %mul3A_0 = arith.muli %arg1, %mul3A : i32
    %add3A = arith.addi %mul3A_0, %arg0 : i32
    %mul3A_1 = arith.constant 16384 : i32
    %mul3A_2 = arith.muli %add3A, %mul3A_1 : i32
    %add3A_3 = arith.constant 5767168 : i32
    %add3A_4 = arith.addi %add3A_3, %mul3A_2 : i32
    %add3A_5 = arith.constant 0 : i32
    %add3A_6 = arith.addi %add3A_4, %add3A_5 : i32
    %dma_start3A = tpu.memref_slice %arg2[%add3A_6] : memref<6291456xf32, #tpu.memory_space<hbm>> -> memref<16384xf32, #tpu.memory_space<hbm>>
    %dma_start3A_7 = tpu.memref_slice %arg2[%add3A_6] : memref<6291456xf32, #tpu.memory_space<hbm>> -> memref<16384xf32, #tpu.memory_space<hbm>>
    tpu.enqueue_dma source(%dma_start3A_7 : memref<16384xf32, #tpu.memory_space<hbm>>) target(%arg5 : memref<16384xf32, #tpu.memory_space<vmem>>) target_semaphore(%arg10 : memref<!tpu.dma_semaphore, #tpu.memory_space<semaphore_mem>>)
    %dma_start3A_8 = tpu.memref_slice %arg3[%add3A_6] : memref<6291456xi32, #tpu.memory_space<hbm>> -> memref<16384xi32, #tpu.memory_space<hbm>>
    %dma_start3A_9 = tpu.memref_slice %arg3[%add3A_6] : memref<6291456xi32, #tpu.memory_space<hbm>> -> memref<16384xi32, #tpu.memory_space<hbm>>
    tpu.enqueue_dma source(%dma_start3A_9 : memref<16384xi32, #tpu.memory_space<hbm>>) target(%arg7 : memref<16384xi32, #tpu.memory_space<vmem>>) target_semaphore(%arg12 : memref<!tpu.dma_semaphore, #tpu.memory_space<semaphore_mem>>)
    %broadcast_in_dim3A = arith.constant 0.000000e+00 : f32
    %broadcast_in_dim3A_10 = vector.broadcast %broadcast_in_dim3A : f32 to vector<16xf32>
    %dma_wait3A = tpu.memref_slice %arg2[%add3A_6] : memref<6291456xf32, #tpu.memory_space<hbm>> -> memref<16384xf32, #tpu.memory_space<hbm>>
    %dma_wait3A_11 = tpu.memref_slice %arg2[%add3A_6] : memref<6291456xf32, #tpu.memory_space<hbm>> -> memref<16384xf32, #tpu.memory_space<hbm>>
    tpu.wait_dma2 semaphore(%arg10 : memref<!tpu.dma_semaphore, #tpu.memory_space<semaphore_mem>>) src(%dma_wait3A_11 : memref<16384xf32, #tpu.memory_space<hbm>>) dst(%arg5 : memref<16384xf32, #tpu.memory_space<vmem>>)
    %dma_wait3A_12 = tpu.memref_slice %arg3[%add3A_6] : memref<6291456xi32, #tpu.memory_space<hbm>> -> memref<16384xi32, #tpu.memory_space<hbm>>
    %dma_wait3A_13 = tpu.memref_slice %arg3[%add3A_6] : memref<6291456xi32, #tpu.memory_space<hbm>> -> memref<16384xi32, #tpu.memory_space<hbm>>
    tpu.wait_dma2 semaphore(%arg12 : memref<!tpu.dma_semaphore, #tpu.memory_space<semaphore_mem>>) src(%dma_wait3A_13 : memref<16384xi32, #tpu.memory_space<hbm>>) dst(%arg7 : memref<16384xi32, #tpu.memory_space<vmem>>)
    %scan3A = arith.constant 0 : i32
    %scan3A_14 = arith.constant 1024 : i32
    %scan3A_15 = arith.addi %scan3A, %scan3A_14 : i32
    %scan3A_16 = arith.constant 1 : i32
    %scan3A_17:3 = scf.for %scan3A_36 = %scan3A to %scan3A_15 step %scan3A_16 iter_args(%scan3A_37 = %broadcast_in_dim3A_10, %scan3A_38 = %broadcast_in_dim3A_10, %scan3A_39 = %broadcast_in_dim3A_10) -> (vector<16xf32>, vector<16xf32>, vector<16xf32>)  : i32 {
      %mul3A_40 = arith.constant 16 : i32
      %mul3A_41 = arith.muli %scan3A_36, %mul3A_40 : i32
      %get3A = arith.index_cast %mul3A_41 : i32 to index
      %get3A_42 = tpu.vector_load %arg5[%get3A] {strides = array<i32>} : memref<16384xf32, #tpu.memory_space<vmem>>, vector<16xf32>,
      %get3A_43 = vector.shape_cast %get3A_42 : vector<16xf32> to vector<16xf32>
      %mul3A_44 = arith.constant 16 : i32
      %mul3A_45 = arith.muli %scan3A_36, %mul3A_44 : i32
      %get3A_46 = arith.index_cast %mul3A_45 : i32 to index
      %get3A_47 = tpu.vector_load %arg7[%get3A_46] {strides = array<i32>} : memref<16384xi32, #tpu.memory_space<vmem>>, vector<16xi32>,
      %get3A_48 = vector.shape_cast %get3A_47 : vector<16xi32> to vector<16xi32>
      %convert_element_type3A = arith.sitofp %get3A_48 : vector<16xi32> to vector<16xf32>
      %mul3A_49 = arith.constant 2.000000e+00 : f32
      %mul3A_50 = vector.broadcast %mul3A_49 : f32 to vector<16xf32>
      %mul3A_51 = arith.mulf %mul3A_50, %convert_element_type3A : vector<16xf32>
      %sub3A = arith.constant 1.000000e+00 : f32
      %sub3A_52 = vector.broadcast %sub3A : f32 to vector<16xf32>
      %sub3A_53 = arith.subf %mul3A_51, %sub3A_52 : vector<16xf32>
      %mul3A_54 = arith.mulf %get3A_43, %sub3A_53 : vector<16xf32>
      %neg3A = arith.constant 0.000000e+00 : f32
      %neg3A_55 = vector.broadcast %neg3A : f32 to vector<16xf32>
      %neg3A_56 = arith.subf %neg3A_55, %mul3A_54 : vector<16xf32>
      %min3A = arith.constant 8.700000e+01 : f32
      %min3A_57 = vector.broadcast %min3A : f32 to vector<16xf32>
      %min3A_58 = arith.minimumf %neg3A_56, %min3A_57 : vector<16xf32>
      %exp3A = math.exp %min3A_58 : vector<16xf32>
      %add3A_59 = arith.constant 1.000000e+00 : f32
      %add3A_60 = vector.broadcast %add3A_59 : f32 to vector<16xf32>
      %add3A_61 = arith.addf %add3A_60, %exp3A : vector<16xf32>
      %bitcast_convert_type3A = tpu.bitcast %add3A_61 : vector<16xf32> -> vector<16xi32>
      %shift_right_arithmetic3A = arith.constant 23 : i32
      %shift_right_arithmetic3A_62 = vector.broadcast %shift_right_arithmetic3A : i32 to vector<16xi32>
      %shift_right_arithmetic3A_63 = arith.shrsi %bitcast_convert_type3A, %shift_right_arithmetic3A_62 : vector<16xi32>
      %sub3A_64 = arith.constant 127 : i32
      %sub3A_65 = vector.broadcast %sub3A_64 : i32 to vector<16xi32>
      %sub3A_66 = arith.subi %shift_right_arithmetic3A_63, %sub3A_65 : vector<16xi32>
      %and3A = arith.constant 8388607 : i32
      %and3A_67 = vector.broadcast %and3A : i32 to vector<16xi32>
      %and3A_68 = arith.andi %bitcast_convert_type3A, %and3A_67 : vector<16xi32>
      %or3A = arith.constant 1065353216 : i32
      %or3A_69 = vector.broadcast %or3A : i32 to vector<16xi32>
      %or3A_70 = arith.ori %and3A_68, %or3A_69 : vector<16xi32>
      %bitcast_convert_type3A_71 = tpu.bitcast %or3A_70 : vector<16xi32> -> vector<16xf32>
      %sub3A_72 = arith.constant 1.000000e+00 : f32
      %sub3A_73 = vector.broadcast %sub3A_72 : f32 to vector<16xf32>
      %sub3A_74 = arith.subf %bitcast_convert_type3A_71, %sub3A_73 : vector<16xf32>
      %mul3A_75 = arith.constant -0.034176372 : f32
      %mul3A_76 = vector.broadcast %mul3A_75 : f32 to vector<16xf32>
      %mul3A_77 = arith.mulf %sub3A_74, %mul3A_76 : vector<16xf32>
      %add3A_78 = arith.constant 0.144683853 : f32
      %add3A_79 = vector.broadcast %add3A_78 : f32 to vector<16xf32>
      %add3A_80 = arith.addf %add3A_79, %mul3A_77 : vector<16xf32>
      %mul3A_81 = arith.mulf %sub3A_74, %add3A_80 : vector<16xf32>
      %add3A_82 = arith.constant -0.301046699 : f32
      %add3A_83 = vector.broadcast %add3A_82 : f32 to vector<16xf32>
      %add3A_84 = arith.addf %add3A_83, %mul3A_81 : vector<16xf32>
      %mul3A_85 = arith.mulf %sub3A_74, %add3A_84 : vector<16xf32>
      %add3A_86 = arith.constant 0.468027323 : f32
      %add3A_87 = vector.broadcast %add3A_86 : f32 to vector<16xf32>
      %add3A_88 = arith.addf %add3A_87, %mul3A_85 : vector<16xf32>
      %mul3A_89 = arith.mulf %sub3A_74, %add3A_88 : vector<16xf32>
      %add3A_90 = arith.constant -0.720175862 : f32
      %add3A_91 = vector.broadcast %add3A_90 : f32 to vector<16xf32>
      %add3A_92 = arith.addf %add3A_91, %mul3A_89 : vector<16xf32>
      %mul3A_93 = arith.mulf %sub3A_74, %add3A_92 : vector<16xf32>
      %add3A_94 = arith.constant 1.44266891 : f32
      %add3A_95 = vector.broadcast %add3A_94 : f32 to vector<16xf32>
      %add3A_96 = arith.addf %add3A_95, %mul3A_93 : vector<16xf32>
      %mul3A_97 = arith.mulf %sub3A_74, %add3A_96 : vector<16xf32>
      %convert_element_type3A_98 = arith.sitofp %sub3A_66 : vector<16xi32> to vector<16xf32>
      %add3A_99 = arith.addf %convert_element_type3A_98, %mul3A_97 : vector<16xf32>
      %mul3A_100 = arith.constant 0.693147182 : f32
      %mul3A_101 = vector.broadcast %mul3A_100 : f32 to vector<16xf32>
      %mul3A_102 = arith.mulf %add3A_99, %mul3A_101 : vector<16xf32>
      %sub3A_103 = arith.subf %min3A_58, %mul3A_102 : vector<16xf32>
      %mul3A_104 = arith.constant 1.500000e+00 : f32
      %mul3A_105 = vector.broadcast %mul3A_104 : f32 to vector<16xf32>
      %mul3A_106 = arith.mulf %mul3A_105, %sub3A_103 : vector<16xf32>
      %exp3A_107 = math.exp %mul3A_106 : vector<16xf32>
      %mul3A_108 = arith.mulf %exp3A_107, %mul3A_102 : vector<16xf32>
      %mul3A_109 = arith.mulf %convert_element_type3A, %mul3A_108 : vector<16xf32>
      %add3A_110 = arith.addf %scan3A_37, %mul3A_109 : vector<16xf32>
      %add3A_111 = arith.addf %scan3A_38, %mul3A_108 : vector<16xf32>
      %add3A_112 = arith.addf %scan3A_39, %convert_element_type3A : vector<16xf32>
      scf.yield %add3A_110, %add3A_111, %add3A_112 : vector<16xf32>, vector<16xf32>, vector<16xf32>
    }
    %scan3A_18 = arith.constant 1024 : i32
    %swap3A = arith.constant 0 : i32
    %swap3A_19 = arith.index_cast %swap3A : i32 to index
    %swap3A_20 = arith.constant 0 : index
    %swap3A_21 = tpu.vector_load %arg9[%swap3A_19, %swap3A_20] {strides = array<i32>} : memref<3x16xf32, #tpu.memory_space<vmem>>, vector<1x16xf32>,
    %swap3A_22 = vector.shape_cast %swap3A_21 : vector<1x16xf32> to vector<16xf32>
    %swap3A_23 = vector.shape_cast %scan3A_17#0 : vector<16xf32> to vector<1x16xf32>
    tpu.vector_store %arg9[%swap3A_19, %swap3A_20], %swap3A_23 {strides = array<i32>} : memref<3x16xf32, #tpu.memory_space<vmem>>, vector<1x16xf32>,
    %swap3A_24 = arith.constant 1 : i32
    %swap3A_25 = arith.index_cast %swap3A_24 : i32 to index
    %swap3A_26 = arith.constant 0 : index
    %swap3A_27 = tpu.vector_load %arg9[%swap3A_25, %swap3A_26] {strides = array<i32>} : memref<3x16xf32, #tpu.memory_space<vmem>>, vector<1x16xf32>,
    %swap3A_28 = vector.shape_cast %swap3A_27 : vector<1x16xf32> to vector<16xf32>
    %swap3A_29 = vector.shape_cast %scan3A_17#1 : vector<16xf32> to vector<1x16xf32>
    tpu.vector_store %arg9[%swap3A_25, %swap3A_26], %swap3A_29 {strides = array<i32>} : memref<3x16xf32, #tpu.memory_space<vmem>>, vector<1x16xf32>,
    %swap3A_30 = arith.constant 2 : i32
    %swap3A_31 = arith.index_cast %swap3A_30 : i32 to index
    %swap3A_32 = arith.constant 0 : index
    %swap3A_33 = tpu.vector_load %arg9[%swap3A_31, %swap3A_32] {strides = array<i32>} : memref<3x16xf32, #tpu.memory_space<vmem>>, vector<1x16xf32>,
    %swap3A_34 = vector.shape_cast %swap3A_33 : vector<1x16xf32> to vector<16xf32>
    %swap3A_35 = vector.shape_cast %scan3A_17#2 : vector<16xf32> to vector<1x16xf32>
    tpu.vector_store %arg9[%swap3A_31, %swap3A_32], %swap3A_35 {strides = array<i32>} : memref<3x16xf32, #tpu.memory_space<vmem>>, vector<1x16xf32>,
    "tpu.region"() ({
      %run_scoped3A = tpu.sem_alloc : memref<!tpu.dma_semaphore, #tpu.memory_space<semaphore_mem>>
      %dma_start3A_36 = arith.constant 0 : i32
      %dma_start3A_37 = arith.constant 0 : i32
      %dma_start3A_38 = tpu.memref_slice %arg4[%add3A, %dma_start3A_36, %dma_start3A_37] : memref<32x3x16xf32, #tpu.memory_space<hbm>> -> memref<1x3x16xf32, #tpu.memory_space<hbm>>
      %dma_start3A_39 = tpu.memref_squeeze %dma_start3A_38 : memref<1x3x16xf32, #tpu.memory_space<hbm>> -> memref<3x16xf32, #tpu.memory_space<hbm>>
      %dma_start3A_40 = arith.constant 0 : i32
      %dma_start3A_41 = arith.constant 0 : i32
      %dma_start3A_42 = tpu.memref_slice %arg4[%add3A, %dma_start3A_40, %dma_start3A_41] : memref<32x3x16xf32, #tpu.memory_space<hbm>> -> memref<1x3x16xf32, #tpu.memory_space<hbm>>
      %dma_start3A_43 = tpu.memref_squeeze %dma_start3A_42 : memref<1x3x16xf32, #tpu.memory_space<hbm>> -> memref<3x16xf32, #tpu.memory_space<hbm>>
      tpu.enqueue_dma source(%arg9 : memref<3x16xf32, #tpu.memory_space<vmem>>) target(%dma_start3A_43 : memref<3x16xf32, #tpu.memory_space<hbm>>) target_semaphore(%run_scoped3A : memref<!tpu.dma_semaphore, #tpu.memory_space<semaphore_mem>>)
      %dma_wait3A_44 = arith.constant 0 : i32
      %dma_wait3A_45 = arith.constant 0 : i32
      %dma_wait3A_46 = tpu.memref_slice %arg4[%add3A, %dma_wait3A_44, %dma_wait3A_45] : memref<32x3x16xf32, #tpu.memory_space<hbm>> -> memref<1x3x16xf32, #tpu.memory_space<hbm>>
      %dma_wait3A_47 = tpu.memref_squeeze %dma_wait3A_46 : memref<1x3x16xf32, #tpu.memory_space<hbm>> -> memref<3x16xf32, #tpu.memory_space<hbm>>
      %dma_wait3A_48 = arith.constant 0 : i32
      %dma_wait3A_49 = arith.constant 0 : i32
      %dma_wait3A_50 = tpu.memref_slice %arg4[%add3A, %dma_wait3A_48, %dma_wait3A_49] : memref<32x3x16xf32, #tpu.memory_space<hbm>> -> memref<1x3x16xf32, #tpu.memory_space<hbm>>
      %dma_wait3A_51 = tpu.memref_squeeze %dma_wait3A_50 : memref<1x3x16xf32, #tpu.memory_space<hbm>> -> memref<3x16xf32, #tpu.memory_space<hbm>>
      tpu.wait_dma2 semaphore(%run_scoped3A : memref<!tpu.dma_semaphore, #tpu.memory_space<semaphore_mem>>) src(%arg9 : memref<3x16xf32, #tpu.memory_space<vmem>>) dst(%dma_wait3A_51 : memref<3x16xf32, #tpu.memory_space<hbm>>)
      tpu.yield
    }) : () -> ()
    return
  }
}

module attributes {stable_mosaic.version = 14 : i64} {
  func.func @_tc_body(%arg0: i32, %arg1: memref<5632x128xf32, #tpu.memory_space<vmem>>, %arg2: memref<5632x128xi32, #tpu.memory_space<vmem>>, %arg3: memref<3xf32, #tpu.memory_space<smem>>, %arg4: memref<3x128xf32, #tpu.memory_space<vmem>>) attributes {dimension_semantics = [#tpu.dimension_semantics<arbitrary>], iteration_bounds = array<i64: 8>, scalar_prefetch = 0 : i64, scratch_operands = 1 : i64, tpu.core_type = #tpu.core_type<tc>, window_params = [{transform_indices = @transform_0, window_bounds = array<i64: 5632, 128>}, {transform_indices = @transform_1, window_bounds = array<i64: 5632, 128>}, {transform_indices = @transform_2, window_bounds = array<i64: 3>}]} {
    %broadcast_in_dim3A = arith.constant 0.000000e+00 : f32
    %broadcast_in_dim3A_0 = vector.broadcast %broadcast_in_dim3A : f32 to vector<64x128xf32>
    %get3A = arith.constant 0 : index
    %get3A_1 = arith.constant 0 : index
    %get3A_2 = vector.load %arg1[%get3A, %get3A_1] : memref<5632x128xf32, #tpu.memory_space<vmem>>, vector<64x128xf32>
    %get3A_3 = arith.constant 0 : index
    %get3A_4 = arith.constant 0 : index
    %get3A_5 = vector.load %arg2[%get3A_3, %get3A_4] : memref<5632x128xi32, #tpu.memory_space<vmem>>, vector<64x128xi32>
    %convert_element_type3A = arith.sitofp %get3A_5 : vector<64x128xi32> to vector<64x128xf32>
    %mul3A = arith.constant 2.000000e+00 : f32
    %mul3A_6 = vector.broadcast %mul3A : f32 to vector<64x128xf32>
    %mul3A_7 = arith.mulf %mul3A_6, %convert_element_type3A : vector<64x128xf32>
    %sub3A = arith.constant 1.000000e+00 : f32
    %sub3A_8 = vector.broadcast %sub3A : f32 to vector<64x128xf32>
    %sub3A_9 = arith.subf %mul3A_7, %sub3A_8 : vector<64x128xf32>
    %mul3A_10 = arith.mulf %get3A_2, %sub3A_9 : vector<64x128xf32>
    %mul3A_11 = arith.constant -1.44269502 : f32
    %mul3A_12 = vector.broadcast %mul3A_11 : f32 to vector<64x128xf32>
    %mul3A_13 = arith.mulf %mul3A_10, %mul3A_12 : vector<64x128xf32>
    %min3A = arith.constant 1.260000e+02 : f32
    %min3A_14 = vector.broadcast %min3A : f32 to vector<64x128xf32>
    %min3A_15 = arith.minimumf %mul3A_13, %min3A_14 : vector<64x128xf32>
    %exp23A = math.exp2 %min3A_15 : vector<64x128xf32>
    %add3A = arith.constant 1.000000e+00 : f32
    %add3A_16 = vector.broadcast %add3A : f32 to vector<64x128xf32>
    %add3A_17 = arith.addf %add3A_16, %exp23A : vector<64x128xf32>
    %log3A = math.log %add3A_17 : vector<64x128xf32>
    %log3A_18 = arith.constant 2.000000e+00 : f32
    %log3A_19 = math.log %log3A_18 : f32
    %div3A = vector.broadcast %log3A_19 : f32 to vector<64x128xf32>
    %div3A_20 = arith.divf %log3A, %div3A : vector<64x128xf32>
    %sub3A_21 = arith.subf %min3A_15, %div3A_20 : vector<64x128xf32>
    %mul3A_22 = arith.constant 1.500000e+00 : f32
    %mul3A_23 = vector.broadcast %mul3A_22 : f32 to vector<64x128xf32>
    %mul3A_24 = arith.mulf %mul3A_23, %sub3A_21 : vector<64x128xf32>
    %exp23A_25 = math.exp2 %mul3A_24 : vector<64x128xf32>
    %mul3A_26 = arith.mulf %exp23A_25, %div3A_20 : vector<64x128xf32>
    %mul3A_27 = arith.mulf %convert_element_type3A, %mul3A_26 : vector<64x128xf32>
    %add3A_28 = arith.addf %broadcast_in_dim3A_0, %mul3A_27 : vector<64x128xf32>
    %add3A_29 = arith.addf %broadcast_in_dim3A_0, %mul3A_26 : vector<64x128xf32>
    %add3A_30 = arith.addf %broadcast_in_dim3A_0, %convert_element_type3A : vector<64x128xf32>
    %get3A_31 = arith.constant 64 : index
    %get3A_32 = arith.constant 0 : index
    %get3A_33 = vector.load %arg1[%get3A_31, %get3A_32] : memref<5632x128xf32, #tpu.memory_space<vmem>>, vector<64x128xf32>
    %get3A_34 = arith.constant 64 : index
    %get3A_35 = arith.constant 0 : index
    %get3A_36 = vector.load %arg2[%get3A_34, %get3A_35] : memref<5632x128xi32, #tpu.memory_space<vmem>>, vector<64x128xi32>
    %convert_element_type3A_37 = arith.sitofp %get3A_36 : vector<64x128xi32> to vector<64x128xf32>
    %mul3A_38 = arith.constant 2.000000e+00 : f32
    %mul3A_39 = vector.broadcast %mul3A_38 : f32 to vector<64x128xf32>
    %mul3A_40 = arith.mulf %mul3A_39, %convert_element_type3A_37 : vector<64x128xf32>
    %sub3A_41 = arith.constant 1.000000e+00 : f32
    %sub3A_42 = vector.broadcast %sub3A_41 : f32 to vector<64x128xf32>
    %sub3A_43 = arith.subf %mul3A_40, %sub3A_42 : vector<64x128xf32>
    %mul3A_44 = arith.mulf %get3A_33, %sub3A_43 : vector<64x128xf32>
    %mul3A_45 = arith.constant -1.44269502 : f32
    %mul3A_46 = vector.broadcast %mul3A_45 : f32 to vector<64x128xf32>
    %mul3A_47 = arith.mulf %mul3A_44, %mul3A_46 : vector<64x128xf32>
    %min3A_48 = arith.constant 1.260000e+02 : f32
    %min3A_49 = vector.broadcast %min3A_48 : f32 to vector<64x128xf32>
    %min3A_50 = arith.minimumf %mul3A_47, %min3A_49 : vector<64x128xf32>
    %exp23A_51 = math.exp2 %min3A_50 : vector<64x128xf32>
    %add3A_52 = arith.constant 1.000000e+00 : f32
    %add3A_53 = vector.broadcast %add3A_52 : f32 to vector<64x128xf32>
    %add3A_54 = arith.addf %add3A_53, %exp23A_51 : vector<64x128xf32>
    %log3A_55 = math.log %add3A_54 : vector<64x128xf32>
    %log3A_56 = arith.constant 2.000000e+00 : f32
    %log3A_57 = math.log %log3A_56 : f32
    %div3A_58 = vector.broadcast %log3A_57 : f32 to vector<64x128xf32>
    %div3A_59 = arith.divf %log3A_55, %div3A_58 : vector<64x128xf32>
    %sub3A_60 = arith.subf %min3A_50, %div3A_59 : vector<64x128xf32>
    %mul3A_61 = arith.constant 1.500000e+00 : f32
    %mul3A_62 = vector.broadcast %mul3A_61 : f32 to vector<64x128xf32>
    %mul3A_63 = arith.mulf %mul3A_62, %sub3A_60 : vector<64x128xf32>
    %exp23A_64 = math.exp2 %mul3A_63 : vector<64x128xf32>
    %mul3A_65 = arith.mulf %exp23A_64, %div3A_59 : vector<64x128xf32>
    %mul3A_66 = arith.mulf %convert_element_type3A_37, %mul3A_65 : vector<64x128xf32>
    %add3A_67 = arith.addf %add3A_28, %mul3A_66 : vector<64x128xf32>
    %add3A_68 = arith.addf %add3A_29, %mul3A_65 : vector<64x128xf32>
    %add3A_69 = arith.addf %add3A_30, %convert_element_type3A_37 : vector<64x128xf32>
    %get3A_70 = arith.constant 128 : index
    %get3A_71 = arith.constant 0 : index
    %get3A_72 = vector.load %arg1[%get3A_70, %get3A_71] : memref<5632x128xf32, #tpu.memory_space<vmem>>, vector<64x128xf32>
    %get3A_73 = arith.constant 128 : index
    %get3A_74 = arith.constant 0 : index
    %get3A_75 = vector.load %arg2[%get3A_73, %get3A_74] : memref<5632x128xi32, #tpu.memory_space<vmem>>, vector<64x128xi32>
    %convert_element_type3A_76 = arith.sitofp %get3A_75 : vector<64x128xi32> to vector<64x128xf32>
    %mul3A_77 = arith.constant 2.000000e+00 : f32
    %mul3A_78 = vector.broadcast %mul3A_77 : f32 to vector<64x128xf32>
    %mul3A_79 = arith.mulf %mul3A_78, %convert_element_type3A_76 : vector<64x128xf32>
    %sub3A_80 = arith.constant 1.000000e+00 : f32
    %sub3A_81 = vector.broadcast %sub3A_80 : f32 to vector<64x128xf32>
    %sub3A_82 = arith.subf %mul3A_79, %sub3A_81 : vector<64x128xf32>
    %mul3A_83 = arith.mulf %get3A_72, %sub3A_82 : vector<64x128xf32>
    %mul3A_84 = arith.constant -1.44269502 : f32
    %mul3A_85 = vector.broadcast %mul3A_84 : f32 to vector<64x128xf32>
    %mul3A_86 = arith.mulf %mul3A_83, %mul3A_85 : vector<64x128xf32>
    %min3A_87 = arith.constant 1.260000e+02 : f32
    %min3A_88 = vector.broadcast %min3A_87 : f32 to vector<64x128xf32>
    %min3A_89 = arith.minimumf %mul3A_86, %min3A_88 : vector<64x128xf32>
    %exp23A_90 = math.exp2 %min3A_89 : vector<64x128xf32>
    %add3A_91 = arith.constant 1.000000e+00 : f32
    %add3A_92 = vector.broadcast %add3A_91 : f32 to vector<64x128xf32>
    %add3A_93 = arith.addf %add3A_92, %exp23A_90 : vector<64x128xf32>
    %log3A_94 = math.log %add3A_93 : vector<64x128xf32>
    %log3A_95 = arith.constant 2.000000e+00 : f32
    %log3A_96 = math.log %log3A_95 : f32
    %div3A_97 = vector.broadcast %log3A_96 : f32 to vector<64x128xf32>
    %div3A_98 = arith.divf %log3A_94, %div3A_97 : vector<64x128xf32>
    %sub3A_99 = arith.subf %min3A_89, %div3A_98 : vector<64x128xf32>
    %mul3A_100 = arith.constant 1.500000e+00 : f32
    %mul3A_101 = vector.broadcast %mul3A_100 : f32 to vector<64x128xf32>
    %mul3A_102 = arith.mulf %mul3A_101, %sub3A_99 : vector<64x128xf32>
    %exp23A_103 = math.exp2 %mul3A_102 : vector<64x128xf32>
    %mul3A_104 = arith.mulf %exp23A_103, %div3A_98 : vector<64x128xf32>
    %mul3A_105 = arith.mulf %convert_element_type3A_76, %mul3A_104 : vector<64x128xf32>
    %add3A_106 = arith.addf %add3A_67, %mul3A_105 : vector<64x128xf32>
    %add3A_107 = arith.addf %add3A_68, %mul3A_104 : vector<64x128xf32>
    %add3A_108 = arith.addf %add3A_69, %convert_element_type3A_76 : vector<64x128xf32>
    %get3A_109 = arith.constant 192 : index
    %get3A_110 = arith.constant 0 : index
    %get3A_111 = vector.load %arg1[%get3A_109, %get3A_110] : memref<5632x128xf32, #tpu.memory_space<vmem>>, vector<64x128xf32>
    %get3A_112 = arith.constant 192 : index
    %get3A_113 = arith.constant 0 : index
    %get3A_114 = vector.load %arg2[%get3A_112, %get3A_113] : memref<5632x128xi32, #tpu.memory_space<vmem>>, vector<64x128xi32>
    %convert_element_type3A_115 = arith.sitofp %get3A_114 : vector<64x128xi32> to vector<64x128xf32>
    %mul3A_116 = arith.constant 2.000000e+00 : f32
    %mul3A_117 = vector.broadcast %mul3A_116 : f32 to vector<64x128xf32>
    %mul3A_118 = arith.mulf %mul3A_117, %convert_element_type3A_115 : vector<64x128xf32>
    %sub3A_119 = arith.constant 1.000000e+00 : f32
    %sub3A_120 = vector.broadcast %sub3A_119 : f32 to vector<64x128xf32>
    %sub3A_121 = arith.subf %mul3A_118, %sub3A_120 : vector<64x128xf32>
    %mul3A_122 = arith.mulf %get3A_111, %sub3A_121 : vector<64x128xf32>
    %mul3A_123 = arith.constant -1.44269502 : f32
    %mul3A_124 = vector.broadcast %mul3A_123 : f32 to vector<64x128xf32>
    %mul3A_125 = arith.mulf %mul3A_122, %mul3A_124 : vector<64x128xf32>
    %min3A_126 = arith.constant 1.260000e+02 : f32
    %min3A_127 = vector.broadcast %min3A_126 : f32 to vector<64x128xf32>
    %min3A_128 = arith.minimumf %mul3A_125, %min3A_127 : vector<64x128xf32>
    %exp23A_129 = math.exp2 %min3A_128 : vector<64x128xf32>
    %add3A_130 = arith.constant 1.000000e+00 : f32
    %add3A_131 = vector.broadcast %add3A_130 : f32 to vector<64x128xf32>
    %add3A_132 = arith.addf %add3A_131, %exp23A_129 : vector<64x128xf32>
    %log3A_133 = math.log %add3A_132 : vector<64x128xf32>
    %log3A_134 = arith.constant 2.000000e+00 : f32
    %log3A_135 = math.log %log3A_134 : f32
    %div3A_136 = vector.broadcast %log3A_135 : f32 to vector<64x128xf32>
    %div3A_137 = arith.divf %log3A_133, %div3A_136 : vector<64x128xf32>
    %sub3A_138 = arith.subf %min3A_128, %div3A_137 : vector<64x128xf32>
    %mul3A_139 = arith.constant 1.500000e+00 : f32
    %mul3A_140 = vector.broadcast %mul3A_139 : f32 to vector<64x128xf32>
    %mul3A_141 = arith.mulf %mul3A_140, %sub3A_138 : vector<64x128xf32>
    %exp23A_142 = math.exp2 %mul3A_141 : vector<64x128xf32>
    %mul3A_143 = arith.mulf %exp23A_142, %div3A_137 : vector<64x128xf32>
    %mul3A_144 = arith.mulf %convert_element_type3A_115, %mul3A_143 : vector<64x128xf32>
    %add3A_145 = arith.addf %add3A_106, %mul3A_144 : vector<64x128xf32>
    %add3A_146 = arith.addf %add3A_107, %mul3A_143 : vector<64x128xf32>
    %add3A_147 = arith.addf %add3A_108, %convert_element_type3A_115 : vector<64x128xf32>
    %get3A_148 = arith.constant 256 : index
    %get3A_149 = arith.constant 0 : index
    %get3A_150 = vector.load %arg1[%get3A_148, %get3A_149] : memref<5632x128xf32, #tpu.memory_space<vmem>>, vector<64x128xf32>
    %get3A_151 = arith.constant 256 : index
    %get3A_152 = arith.constant 0 : index
    %get3A_153 = vector.load %arg2[%get3A_151, %get3A_152] : memref<5632x128xi32, #tpu.memory_space<vmem>>, vector<64x128xi32>
    %convert_element_type3A_154 = arith.sitofp %get3A_153 : vector<64x128xi32> to vector<64x128xf32>
    %mul3A_155 = arith.constant 2.000000e+00 : f32
    %mul3A_156 = vector.broadcast %mul3A_155 : f32 to vector<64x128xf32>
    %mul3A_157 = arith.mulf %mul3A_156, %convert_element_type3A_154 : vector<64x128xf32>
    %sub3A_158 = arith.constant 1.000000e+00 : f32
    %sub3A_159 = vector.broadcast %sub3A_158 : f32 to vector<64x128xf32>
    %sub3A_160 = arith.subf %mul3A_157, %sub3A_159 : vector<64x128xf32>
    %mul3A_161 = arith.mulf %get3A_150, %sub3A_160 : vector<64x128xf32>
    %mul3A_162 = arith.constant -1.44269502 : f32
    %mul3A_163 = vector.broadcast %mul3A_162 : f32 to vector<64x128xf32>
    %mul3A_164 = arith.mulf %mul3A_161, %mul3A_163 : vector<64x128xf32>
    %min3A_165 = arith.constant 1.260000e+02 : f32
    %min3A_166 = vector.broadcast %min3A_165 : f32 to vector<64x128xf32>
    %min3A_167 = arith.minimumf %mul3A_164, %min3A_166 : vector<64x128xf32>
    %exp23A_168 = math.exp2 %min3A_167 : vector<64x128xf32>
    %add3A_169 = arith.constant 1.000000e+00 : f32
    %add3A_170 = vector.broadcast %add3A_169 : f32 to vector<64x128xf32>
    %add3A_171 = arith.addf %add3A_170, %exp23A_168 : vector<64x128xf32>
    %log3A_172 = math.log %add3A_171 : vector<64x128xf32>
    %log3A_173 = arith.constant 2.000000e+00 : f32
    %log3A_174 = math.log %log3A_173 : f32
    %div3A_175 = vector.broadcast %log3A_174 : f32 to vector<64x128xf32>
    %div3A_176 = arith.divf %log3A_172, %div3A_175 : vector<64x128xf32>
    %sub3A_177 = arith.subf %min3A_167, %div3A_176 : vector<64x128xf32>
    %mul3A_178 = arith.constant 1.500000e+00 : f32
    %mul3A_179 = vector.broadcast %mul3A_178 : f32 to vector<64x128xf32>
    %mul3A_180 = arith.mulf %mul3A_179, %sub3A_177 : vector<64x128xf32>
    %exp23A_181 = math.exp2 %mul3A_180 : vector<64x128xf32>
    %mul3A_182 = arith.mulf %exp23A_181, %div3A_176 : vector<64x128xf32>
    %mul3A_183 = arith.mulf %convert_element_type3A_154, %mul3A_182 : vector<64x128xf32>
    %add3A_184 = arith.addf %add3A_145, %mul3A_183 : vector<64x128xf32>
    %add3A_185 = arith.addf %add3A_146, %mul3A_182 : vector<64x128xf32>
    %add3A_186 = arith.addf %add3A_147, %convert_element_type3A_154 : vector<64x128xf32>
    %get3A_187 = arith.constant 320 : index
    %get3A_188 = arith.constant 0 : index
    %get3A_189 = vector.load %arg1[%get3A_187, %get3A_188] : memref<5632x128xf32, #tpu.memory_space<vmem>>, vector<64x128xf32>
    %get3A_190 = arith.constant 320 : index
    %get3A_191 = arith.constant 0 : index
    %get3A_192 = vector.load %arg2[%get3A_190, %get3A_191] : memref<5632x128xi32, #tpu.memory_space<vmem>>, vector<64x128xi32>
    %convert_element_type3A_193 = arith.sitofp %get3A_192 : vector<64x128xi32> to vector<64x128xf32>
    %mul3A_194 = arith.constant 2.000000e+00 : f32
    %mul3A_195 = vector.broadcast %mul3A_194 : f32 to vector<64x128xf32>
    %mul3A_196 = arith.mulf %mul3A_195, %convert_element_type3A_193 : vector<64x128xf32>
    %sub3A_197 = arith.constant 1.000000e+00 : f32
    %sub3A_198 = vector.broadcast %sub3A_197 : f32 to vector<64x128xf32>
    %sub3A_199 = arith.subf %mul3A_196, %sub3A_198 : vector<64x128xf32>
    %mul3A_200 = arith.mulf %get3A_189, %sub3A_199 : vector<64x128xf32>
    %mul3A_201 = arith.constant -1.44269502 : f32
    %mul3A_202 = vector.broadcast %mul3A_201 : f32 to vector<64x128xf32>
    %mul3A_203 = arith.mulf %mul3A_200, %mul3A_202 : vector<64x128xf32>
    %min3A_204 = arith.constant 1.260000e+02 : f32
    %min3A_205 = vector.broadcast %min3A_204 : f32 to vector<64x128xf32>
    %min3A_206 = arith.minimumf %mul3A_203, %min3A_205 : vector<64x128xf32>
    %exp23A_207 = math.exp2 %min3A_206 : vector<64x128xf32>
    %add3A_208 = arith.constant 1.000000e+00 : f32
    %add3A_209 = vector.broadcast %add3A_208 : f32 to vector<64x128xf32>
    %add3A_210 = arith.addf %add3A_209, %exp23A_207 : vector<64x128xf32>
    %log3A_211 = math.log %add3A_210 : vector<64x128xf32>
    %log3A_212 = arith.constant 2.000000e+00 : f32
    %log3A_213 = math.log %log3A_212 : f32
    %div3A_214 = vector.broadcast %log3A_213 : f32 to vector<64x128xf32>
    %div3A_215 = arith.divf %log3A_211, %div3A_214 : vector<64x128xf32>
    %sub3A_216 = arith.subf %min3A_206, %div3A_215 : vector<64x128xf32>
    %mul3A_217 = arith.constant 1.500000e+00 : f32
    %mul3A_218 = vector.broadcast %mul3A_217 : f32 to vector<64x128xf32>
    %mul3A_219 = arith.mulf %mul3A_218, %sub3A_216 : vector<64x128xf32>
    %exp23A_220 = math.exp2 %mul3A_219 : vector<64x128xf32>
    %mul3A_221 = arith.mulf %exp23A_220, %div3A_215 : vector<64x128xf32>
    %mul3A_222 = arith.mulf %convert_element_type3A_193, %mul3A_221 : vector<64x128xf32>
    %add3A_223 = arith.addf %add3A_184, %mul3A_222 : vector<64x128xf32>
    %add3A_224 = arith.addf %add3A_185, %mul3A_221 : vector<64x128xf32>
    %add3A_225 = arith.addf %add3A_186, %convert_element_type3A_193 : vector<64x128xf32>
    %get3A_226 = arith.constant 384 : index
    %get3A_227 = arith.constant 0 : index
    %get3A_228 = vector.load %arg1[%get3A_226, %get3A_227] : memref<5632x128xf32, #tpu.memory_space<vmem>>, vector<64x128xf32>
    %get3A_229 = arith.constant 384 : index
    %get3A_230 = arith.constant 0 : index
    %get3A_231 = vector.load %arg2[%get3A_229, %get3A_230] : memref<5632x128xi32, #tpu.memory_space<vmem>>, vector<64x128xi32>
    %convert_element_type3A_232 = arith.sitofp %get3A_231 : vector<64x128xi32> to vector<64x128xf32>
    %mul3A_233 = arith.constant 2.000000e+00 : f32
    %mul3A_234 = vector.broadcast %mul3A_233 : f32 to vector<64x128xf32>
    %mul3A_235 = arith.mulf %mul3A_234, %convert_element_type3A_232 : vector<64x128xf32>
    %sub3A_236 = arith.constant 1.000000e+00 : f32
    %sub3A_237 = vector.broadcast %sub3A_236 : f32 to vector<64x128xf32>
    %sub3A_238 = arith.subf %mul3A_235, %sub3A_237 : vector<64x128xf32>
    %mul3A_239 = arith.mulf %get3A_228, %sub3A_238 : vector<64x128xf32>
    %mul3A_240 = arith.constant -1.44269502 : f32
    %mul3A_241 = vector.broadcast %mul3A_240 : f32 to vector<64x128xf32>
    %mul3A_242 = arith.mulf %mul3A_239, %mul3A_241 : vector<64x128xf32>
    %min3A_243 = arith.constant 1.260000e+02 : f32
    %min3A_244 = vector.broadcast %min3A_243 : f32 to vector<64x128xf32>
    %min3A_245 = arith.minimumf %mul3A_242, %min3A_244 : vector<64x128xf32>
    %exp23A_246 = math.exp2 %min3A_245 : vector<64x128xf32>
    %add3A_247 = arith.constant 1.000000e+00 : f32
    %add3A_248 = vector.broadcast %add3A_247 : f32 to vector<64x128xf32>
    %add3A_249 = arith.addf %add3A_248, %exp23A_246 : vector<64x128xf32>
    %log3A_250 = math.log %add3A_249 : vector<64x128xf32>
    %log3A_251 = arith.constant 2.000000e+00 : f32
    %log3A_252 = math.log %log3A_251 : f32
    %div3A_253 = vector.broadcast %log3A_252 : f32 to vector<64x128xf32>
    %div3A_254 = arith.divf %log3A_250, %div3A_253 : vector<64x128xf32>
    %sub3A_255 = arith.subf %min3A_245, %div3A_254 : vector<64x128xf32>
    %mul3A_256 = arith.constant 1.500000e+00 : f32
    %mul3A_257 = vector.broadcast %mul3A_256 : f32 to vector<64x128xf32>
    %mul3A_258 = arith.mulf %mul3A_257, %sub3A_255 : vector<64x128xf32>
    %exp23A_259 = math.exp2 %mul3A_258 : vector<64x128xf32>
    %mul3A_260 = arith.mulf %exp23A_259, %div3A_254 : vector<64x128xf32>
    %mul3A_261 = arith.mulf %convert_element_type3A_232, %mul3A_260 : vector<64x128xf32>
    %add3A_262 = arith.addf %add3A_223, %mul3A_261 : vector<64x128xf32>
    %add3A_263 = arith.addf %add3A_224, %mul3A_260 : vector<64x128xf32>
    %add3A_264 = arith.addf %add3A_225, %convert_element_type3A_232 : vector<64x128xf32>
    %get3A_265 = arith.constant 448 : index
    %get3A_266 = arith.constant 0 : index
    %get3A_267 = vector.load %arg1[%get3A_265, %get3A_266] : memref<5632x128xf32, #tpu.memory_space<vmem>>, vector<64x128xf32>
    %get3A_268 = arith.constant 448 : index
    %get3A_269 = arith.constant 0 : index
    %get3A_270 = vector.load %arg2[%get3A_268, %get3A_269] : memref<5632x128xi32, #tpu.memory_space<vmem>>, vector<64x128xi32>
    %convert_element_type3A_271 = arith.sitofp %get3A_270 : vector<64x128xi32> to vector<64x128xf32>
    %mul3A_272 = arith.constant 2.000000e+00 : f32
    %mul3A_273 = vector.broadcast %mul3A_272 : f32 to vector<64x128xf32>
    %mul3A_274 = arith.mulf %mul3A_273, %convert_element_type3A_271 : vector<64x128xf32>
    %sub3A_275 = arith.constant 1.000000e+00 : f32
    %sub3A_276 = vector.broadcast %sub3A_275 : f32 to vector<64x128xf32>
    %sub3A_277 = arith.subf %mul3A_274, %sub3A_276 : vector<64x128xf32>
    %mul3A_278 = arith.mulf %get3A_267, %sub3A_277 : vector<64x128xf32>
    %mul3A_279 = arith.constant -1.44269502 : f32
    %mul3A_280 = vector.broadcast %mul3A_279 : f32 to vector<64x128xf32>
    %mul3A_281 = arith.mulf %mul3A_278, %mul3A_280 : vector<64x128xf32>
    %min3A_282 = arith.constant 1.260000e+02 : f32
    %min3A_283 = vector.broadcast %min3A_282 : f32 to vector<64x128xf32>
    %min3A_284 = arith.minimumf %mul3A_281, %min3A_283 : vector<64x128xf32>
    %exp23A_285 = math.exp2 %min3A_284 : vector<64x128xf32>
    %add3A_286 = arith.constant 1.000000e+00 : f32
    %add3A_287 = vector.broadcast %add3A_286 : f32 to vector<64x128xf32>
    %add3A_288 = arith.addf %add3A_287, %exp23A_285 : vector<64x128xf32>
    %log3A_289 = math.log %add3A_288 : vector<64x128xf32>
    %log3A_290 = arith.constant 2.000000e+00 : f32
    %log3A_291 = math.log %log3A_290 : f32
    %div3A_292 = vector.broadcast %log3A_291 : f32 to vector<64x128xf32>
    %div3A_293 = arith.divf %log3A_289, %div3A_292 : vector<64x128xf32>
    %sub3A_294 = arith.subf %min3A_284, %div3A_293 : vector<64x128xf32>
    %mul3A_295 = arith.constant 1.500000e+00 : f32
    %mul3A_296 = vector.broadcast %mul3A_295 : f32 to vector<64x128xf32>
    %mul3A_297 = arith.mulf %mul3A_296, %sub3A_294 : vector<64x128xf32>
    %exp23A_298 = math.exp2 %mul3A_297 : vector<64x128xf32>
    %mul3A_299 = arith.mulf %exp23A_298, %div3A_293 : vector<64x128xf32>
    %mul3A_300 = arith.mulf %convert_element_type3A_271, %mul3A_299 : vector<64x128xf32>
    %add3A_301 = arith.addf %add3A_262, %mul3A_300 : vector<64x128xf32>
    %add3A_302 = arith.addf %add3A_263, %mul3A_299 : vector<64x128xf32>
    %add3A_303 = arith.addf %add3A_264, %convert_element_type3A_271 : vector<64x128xf32>
    %get3A_304 = arith.constant 512 : index
    %get3A_305 = arith.constant 0 : index
    %get3A_306 = vector.load %arg1[%get3A_304, %get3A_305] : memref<5632x128xf32, #tpu.memory_space<vmem>>, vector<64x128xf32>
    %get3A_307 = arith.constant 512 : index
    %get3A_308 = arith.constant 0 : index
    %get3A_309 = vector.load %arg2[%get3A_307, %get3A_308] : memref<5632x128xi32, #tpu.memory_space<vmem>>, vector<64x128xi32>
    %convert_element_type3A_310 = arith.sitofp %get3A_309 : vector<64x128xi32> to vector<64x128xf32>
    %mul3A_311 = arith.constant 2.000000e+00 : f32
    %mul3A_312 = vector.broadcast %mul3A_311 : f32 to vector<64x128xf32>
    %mul3A_313 = arith.mulf %mul3A_312, %convert_element_type3A_310 : vector<64x128xf32>
    %sub3A_314 = arith.constant 1.000000e+00 : f32
    %sub3A_315 = vector.broadcast %sub3A_314 : f32 to vector<64x128xf32>
    %sub3A_316 = arith.subf %mul3A_313, %sub3A_315 : vector<64x128xf32>
    %mul3A_317 = arith.mulf %get3A_306, %sub3A_316 : vector<64x128xf32>
    %mul3A_318 = arith.constant -1.44269502 : f32
    %mul3A_319 = vector.broadcast %mul3A_318 : f32 to vector<64x128xf32>
    %mul3A_320 = arith.mulf %mul3A_317, %mul3A_319 : vector<64x128xf32>
    %min3A_321 = arith.constant 1.260000e+02 : f32
    %min3A_322 = vector.broadcast %min3A_321 : f32 to vector<64x128xf32>
    %min3A_323 = arith.minimumf %mul3A_320, %min3A_322 : vector<64x128xf32>
    %exp23A_324 = math.exp2 %min3A_323 : vector<64x128xf32>
    %add3A_325 = arith.constant 1.000000e+00 : f32
    %add3A_326 = vector.broadcast %add3A_325 : f32 to vector<64x128xf32>
    %add3A_327 = arith.addf %add3A_326, %exp23A_324 : vector<64x128xf32>
    %log3A_328 = math.log %add3A_327 : vector<64x128xf32>
    %log3A_329 = arith.constant 2.000000e+00 : f32
    %log3A_330 = math.log %log3A_329 : f32
    %div3A_331 = vector.broadcast %log3A_330 : f32 to vector<64x128xf32>
    %div3A_332 = arith.divf %log3A_328, %div3A_331 : vector<64x128xf32>
    %sub3A_333 = arith.subf %min3A_323, %div3A_332 : vector<64x128xf32>
    %mul3A_334 = arith.constant 1.500000e+00 : f32
    %mul3A_335 = vector.broadcast %mul3A_334 : f32 to vector<64x128xf32>
    %mul3A_336 = arith.mulf %mul3A_335, %sub3A_333 : vector<64x128xf32>
    %exp23A_337 = math.exp2 %mul3A_336 : vector<64x128xf32>
    %mul3A_338 = arith.mulf %exp23A_337, %div3A_332 : vector<64x128xf32>
    %mul3A_339 = arith.mulf %convert_element_type3A_310, %mul3A_338 : vector<64x128xf32>
    %add3A_340 = arith.addf %add3A_301, %mul3A_339 : vector<64x128xf32>
    %add3A_341 = arith.addf %add3A_302, %mul3A_338 : vector<64x128xf32>
    %add3A_342 = arith.addf %add3A_303, %convert_element_type3A_310 : vector<64x128xf32>
    %get3A_343 = arith.constant 576 : index
    %get3A_344 = arith.constant 0 : index
    %get3A_345 = vector.load %arg1[%get3A_343, %get3A_344] : memref<5632x128xf32, #tpu.memory_space<vmem>>, vector<64x128xf32>
    %get3A_346 = arith.constant 576 : index
    %get3A_347 = arith.constant 0 : index
    %get3A_348 = vector.load %arg2[%get3A_346, %get3A_347] : memref<5632x128xi32, #tpu.memory_space<vmem>>, vector<64x128xi32>
    %convert_element_type3A_349 = arith.sitofp %get3A_348 : vector<64x128xi32> to vector<64x128xf32>
    %mul3A_350 = arith.constant 2.000000e+00 : f32
    %mul3A_351 = vector.broadcast %mul3A_350 : f32 to vector<64x128xf32>
    %mul3A_352 = arith.mulf %mul3A_351, %convert_element_type3A_349 : vector<64x128xf32>
    %sub3A_353 = arith.constant 1.000000e+00 : f32
    %sub3A_354 = vector.broadcast %sub3A_353 : f32 to vector<64x128xf32>
    %sub3A_355 = arith.subf %mul3A_352, %sub3A_354 : vector<64x128xf32>
    %mul3A_356 = arith.mulf %get3A_345, %sub3A_355 : vector<64x128xf32>
    %mul3A_357 = arith.constant -1.44269502 : f32
    %mul3A_358 = vector.broadcast %mul3A_357 : f32 to vector<64x128xf32>
    %mul3A_359 = arith.mulf %mul3A_356, %mul3A_358 : vector<64x128xf32>
    %min3A_360 = arith.constant 1.260000e+02 : f32
    %min3A_361 = vector.broadcast %min3A_360 : f32 to vector<64x128xf32>
    %min3A_362 = arith.minimumf %mul3A_359, %min3A_361 : vector<64x128xf32>
    %exp23A_363 = math.exp2 %min3A_362 : vector<64x128xf32>
    %add3A_364 = arith.constant 1.000000e+00 : f32
    %add3A_365 = vector.broadcast %add3A_364 : f32 to vector<64x128xf32>
    %add3A_366 = arith.addf %add3A_365, %exp23A_363 : vector<64x128xf32>
    %log3A_367 = math.log %add3A_366 : vector<64x128xf32>
    %log3A_368 = arith.constant 2.000000e+00 : f32
    %log3A_369 = math.log %log3A_368 : f32
    %div3A_370 = vector.broadcast %log3A_369 : f32 to vector<64x128xf32>
    %div3A_371 = arith.divf %log3A_367, %div3A_370 : vector<64x128xf32>
    %sub3A_372 = arith.subf %min3A_362, %div3A_371 : vector<64x128xf32>
    %mul3A_373 = arith.constant 1.500000e+00 : f32
    %mul3A_374 = vector.broadcast %mul3A_373 : f32 to vector<64x128xf32>
    %mul3A_375 = arith.mulf %mul3A_374, %sub3A_372 : vector<64x128xf32>
    %exp23A_376 = math.exp2 %mul3A_375 : vector<64x128xf32>
    %mul3A_377 = arith.mulf %exp23A_376, %div3A_371 : vector<64x128xf32>
    %mul3A_378 = arith.mulf %convert_element_type3A_349, %mul3A_377 : vector<64x128xf32>
    %add3A_379 = arith.addf %add3A_340, %mul3A_378 : vector<64x128xf32>
    %add3A_380 = arith.addf %add3A_341, %mul3A_377 : vector<64x128xf32>
    %add3A_381 = arith.addf %add3A_342, %convert_element_type3A_349 : vector<64x128xf32>
    %get3A_382 = arith.constant 640 : index
    %get3A_383 = arith.constant 0 : index
    %get3A_384 = vector.load %arg1[%get3A_382, %get3A_383] : memref<5632x128xf32, #tpu.memory_space<vmem>>, vector<64x128xf32>
    %get3A_385 = arith.constant 640 : index
    %get3A_386 = arith.constant 0 : index
    %get3A_387 = vector.load %arg2[%get3A_385, %get3A_386] : memref<5632x128xi32, #tpu.memory_space<vmem>>, vector<64x128xi32>
    %convert_element_type3A_388 = arith.sitofp %get3A_387 : vector<64x128xi32> to vector<64x128xf32>
    %mul3A_389 = arith.constant 2.000000e+00 : f32
    %mul3A_390 = vector.broadcast %mul3A_389 : f32 to vector<64x128xf32>
    %mul3A_391 = arith.mulf %mul3A_390, %convert_element_type3A_388 : vector<64x128xf32>
    %sub3A_392 = arith.constant 1.000000e+00 : f32
    %sub3A_393 = vector.broadcast %sub3A_392 : f32 to vector<64x128xf32>
    %sub3A_394 = arith.subf %mul3A_391, %sub3A_393 : vector<64x128xf32>
    %mul3A_395 = arith.mulf %get3A_384, %sub3A_394 : vector<64x128xf32>
    %mul3A_396 = arith.constant -1.44269502 : f32
    %mul3A_397 = vector.broadcast %mul3A_396 : f32 to vector<64x128xf32>
    %mul3A_398 = arith.mulf %mul3A_395, %mul3A_397 : vector<64x128xf32>
    %min3A_399 = arith.constant 1.260000e+02 : f32
    %min3A_400 = vector.broadcast %min3A_399 : f32 to vector<64x128xf32>
    %min3A_401 = arith.minimumf %mul3A_398, %min3A_400 : vector<64x128xf32>
    %exp23A_402 = math.exp2 %min3A_401 : vector<64x128xf32>
    %add3A_403 = arith.constant 1.000000e+00 : f32
    %add3A_404 = vector.broadcast %add3A_403 : f32 to vector<64x128xf32>
    %add3A_405 = arith.addf %add3A_404, %exp23A_402 : vector<64x128xf32>
    %log3A_406 = math.log %add3A_405 : vector<64x128xf32>
    %log3A_407 = arith.constant 2.000000e+00 : f32
    %log3A_408 = math.log %log3A_407 : f32
    %div3A_409 = vector.broadcast %log3A_408 : f32 to vector<64x128xf32>
    %div3A_410 = arith.divf %log3A_406, %div3A_409 : vector<64x128xf32>
    %sub3A_411 = arith.subf %min3A_401, %div3A_410 : vector<64x128xf32>
    %mul3A_412 = arith.constant 1.500000e+00 : f32
    %mul3A_413 = vector.broadcast %mul3A_412 : f32 to vector<64x128xf32>
    %mul3A_414 = arith.mulf %mul3A_413, %sub3A_411 : vector<64x128xf32>
    %exp23A_415 = math.exp2 %mul3A_414 : vector<64x128xf32>
    %mul3A_416 = arith.mulf %exp23A_415, %div3A_410 : vector<64x128xf32>
    %mul3A_417 = arith.mulf %convert_element_type3A_388, %mul3A_416 : vector<64x128xf32>
    %add3A_418 = arith.addf %add3A_379, %mul3A_417 : vector<64x128xf32>
    %add3A_419 = arith.addf %add3A_380, %mul3A_416 : vector<64x128xf32>
    %add3A_420 = arith.addf %add3A_381, %convert_element_type3A_388 : vector<64x128xf32>
    %get3A_421 = arith.constant 704 : index
    %get3A_422 = arith.constant 0 : index
    %get3A_423 = vector.load %arg1[%get3A_421, %get3A_422] : memref<5632x128xf32, #tpu.memory_space<vmem>>, vector<64x128xf32>
    %get3A_424 = arith.constant 704 : index
    %get3A_425 = arith.constant 0 : index
    %get3A_426 = vector.load %arg2[%get3A_424, %get3A_425] : memref<5632x128xi32, #tpu.memory_space<vmem>>, vector<64x128xi32>
    %convert_element_type3A_427 = arith.sitofp %get3A_426 : vector<64x128xi32> to vector<64x128xf32>
    %mul3A_428 = arith.constant 2.000000e+00 : f32
    %mul3A_429 = vector.broadcast %mul3A_428 : f32 to vector<64x128xf32>
    %mul3A_430 = arith.mulf %mul3A_429, %convert_element_type3A_427 : vector<64x128xf32>
    %sub3A_431 = arith.constant 1.000000e+00 : f32
    %sub3A_432 = vector.broadcast %sub3A_431 : f32 to vector<64x128xf32>
    %sub3A_433 = arith.subf %mul3A_430, %sub3A_432 : vector<64x128xf32>
    %mul3A_434 = arith.mulf %get3A_423, %sub3A_433 : vector<64x128xf32>
    %mul3A_435 = arith.constant -1.44269502 : f32
    %mul3A_436 = vector.broadcast %mul3A_435 : f32 to vector<64x128xf32>
    %mul3A_437 = arith.mulf %mul3A_434, %mul3A_436 : vector<64x128xf32>
    %min3A_438 = arith.constant 1.260000e+02 : f32
    %min3A_439 = vector.broadcast %min3A_438 : f32 to vector<64x128xf32>
    %min3A_440 = arith.minimumf %mul3A_437, %min3A_439 : vector<64x128xf32>
    %exp23A_441 = math.exp2 %min3A_440 : vector<64x128xf32>
    %add3A_442 = arith.constant 1.000000e+00 : f32
    %add3A_443 = vector.broadcast %add3A_442 : f32 to vector<64x128xf32>
    %add3A_444 = arith.addf %add3A_443, %exp23A_441 : vector<64x128xf32>
    %log3A_445 = math.log %add3A_444 : vector<64x128xf32>
    %log3A_446 = arith.constant 2.000000e+00 : f32
    %log3A_447 = math.log %log3A_446 : f32
    %div3A_448 = vector.broadcast %log3A_447 : f32 to vector<64x128xf32>
    %div3A_449 = arith.divf %log3A_445, %div3A_448 : vector<64x128xf32>
    %sub3A_450 = arith.subf %min3A_440, %div3A_449 : vector<64x128xf32>
    %mul3A_451 = arith.constant 1.500000e+00 : f32
    %mul3A_452 = vector.broadcast %mul3A_451 : f32 to vector<64x128xf32>
    %mul3A_453 = arith.mulf %mul3A_452, %sub3A_450 : vector<64x128xf32>
    %exp23A_454 = math.exp2 %mul3A_453 : vector<64x128xf32>
    %mul3A_455 = arith.mulf %exp23A_454, %div3A_449 : vector<64x128xf32>
    %mul3A_456 = arith.mulf %convert_element_type3A_427, %mul3A_455 : vector<64x128xf32>
    %add3A_457 = arith.addf %add3A_418, %mul3A_456 : vector<64x128xf32>
    %add3A_458 = arith.addf %add3A_419, %mul3A_455 : vector<64x128xf32>
    %add3A_459 = arith.addf %add3A_420, %convert_element_type3A_427 : vector<64x128xf32>
    %get3A_460 = arith.constant 768 : index
    %get3A_461 = arith.constant 0 : index
    %get3A_462 = vector.load %arg1[%get3A_460, %get3A_461] : memref<5632x128xf32, #tpu.memory_space<vmem>>, vector<64x128xf32>
    %get3A_463 = arith.constant 768 : index
    %get3A_464 = arith.constant 0 : index
    %get3A_465 = vector.load %arg2[%get3A_463, %get3A_464] : memref<5632x128xi32, #tpu.memory_space<vmem>>, vector<64x128xi32>
    %convert_element_type3A_466 = arith.sitofp %get3A_465 : vector<64x128xi32> to vector<64x128xf32>
    %mul3A_467 = arith.constant 2.000000e+00 : f32
    %mul3A_468 = vector.broadcast %mul3A_467 : f32 to vector<64x128xf32>
    %mul3A_469 = arith.mulf %mul3A_468, %convert_element_type3A_466 : vector<64x128xf32>
    %sub3A_470 = arith.constant 1.000000e+00 : f32
    %sub3A_471 = vector.broadcast %sub3A_470 : f32 to vector<64x128xf32>
    %sub3A_472 = arith.subf %mul3A_469, %sub3A_471 : vector<64x128xf32>
    %mul3A_473 = arith.mulf %get3A_462, %sub3A_472 : vector<64x128xf32>
    %mul3A_474 = arith.constant -1.44269502 : f32
    %mul3A_475 = vector.broadcast %mul3A_474 : f32 to vector<64x128xf32>
    %mul3A_476 = arith.mulf %mul3A_473, %mul3A_475 : vector<64x128xf32>
    %min3A_477 = arith.constant 1.260000e+02 : f32
    %min3A_478 = vector.broadcast %min3A_477 : f32 to vector<64x128xf32>
    %min3A_479 = arith.minimumf %mul3A_476, %min3A_478 : vector<64x128xf32>
    %exp23A_480 = math.exp2 %min3A_479 : vector<64x128xf32>
    %add3A_481 = arith.constant 1.000000e+00 : f32
    %add3A_482 = vector.broadcast %add3A_481 : f32 to vector<64x128xf32>
    %add3A_483 = arith.addf %add3A_482, %exp23A_480 : vector<64x128xf32>
    %log3A_484 = math.log %add3A_483 : vector<64x128xf32>
    %log3A_485 = arith.constant 2.000000e+00 : f32
    %log3A_486 = math.log %log3A_485 : f32
    %div3A_487 = vector.broadcast %log3A_486 : f32 to vector<64x128xf32>
    %div3A_488 = arith.divf %log3A_484, %div3A_487 : vector<64x128xf32>
    %sub3A_489 = arith.subf %min3A_479, %div3A_488 : vector<64x128xf32>
    %mul3A_490 = arith.constant 1.500000e+00 : f32
    %mul3A_491 = vector.broadcast %mul3A_490 : f32 to vector<64x128xf32>
    %mul3A_492 = arith.mulf %mul3A_491, %sub3A_489 : vector<64x128xf32>
    %exp23A_493 = math.exp2 %mul3A_492 : vector<64x128xf32>
    %mul3A_494 = arith.mulf %exp23A_493, %div3A_488 : vector<64x128xf32>
    %mul3A_495 = arith.mulf %convert_element_type3A_466, %mul3A_494 : vector<64x128xf32>
    %add3A_496 = arith.addf %add3A_457, %mul3A_495 : vector<64x128xf32>
    %add3A_497 = arith.addf %add3A_458, %mul3A_494 : vector<64x128xf32>
    %add3A_498 = arith.addf %add3A_459, %convert_element_type3A_466 : vector<64x128xf32>
    %get3A_499 = arith.constant 832 : index
    %get3A_500 = arith.constant 0 : index
    %get3A_501 = vector.load %arg1[%get3A_499, %get3A_500] : memref<5632x128xf32, #tpu.memory_space<vmem>>, vector<64x128xf32>
    %get3A_502 = arith.constant 832 : index
    %get3A_503 = arith.constant 0 : index
    %get3A_504 = vector.load %arg2[%get3A_502, %get3A_503] : memref<5632x128xi32, #tpu.memory_space<vmem>>, vector<64x128xi32>
    %convert_element_type3A_505 = arith.sitofp %get3A_504 : vector<64x128xi32> to vector<64x128xf32>
    %mul3A_506 = arith.constant 2.000000e+00 : f32
    %mul3A_507 = vector.broadcast %mul3A_506 : f32 to vector<64x128xf32>
    %mul3A_508 = arith.mulf %mul3A_507, %convert_element_type3A_505 : vector<64x128xf32>
    %sub3A_509 = arith.constant 1.000000e+00 : f32
    %sub3A_510 = vector.broadcast %sub3A_509 : f32 to vector<64x128xf32>
    %sub3A_511 = arith.subf %mul3A_508, %sub3A_510 : vector<64x128xf32>
    %mul3A_512 = arith.mulf %get3A_501, %sub3A_511 : vector<64x128xf32>
    %mul3A_513 = arith.constant -1.44269502 : f32
    %mul3A_514 = vector.broadcast %mul3A_513 : f32 to vector<64x128xf32>
    %mul3A_515 = arith.mulf %mul3A_512, %mul3A_514 : vector<64x128xf32>
    %min3A_516 = arith.constant 1.260000e+02 : f32
    %min3A_517 = vector.broadcast %min3A_516 : f32 to vector<64x128xf32>
    %min3A_518 = arith.minimumf %mul3A_515, %min3A_517 : vector<64x128xf32>
    %exp23A_519 = math.exp2 %min3A_518 : vector<64x128xf32>
    %add3A_520 = arith.constant 1.000000e+00 : f32
    %add3A_521 = vector.broadcast %add3A_520 : f32 to vector<64x128xf32>
    %add3A_522 = arith.addf %add3A_521, %exp23A_519 : vector<64x128xf32>
    %log3A_523 = math.log %add3A_522 : vector<64x128xf32>
    %log3A_524 = arith.constant 2.000000e+00 : f32
    %log3A_525 = math.log %log3A_524 : f32
    %div3A_526 = vector.broadcast %log3A_525 : f32 to vector<64x128xf32>
    %div3A_527 = arith.divf %log3A_523, %div3A_526 : vector<64x128xf32>
    %sub3A_528 = arith.subf %min3A_518, %div3A_527 : vector<64x128xf32>
    %mul3A_529 = arith.constant 1.500000e+00 : f32
    %mul3A_530 = vector.broadcast %mul3A_529 : f32 to vector<64x128xf32>
    %mul3A_531 = arith.mulf %mul3A_530, %sub3A_528 : vector<64x128xf32>
    %exp23A_532 = math.exp2 %mul3A_531 : vector<64x128xf32>
    %mul3A_533 = arith.mulf %exp23A_532, %div3A_527 : vector<64x128xf32>
    %mul3A_534 = arith.mulf %convert_element_type3A_505, %mul3A_533 : vector<64x128xf32>
    %add3A_535 = arith.addf %add3A_496, %mul3A_534 : vector<64x128xf32>
    %add3A_536 = arith.addf %add3A_497, %mul3A_533 : vector<64x128xf32>
    %add3A_537 = arith.addf %add3A_498, %convert_element_type3A_505 : vector<64x128xf32>
    %get3A_538 = arith.constant 896 : index
    %get3A_539 = arith.constant 0 : index
    %get3A_540 = vector.load %arg1[%get3A_538, %get3A_539] : memref<5632x128xf32, #tpu.memory_space<vmem>>, vector<64x128xf32>
    %get3A_541 = arith.constant 896 : index
    %get3A_542 = arith.constant 0 : index
    %get3A_543 = vector.load %arg2[%get3A_541, %get3A_542] : memref<5632x128xi32, #tpu.memory_space<vmem>>, vector<64x128xi32>
    %convert_element_type3A_544 = arith.sitofp %get3A_543 : vector<64x128xi32> to vector<64x128xf32>
    %mul3A_545 = arith.constant 2.000000e+00 : f32
    %mul3A_546 = vector.broadcast %mul3A_545 : f32 to vector<64x128xf32>
    %mul3A_547 = arith.mulf %mul3A_546, %convert_element_type3A_544 : vector<64x128xf32>
    %sub3A_548 = arith.constant 1.000000e+00 : f32
    %sub3A_549 = vector.broadcast %sub3A_548 : f32 to vector<64x128xf32>
    %sub3A_550 = arith.subf %mul3A_547, %sub3A_549 : vector<64x128xf32>
    %mul3A_551 = arith.mulf %get3A_540, %sub3A_550 : vector<64x128xf32>
    %mul3A_552 = arith.constant -1.44269502 : f32
    %mul3A_553 = vector.broadcast %mul3A_552 : f32 to vector<64x128xf32>
    %mul3A_554 = arith.mulf %mul3A_551, %mul3A_553 : vector<64x128xf32>
    %min3A_555 = arith.constant 1.260000e+02 : f32
    %min3A_556 = vector.broadcast %min3A_555 : f32 to vector<64x128xf32>
    %min3A_557 = arith.minimumf %mul3A_554, %min3A_556 : vector<64x128xf32>
    %exp23A_558 = math.exp2 %min3A_557 : vector<64x128xf32>
    %add3A_559 = arith.constant 1.000000e+00 : f32
    %add3A_560 = vector.broadcast %add3A_559 : f32 to vector<64x128xf32>
    %add3A_561 = arith.addf %add3A_560, %exp23A_558 : vector<64x128xf32>
    %log3A_562 = math.log %add3A_561 : vector<64x128xf32>
    %log3A_563 = arith.constant 2.000000e+00 : f32
    %log3A_564 = math.log %log3A_563 : f32
    %div3A_565 = vector.broadcast %log3A_564 : f32 to vector<64x128xf32>
    %div3A_566 = arith.divf %log3A_562, %div3A_565 : vector<64x128xf32>
    %sub3A_567 = arith.subf %min3A_557, %div3A_566 : vector<64x128xf32>
    %mul3A_568 = arith.constant 1.500000e+00 : f32
    %mul3A_569 = vector.broadcast %mul3A_568 : f32 to vector<64x128xf32>
    %mul3A_570 = arith.mulf %mul3A_569, %sub3A_567 : vector<64x128xf32>
    %exp23A_571 = math.exp2 %mul3A_570 : vector<64x128xf32>
    %mul3A_572 = arith.mulf %exp23A_571, %div3A_566 : vector<64x128xf32>
    %mul3A_573 = arith.mulf %convert_element_type3A_544, %mul3A_572 : vector<64x128xf32>
    %add3A_574 = arith.addf %add3A_535, %mul3A_573 : vector<64x128xf32>
    %add3A_575 = arith.addf %add3A_536, %mul3A_572 : vector<64x128xf32>
    %add3A_576 = arith.addf %add3A_537, %convert_element_type3A_544 : vector<64x128xf32>
    %get3A_577 = arith.constant 960 : index
    %get3A_578 = arith.constant 0 : index
    %get3A_579 = vector.load %arg1[%get3A_577, %get3A_578] : memref<5632x128xf32, #tpu.memory_space<vmem>>, vector<64x128xf32>
    %get3A_580 = arith.constant 960 : index
    %get3A_581 = arith.constant 0 : index
    %get3A_582 = vector.load %arg2[%get3A_580, %get3A_581] : memref<5632x128xi32, #tpu.memory_space<vmem>>, vector<64x128xi32>
    %convert_element_type3A_583 = arith.sitofp %get3A_582 : vector<64x128xi32> to vector<64x128xf32>
    %mul3A_584 = arith.constant 2.000000e+00 : f32
    %mul3A_585 = vector.broadcast %mul3A_584 : f32 to vector<64x128xf32>
    %mul3A_586 = arith.mulf %mul3A_585, %convert_element_type3A_583 : vector<64x128xf32>
    %sub3A_587 = arith.constant 1.000000e+00 : f32
    %sub3A_588 = vector.broadcast %sub3A_587 : f32 to vector<64x128xf32>
    %sub3A_589 = arith.subf %mul3A_586, %sub3A_588 : vector<64x128xf32>
    %mul3A_590 = arith.mulf %get3A_579, %sub3A_589 : vector<64x128xf32>
    %mul3A_591 = arith.constant -1.44269502 : f32
    %mul3A_592 = vector.broadcast %mul3A_591 : f32 to vector<64x128xf32>
    %mul3A_593 = arith.mulf %mul3A_590, %mul3A_592 : vector<64x128xf32>
    %min3A_594 = arith.constant 1.260000e+02 : f32
    %min3A_595 = vector.broadcast %min3A_594 : f32 to vector<64x128xf32>
    %min3A_596 = arith.minimumf %mul3A_593, %min3A_595 : vector<64x128xf32>
    %exp23A_597 = math.exp2 %min3A_596 : vector<64x128xf32>
    %add3A_598 = arith.constant 1.000000e+00 : f32
    %add3A_599 = vector.broadcast %add3A_598 : f32 to vector<64x128xf32>
    %add3A_600 = arith.addf %add3A_599, %exp23A_597 : vector<64x128xf32>
    %log3A_601 = math.log %add3A_600 : vector<64x128xf32>
    %log3A_602 = arith.constant 2.000000e+00 : f32
    %log3A_603 = math.log %log3A_602 : f32
    %div3A_604 = vector.broadcast %log3A_603 : f32 to vector<64x128xf32>
    %div3A_605 = arith.divf %log3A_601, %div3A_604 : vector<64x128xf32>
    %sub3A_606 = arith.subf %min3A_596, %div3A_605 : vector<64x128xf32>
    %mul3A_607 = arith.constant 1.500000e+00 : f32
    %mul3A_608 = vector.broadcast %mul3A_607 : f32 to vector<64x128xf32>
    %mul3A_609 = arith.mulf %mul3A_608, %sub3A_606 : vector<64x128xf32>
    %exp23A_610 = math.exp2 %mul3A_609 : vector<64x128xf32>
    %mul3A_611 = arith.mulf %exp23A_610, %div3A_605 : vector<64x128xf32>
    %mul3A_612 = arith.mulf %convert_element_type3A_583, %mul3A_611 : vector<64x128xf32>
    %add3A_613 = arith.addf %add3A_574, %mul3A_612 : vector<64x128xf32>
    %add3A_614 = arith.addf %add3A_575, %mul3A_611 : vector<64x128xf32>
    %add3A_615 = arith.addf %add3A_576, %convert_element_type3A_583 : vector<64x128xf32>
    %get3A_616 = arith.constant 1024 : index
    %get3A_617 = arith.constant 0 : index
    %get3A_618 = vector.load %arg1[%get3A_616, %get3A_617] : memref<5632x128xf32, #tpu.memory_space<vmem>>, vector<64x128xf32>
    %get3A_619 = arith.constant 1024 : index
    %get3A_620 = arith.constant 0 : index
    %get3A_621 = vector.load %arg2[%get3A_619, %get3A_620] : memref<5632x128xi32, #tpu.memory_space<vmem>>, vector<64x128xi32>
    %convert_element_type3A_622 = arith.sitofp %get3A_621 : vector<64x128xi32> to vector<64x128xf32>
    %mul3A_623 = arith.constant 2.000000e+00 : f32
    %mul3A_624 = vector.broadcast %mul3A_623 : f32 to vector<64x128xf32>
    %mul3A_625 = arith.mulf %mul3A_624, %convert_element_type3A_622 : vector<64x128xf32>
    %sub3A_626 = arith.constant 1.000000e+00 : f32
    %sub3A_627 = vector.broadcast %sub3A_626 : f32 to vector<64x128xf32>
    %sub3A_628 = arith.subf %mul3A_625, %sub3A_627 : vector<64x128xf32>
    %mul3A_629 = arith.mulf %get3A_618, %sub3A_628 : vector<64x128xf32>
    %mul3A_630 = arith.constant -1.44269502 : f32
    %mul3A_631 = vector.broadcast %mul3A_630 : f32 to vector<64x128xf32>
    %mul3A_632 = arith.mulf %mul3A_629, %mul3A_631 : vector<64x128xf32>
    %min3A_633 = arith.constant 1.260000e+02 : f32
    %min3A_634 = vector.broadcast %min3A_633 : f32 to vector<64x128xf32>
    %min3A_635 = arith.minimumf %mul3A_632, %min3A_634 : vector<64x128xf32>
    %exp23A_636 = math.exp2 %min3A_635 : vector<64x128xf32>
    %add3A_637 = arith.constant 1.000000e+00 : f32
    %add3A_638 = vector.broadcast %add3A_637 : f32 to vector<64x128xf32>
    %add3A_639 = arith.addf %add3A_638, %exp23A_636 : vector<64x128xf32>
    %log3A_640 = math.log %add3A_639 : vector<64x128xf32>
    %log3A_641 = arith.constant 2.000000e+00 : f32
    %log3A_642 = math.log %log3A_641 : f32
    %div3A_643 = vector.broadcast %log3A_642 : f32 to vector<64x128xf32>
    %div3A_644 = arith.divf %log3A_640, %div3A_643 : vector<64x128xf32>
    %sub3A_645 = arith.subf %min3A_635, %div3A_644 : vector<64x128xf32>
    %mul3A_646 = arith.constant 1.500000e+00 : f32
    %mul3A_647 = vector.broadcast %mul3A_646 : f32 to vector<64x128xf32>
    %mul3A_648 = arith.mulf %mul3A_647, %sub3A_645 : vector<64x128xf32>
    %exp23A_649 = math.exp2 %mul3A_648 : vector<64x128xf32>
    %mul3A_650 = arith.mulf %exp23A_649, %div3A_644 : vector<64x128xf32>
    %mul3A_651 = arith.mulf %convert_element_type3A_622, %mul3A_650 : vector<64x128xf32>
    %add3A_652 = arith.addf %add3A_613, %mul3A_651 : vector<64x128xf32>
    %add3A_653 = arith.addf %add3A_614, %mul3A_650 : vector<64x128xf32>
    %add3A_654 = arith.addf %add3A_615, %convert_element_type3A_622 : vector<64x128xf32>
    %get3A_655 = arith.constant 1088 : index
    %get3A_656 = arith.constant 0 : index
    %get3A_657 = vector.load %arg1[%get3A_655, %get3A_656] : memref<5632x128xf32, #tpu.memory_space<vmem>>, vector<64x128xf32>
    %get3A_658 = arith.constant 1088 : index
    %get3A_659 = arith.constant 0 : index
    %get3A_660 = vector.load %arg2[%get3A_658, %get3A_659] : memref<5632x128xi32, #tpu.memory_space<vmem>>, vector<64x128xi32>
    %convert_element_type3A_661 = arith.sitofp %get3A_660 : vector<64x128xi32> to vector<64x128xf32>
    %mul3A_662 = arith.constant 2.000000e+00 : f32
    %mul3A_663 = vector.broadcast %mul3A_662 : f32 to vector<64x128xf32>
    %mul3A_664 = arith.mulf %mul3A_663, %convert_element_type3A_661 : vector<64x128xf32>
    %sub3A_665 = arith.constant 1.000000e+00 : f32
    %sub3A_666 = vector.broadcast %sub3A_665 : f32 to vector<64x128xf32>
    %sub3A_667 = arith.subf %mul3A_664, %sub3A_666 : vector<64x128xf32>
    %mul3A_668 = arith.mulf %get3A_657, %sub3A_667 : vector<64x128xf32>
    %mul3A_669 = arith.constant -1.44269502 : f32
    %mul3A_670 = vector.broadcast %mul3A_669 : f32 to vector<64x128xf32>
    %mul3A_671 = arith.mulf %mul3A_668, %mul3A_670 : vector<64x128xf32>
    %min3A_672 = arith.constant 1.260000e+02 : f32
    %min3A_673 = vector.broadcast %min3A_672 : f32 to vector<64x128xf32>
    %min3A_674 = arith.minimumf %mul3A_671, %min3A_673 : vector<64x128xf32>
    %exp23A_675 = math.exp2 %min3A_674 : vector<64x128xf32>
    %add3A_676 = arith.constant 1.000000e+00 : f32
    %add3A_677 = vector.broadcast %add3A_676 : f32 to vector<64x128xf32>
    %add3A_678 = arith.addf %add3A_677, %exp23A_675 : vector<64x128xf32>
    %log3A_679 = math.log %add3A_678 : vector<64x128xf32>
    %log3A_680 = arith.constant 2.000000e+00 : f32
    %log3A_681 = math.log %log3A_680 : f32
    %div3A_682 = vector.broadcast %log3A_681 : f32 to vector<64x128xf32>
    %div3A_683 = arith.divf %log3A_679, %div3A_682 : vector<64x128xf32>
    %sub3A_684 = arith.subf %min3A_674, %div3A_683 : vector<64x128xf32>
    %mul3A_685 = arith.constant 1.500000e+00 : f32
    %mul3A_686 = vector.broadcast %mul3A_685 : f32 to vector<64x128xf32>
    %mul3A_687 = arith.mulf %mul3A_686, %sub3A_684 : vector<64x128xf32>
    %exp23A_688 = math.exp2 %mul3A_687 : vector<64x128xf32>
    %mul3A_689 = arith.mulf %exp23A_688, %div3A_683 : vector<64x128xf32>
    %mul3A_690 = arith.mulf %convert_element_type3A_661, %mul3A_689 : vector<64x128xf32>
    %add3A_691 = arith.addf %add3A_652, %mul3A_690 : vector<64x128xf32>
    %add3A_692 = arith.addf %add3A_653, %mul3A_689 : vector<64x128xf32>
    %add3A_693 = arith.addf %add3A_654, %convert_element_type3A_661 : vector<64x128xf32>
    %get3A_694 = arith.constant 1152 : index
    %get3A_695 = arith.constant 0 : index
    %get3A_696 = vector.load %arg1[%get3A_694, %get3A_695] : memref<5632x128xf32, #tpu.memory_space<vmem>>, vector<64x128xf32>
    %get3A_697 = arith.constant 1152 : index
    %get3A_698 = arith.constant 0 : index
    %get3A_699 = vector.load %arg2[%get3A_697, %get3A_698] : memref<5632x128xi32, #tpu.memory_space<vmem>>, vector<64x128xi32>
    %convert_element_type3A_700 = arith.sitofp %get3A_699 : vector<64x128xi32> to vector<64x128xf32>
    %mul3A_701 = arith.constant 2.000000e+00 : f32
    %mul3A_702 = vector.broadcast %mul3A_701 : f32 to vector<64x128xf32>
    %mul3A_703 = arith.mulf %mul3A_702, %convert_element_type3A_700 : vector<64x128xf32>
    %sub3A_704 = arith.constant 1.000000e+00 : f32
    %sub3A_705 = vector.broadcast %sub3A_704 : f32 to vector<64x128xf32>
    %sub3A_706 = arith.subf %mul3A_703, %sub3A_705 : vector<64x128xf32>
    %mul3A_707 = arith.mulf %get3A_696, %sub3A_706 : vector<64x128xf32>
    %mul3A_708 = arith.constant -1.44269502 : f32
    %mul3A_709 = vector.broadcast %mul3A_708 : f32 to vector<64x128xf32>
    %mul3A_710 = arith.mulf %mul3A_707, %mul3A_709 : vector<64x128xf32>
    %min3A_711 = arith.constant 1.260000e+02 : f32
    %min3A_712 = vector.broadcast %min3A_711 : f32 to vector<64x128xf32>
    %min3A_713 = arith.minimumf %mul3A_710, %min3A_712 : vector<64x128xf32>
    %exp23A_714 = math.exp2 %min3A_713 : vector<64x128xf32>
    %add3A_715 = arith.constant 1.000000e+00 : f32
    %add3A_716 = vector.broadcast %add3A_715 : f32 to vector<64x128xf32>
    %add3A_717 = arith.addf %add3A_716, %exp23A_714 : vector<64x128xf32>
    %log3A_718 = math.log %add3A_717 : vector<64x128xf32>
    %log3A_719 = arith.constant 2.000000e+00 : f32
    %log3A_720 = math.log %log3A_719 : f32
    %div3A_721 = vector.broadcast %log3A_720 : f32 to vector<64x128xf32>
    %div3A_722 = arith.divf %log3A_718, %div3A_721 : vector<64x128xf32>
    %sub3A_723 = arith.subf %min3A_713, %div3A_722 : vector<64x128xf32>
    %mul3A_724 = arith.constant 1.500000e+00 : f32
    %mul3A_725 = vector.broadcast %mul3A_724 : f32 to vector<64x128xf32>
    %mul3A_726 = arith.mulf %mul3A_725, %sub3A_723 : vector<64x128xf32>
    %exp23A_727 = math.exp2 %mul3A_726 : vector<64x128xf32>
    %mul3A_728 = arith.mulf %exp23A_727, %div3A_722 : vector<64x128xf32>
    %mul3A_729 = arith.mulf %convert_element_type3A_700, %mul3A_728 : vector<64x128xf32>
    %add3A_730 = arith.addf %add3A_691, %mul3A_729 : vector<64x128xf32>
    %add3A_731 = arith.addf %add3A_692, %mul3A_728 : vector<64x128xf32>
    %add3A_732 = arith.addf %add3A_693, %convert_element_type3A_700 : vector<64x128xf32>
    %get3A_733 = arith.constant 1216 : index
    %get3A_734 = arith.constant 0 : index
    %get3A_735 = vector.load %arg1[%get3A_733, %get3A_734] : memref<5632x128xf32, #tpu.memory_space<vmem>>, vector<64x128xf32>
    %get3A_736 = arith.constant 1216 : index
    %get3A_737 = arith.constant 0 : index
    %get3A_738 = vector.load %arg2[%get3A_736, %get3A_737] : memref<5632x128xi32, #tpu.memory_space<vmem>>, vector<64x128xi32>
    %convert_element_type3A_739 = arith.sitofp %get3A_738 : vector<64x128xi32> to vector<64x128xf32>
    %mul3A_740 = arith.constant 2.000000e+00 : f32
    %mul3A_741 = vector.broadcast %mul3A_740 : f32 to vector<64x128xf32>
    %mul3A_742 = arith.mulf %mul3A_741, %convert_element_type3A_739 : vector<64x128xf32>
    %sub3A_743 = arith.constant 1.000000e+00 : f32
    %sub3A_744 = vector.broadcast %sub3A_743 : f32 to vector<64x128xf32>
    %sub3A_745 = arith.subf %mul3A_742, %sub3A_744 : vector<64x128xf32>
    %mul3A_746 = arith.mulf %get3A_735, %sub3A_745 : vector<64x128xf32>
    %mul3A_747 = arith.constant -1.44269502 : f32
    %mul3A_748 = vector.broadcast %mul3A_747 : f32 to vector<64x128xf32>
    %mul3A_749 = arith.mulf %mul3A_746, %mul3A_748 : vector<64x128xf32>
    %min3A_750 = arith.constant 1.260000e+02 : f32
    %min3A_751 = vector.broadcast %min3A_750 : f32 to vector<64x128xf32>
    %min3A_752 = arith.minimumf %mul3A_749, %min3A_751 : vector<64x128xf32>
    %exp23A_753 = math.exp2 %min3A_752 : vector<64x128xf32>
    %add3A_754 = arith.constant 1.000000e+00 : f32
    %add3A_755 = vector.broadcast %add3A_754 : f32 to vector<64x128xf32>
    %add3A_756 = arith.addf %add3A_755, %exp23A_753 : vector<64x128xf32>
    %log3A_757 = math.log %add3A_756 : vector<64x128xf32>
    %log3A_758 = arith.constant 2.000000e+00 : f32
    %log3A_759 = math.log %log3A_758 : f32
    %div3A_760 = vector.broadcast %log3A_759 : f32 to vector<64x128xf32>
    %div3A_761 = arith.divf %log3A_757, %div3A_760 : vector<64x128xf32>
    %sub3A_762 = arith.subf %min3A_752, %div3A_761 : vector<64x128xf32>
    %mul3A_763 = arith.constant 1.500000e+00 : f32
    %mul3A_764 = vector.broadcast %mul3A_763 : f32 to vector<64x128xf32>
    %mul3A_765 = arith.mulf %mul3A_764, %sub3A_762 : vector<64x128xf32>
    %exp23A_766 = math.exp2 %mul3A_765 : vector<64x128xf32>
    %mul3A_767 = arith.mulf %exp23A_766, %div3A_761 : vector<64x128xf32>
    %mul3A_768 = arith.mulf %convert_element_type3A_739, %mul3A_767 : vector<64x128xf32>
    %add3A_769 = arith.addf %add3A_730, %mul3A_768 : vector<64x128xf32>
    %add3A_770 = arith.addf %add3A_731, %mul3A_767 : vector<64x128xf32>
    %add3A_771 = arith.addf %add3A_732, %convert_element_type3A_739 : vector<64x128xf32>
    %get3A_772 = arith.constant 1280 : index
    %get3A_773 = arith.constant 0 : index
    %get3A_774 = vector.load %arg1[%get3A_772, %get3A_773] : memref<5632x128xf32, #tpu.memory_space<vmem>>, vector<64x128xf32>
    %get3A_775 = arith.constant 1280 : index
    %get3A_776 = arith.constant 0 : index
    %get3A_777 = vector.load %arg2[%get3A_775, %get3A_776] : memref<5632x128xi32, #tpu.memory_space<vmem>>, vector<64x128xi32>
    %convert_element_type3A_778 = arith.sitofp %get3A_777 : vector<64x128xi32> to vector<64x128xf32>
    %mul3A_779 = arith.constant 2.000000e+00 : f32
    %mul3A_780 = vector.broadcast %mul3A_779 : f32 to vector<64x128xf32>
    %mul3A_781 = arith.mulf %mul3A_780, %convert_element_type3A_778 : vector<64x128xf32>
    %sub3A_782 = arith.constant 1.000000e+00 : f32
    %sub3A_783 = vector.broadcast %sub3A_782 : f32 to vector<64x128xf32>
    %sub3A_784 = arith.subf %mul3A_781, %sub3A_783 : vector<64x128xf32>
    %mul3A_785 = arith.mulf %get3A_774, %sub3A_784 : vector<64x128xf32>
    %mul3A_786 = arith.constant -1.44269502 : f32
    %mul3A_787 = vector.broadcast %mul3A_786 : f32 to vector<64x128xf32>
    %mul3A_788 = arith.mulf %mul3A_785, %mul3A_787 : vector<64x128xf32>
    %min3A_789 = arith.constant 1.260000e+02 : f32
    %min3A_790 = vector.broadcast %min3A_789 : f32 to vector<64x128xf32>
    %min3A_791 = arith.minimumf %mul3A_788, %min3A_790 : vector<64x128xf32>
    %exp23A_792 = math.exp2 %min3A_791 : vector<64x128xf32>
    %add3A_793 = arith.constant 1.000000e+00 : f32
    %add3A_794 = vector.broadcast %add3A_793 : f32 to vector<64x128xf32>
    %add3A_795 = arith.addf %add3A_794, %exp23A_792 : vector<64x128xf32>
    %log3A_796 = math.log %add3A_795 : vector<64x128xf32>
    %log3A_797 = arith.constant 2.000000e+00 : f32
    %log3A_798 = math.log %log3A_797 : f32
    %div3A_799 = vector.broadcast %log3A_798 : f32 to vector<64x128xf32>
    %div3A_800 = arith.divf %log3A_796, %div3A_799 : vector<64x128xf32>
    %sub3A_801 = arith.subf %min3A_791, %div3A_800 : vector<64x128xf32>
    %mul3A_802 = arith.constant 1.500000e+00 : f32
    %mul3A_803 = vector.broadcast %mul3A_802 : f32 to vector<64x128xf32>
    %mul3A_804 = arith.mulf %mul3A_803, %sub3A_801 : vector<64x128xf32>
    %exp23A_805 = math.exp2 %mul3A_804 : vector<64x128xf32>
    %mul3A_806 = arith.mulf %exp23A_805, %div3A_800 : vector<64x128xf32>
    %mul3A_807 = arith.mulf %convert_element_type3A_778, %mul3A_806 : vector<64x128xf32>
    %add3A_808 = arith.addf %add3A_769, %mul3A_807 : vector<64x128xf32>
    %add3A_809 = arith.addf %add3A_770, %mul3A_806 : vector<64x128xf32>
    %add3A_810 = arith.addf %add3A_771, %convert_element_type3A_778 : vector<64x128xf32>
    %get3A_811 = arith.constant 1344 : index
    %get3A_812 = arith.constant 0 : index
    %get3A_813 = vector.load %arg1[%get3A_811, %get3A_812] : memref<5632x128xf32, #tpu.memory_space<vmem>>, vector<64x128xf32>
    %get3A_814 = arith.constant 1344 : index
    %get3A_815 = arith.constant 0 : index
    %get3A_816 = vector.load %arg2[%get3A_814, %get3A_815] : memref<5632x128xi32, #tpu.memory_space<vmem>>, vector<64x128xi32>
    %convert_element_type3A_817 = arith.sitofp %get3A_816 : vector<64x128xi32> to vector<64x128xf32>
    %mul3A_818 = arith.constant 2.000000e+00 : f32
    %mul3A_819 = vector.broadcast %mul3A_818 : f32 to vector<64x128xf32>
    %mul3A_820 = arith.mulf %mul3A_819, %convert_element_type3A_817 : vector<64x128xf32>
    %sub3A_821 = arith.constant 1.000000e+00 : f32
    %sub3A_822 = vector.broadcast %sub3A_821 : f32 to vector<64x128xf32>
    %sub3A_823 = arith.subf %mul3A_820, %sub3A_822 : vector<64x128xf32>
    %mul3A_824 = arith.mulf %get3A_813, %sub3A_823 : vector<64x128xf32>
    %mul3A_825 = arith.constant -1.44269502 : f32
    %mul3A_826 = vector.broadcast %mul3A_825 : f32 to vector<64x128xf32>
    %mul3A_827 = arith.mulf %mul3A_824, %mul3A_826 : vector<64x128xf32>
    %min3A_828 = arith.constant 1.260000e+02 : f32
    %min3A_829 = vector.broadcast %min3A_828 : f32 to vector<64x128xf32>
    %min3A_830 = arith.minimumf %mul3A_827, %min3A_829 : vector<64x128xf32>
    %exp23A_831 = math.exp2 %min3A_830 : vector<64x128xf32>
    %add3A_832 = arith.constant 1.000000e+00 : f32
    %add3A_833 = vector.broadcast %add3A_832 : f32 to vector<64x128xf32>
    %add3A_834 = arith.addf %add3A_833, %exp23A_831 : vector<64x128xf32>
    %log3A_835 = math.log %add3A_834 : vector<64x128xf32>
    %log3A_836 = arith.constant 2.000000e+00 : f32
    %log3A_837 = math.log %log3A_836 : f32
    %div3A_838 = vector.broadcast %log3A_837 : f32 to vector<64x128xf32>
    %div3A_839 = arith.divf %log3A_835, %div3A_838 : vector<64x128xf32>
    %sub3A_840 = arith.subf %min3A_830, %div3A_839 : vector<64x128xf32>
    %mul3A_841 = arith.constant 1.500000e+00 : f32
    %mul3A_842 = vector.broadcast %mul3A_841 : f32 to vector<64x128xf32>
    %mul3A_843 = arith.mulf %mul3A_842, %sub3A_840 : vector<64x128xf32>
    %exp23A_844 = math.exp2 %mul3A_843 : vector<64x128xf32>
    %mul3A_845 = arith.mulf %exp23A_844, %div3A_839 : vector<64x128xf32>
    %mul3A_846 = arith.mulf %convert_element_type3A_817, %mul3A_845 : vector<64x128xf32>
    %add3A_847 = arith.addf %add3A_808, %mul3A_846 : vector<64x128xf32>
    %add3A_848 = arith.addf %add3A_809, %mul3A_845 : vector<64x128xf32>
    %add3A_849 = arith.addf %add3A_810, %convert_element_type3A_817 : vector<64x128xf32>
    %get3A_850 = arith.constant 1408 : index
    %get3A_851 = arith.constant 0 : index
    %get3A_852 = vector.load %arg1[%get3A_850, %get3A_851] : memref<5632x128xf32, #tpu.memory_space<vmem>>, vector<64x128xf32>
    %get3A_853 = arith.constant 1408 : index
    %get3A_854 = arith.constant 0 : index
    %get3A_855 = vector.load %arg2[%get3A_853, %get3A_854] : memref<5632x128xi32, #tpu.memory_space<vmem>>, vector<64x128xi32>
    %convert_element_type3A_856 = arith.sitofp %get3A_855 : vector<64x128xi32> to vector<64x128xf32>
    %mul3A_857 = arith.constant 2.000000e+00 : f32
    %mul3A_858 = vector.broadcast %mul3A_857 : f32 to vector<64x128xf32>
    %mul3A_859 = arith.mulf %mul3A_858, %convert_element_type3A_856 : vector<64x128xf32>
    %sub3A_860 = arith.constant 1.000000e+00 : f32
    %sub3A_861 = vector.broadcast %sub3A_860 : f32 to vector<64x128xf32>
    %sub3A_862 = arith.subf %mul3A_859, %sub3A_861 : vector<64x128xf32>
    %mul3A_863 = arith.mulf %get3A_852, %sub3A_862 : vector<64x128xf32>
    %mul3A_864 = arith.constant -1.44269502 : f32
    %mul3A_865 = vector.broadcast %mul3A_864 : f32 to vector<64x128xf32>
    %mul3A_866 = arith.mulf %mul3A_863, %mul3A_865 : vector<64x128xf32>
    %min3A_867 = arith.constant 1.260000e+02 : f32
    %min3A_868 = vector.broadcast %min3A_867 : f32 to vector<64x128xf32>
    %min3A_869 = arith.minimumf %mul3A_866, %min3A_868 : vector<64x128xf32>
    %exp23A_870 = math.exp2 %min3A_869 : vector<64x128xf32>
    %add3A_871 = arith.constant 1.000000e+00 : f32
    %add3A_872 = vector.broadcast %add3A_871 : f32 to vector<64x128xf32>
    %add3A_873 = arith.addf %add3A_872, %exp23A_870 : vector<64x128xf32>
    %log3A_874 = math.log %add3A_873 : vector<64x128xf32>
    %log3A_875 = arith.constant 2.000000e+00 : f32
    %log3A_876 = math.log %log3A_875 : f32
    %div3A_877 = vector.broadcast %log3A_876 : f32 to vector<64x128xf32>
    %div3A_878 = arith.divf %log3A_874, %div3A_877 : vector<64x128xf32>
    %sub3A_879 = arith.subf %min3A_869, %div3A_878 : vector<64x128xf32>
    %mul3A_880 = arith.constant 1.500000e+00 : f32
    %mul3A_881 = vector.broadcast %mul3A_880 : f32 to vector<64x128xf32>
    %mul3A_882 = arith.mulf %mul3A_881, %sub3A_879 : vector<64x128xf32>
    %exp23A_883 = math.exp2 %mul3A_882 : vector<64x128xf32>
    %mul3A_884 = arith.mulf %exp23A_883, %div3A_878 : vector<64x128xf32>
    %mul3A_885 = arith.mulf %convert_element_type3A_856, %mul3A_884 : vector<64x128xf32>
    %add3A_886 = arith.addf %add3A_847, %mul3A_885 : vector<64x128xf32>
    %add3A_887 = arith.addf %add3A_848, %mul3A_884 : vector<64x128xf32>
    %add3A_888 = arith.addf %add3A_849, %convert_element_type3A_856 : vector<64x128xf32>
    %get3A_889 = arith.constant 1472 : index
    %get3A_890 = arith.constant 0 : index
    %get3A_891 = vector.load %arg1[%get3A_889, %get3A_890] : memref<5632x128xf32, #tpu.memory_space<vmem>>, vector<64x128xf32>
    %get3A_892 = arith.constant 1472 : index
    %get3A_893 = arith.constant 0 : index
    %get3A_894 = vector.load %arg2[%get3A_892, %get3A_893] : memref<5632x128xi32, #tpu.memory_space<vmem>>, vector<64x128xi32>
    %convert_element_type3A_895 = arith.sitofp %get3A_894 : vector<64x128xi32> to vector<64x128xf32>
    %mul3A_896 = arith.constant 2.000000e+00 : f32
    %mul3A_897 = vector.broadcast %mul3A_896 : f32 to vector<64x128xf32>
    %mul3A_898 = arith.mulf %mul3A_897, %convert_element_type3A_895 : vector<64x128xf32>
    %sub3A_899 = arith.constant 1.000000e+00 : f32
    %sub3A_900 = vector.broadcast %sub3A_899 : f32 to vector<64x128xf32>
    %sub3A_901 = arith.subf %mul3A_898, %sub3A_900 : vector<64x128xf32>
    %mul3A_902 = arith.mulf %get3A_891, %sub3A_901 : vector<64x128xf32>
    %mul3A_903 = arith.constant -1.44269502 : f32
    %mul3A_904 = vector.broadcast %mul3A_903 : f32 to vector<64x128xf32>
    %mul3A_905 = arith.mulf %mul3A_902, %mul3A_904 : vector<64x128xf32>
    %min3A_906 = arith.constant 1.260000e+02 : f32
    %min3A_907 = vector.broadcast %min3A_906 : f32 to vector<64x128xf32>
    %min3A_908 = arith.minimumf %mul3A_905, %min3A_907 : vector<64x128xf32>
    %exp23A_909 = math.exp2 %min3A_908 : vector<64x128xf32>
    %add3A_910 = arith.constant 1.000000e+00 : f32
    %add3A_911 = vector.broadcast %add3A_910 : f32 to vector<64x128xf32>
    %add3A_912 = arith.addf %add3A_911, %exp23A_909 : vector<64x128xf32>
    %log3A_913 = math.log %add3A_912 : vector<64x128xf32>
    %log3A_914 = arith.constant 2.000000e+00 : f32
    %log3A_915 = math.log %log3A_914 : f32
    %div3A_916 = vector.broadcast %log3A_915 : f32 to vector<64x128xf32>
    %div3A_917 = arith.divf %log3A_913, %div3A_916 : vector<64x128xf32>
    %sub3A_918 = arith.subf %min3A_908, %div3A_917 : vector<64x128xf32>
    %mul3A_919 = arith.constant 1.500000e+00 : f32
    %mul3A_920 = vector.broadcast %mul3A_919 : f32 to vector<64x128xf32>
    %mul3A_921 = arith.mulf %mul3A_920, %sub3A_918 : vector<64x128xf32>
    %exp23A_922 = math.exp2 %mul3A_921 : vector<64x128xf32>
    %mul3A_923 = arith.mulf %exp23A_922, %div3A_917 : vector<64x128xf32>
    %mul3A_924 = arith.mulf %convert_element_type3A_895, %mul3A_923 : vector<64x128xf32>
    %add3A_925 = arith.addf %add3A_886, %mul3A_924 : vector<64x128xf32>
    %add3A_926 = arith.addf %add3A_887, %mul3A_923 : vector<64x128xf32>
    %add3A_927 = arith.addf %add3A_888, %convert_element_type3A_895 : vector<64x128xf32>
    %get3A_928 = arith.constant 1536 : index
    %get3A_929 = arith.constant 0 : index
    %get3A_930 = vector.load %arg1[%get3A_928, %get3A_929] : memref<5632x128xf32, #tpu.memory_space<vmem>>, vector<64x128xf32>
    %get3A_931 = arith.constant 1536 : index
    %get3A_932 = arith.constant 0 : index
    %get3A_933 = vector.load %arg2[%get3A_931, %get3A_932] : memref<5632x128xi32, #tpu.memory_space<vmem>>, vector<64x128xi32>
    %convert_element_type3A_934 = arith.sitofp %get3A_933 : vector<64x128xi32> to vector<64x128xf32>
    %mul3A_935 = arith.constant 2.000000e+00 : f32
    %mul3A_936 = vector.broadcast %mul3A_935 : f32 to vector<64x128xf32>
    %mul3A_937 = arith.mulf %mul3A_936, %convert_element_type3A_934 : vector<64x128xf32>
    %sub3A_938 = arith.constant 1.000000e+00 : f32
    %sub3A_939 = vector.broadcast %sub3A_938 : f32 to vector<64x128xf32>
    %sub3A_940 = arith.subf %mul3A_937, %sub3A_939 : vector<64x128xf32>
    %mul3A_941 = arith.mulf %get3A_930, %sub3A_940 : vector<64x128xf32>
    %mul3A_942 = arith.constant -1.44269502 : f32
    %mul3A_943 = vector.broadcast %mul3A_942 : f32 to vector<64x128xf32>
    %mul3A_944 = arith.mulf %mul3A_941, %mul3A_943 : vector<64x128xf32>
    %min3A_945 = arith.constant 1.260000e+02 : f32
    %min3A_946 = vector.broadcast %min3A_945 : f32 to vector<64x128xf32>
    %min3A_947 = arith.minimumf %mul3A_944, %min3A_946 : vector<64x128xf32>
    %exp23A_948 = math.exp2 %min3A_947 : vector<64x128xf32>
    %add3A_949 = arith.constant 1.000000e+00 : f32
    %add3A_950 = vector.broadcast %add3A_949 : f32 to vector<64x128xf32>
    %add3A_951 = arith.addf %add3A_950, %exp23A_948 : vector<64x128xf32>
    %log3A_952 = math.log %add3A_951 : vector<64x128xf32>
    %log3A_953 = arith.constant 2.000000e+00 : f32
    %log3A_954 = math.log %log3A_953 : f32
    %div3A_955 = vector.broadcast %log3A_954 : f32 to vector<64x128xf32>
    %div3A_956 = arith.divf %log3A_952, %div3A_955 : vector<64x128xf32>
    %sub3A_957 = arith.subf %min3A_947, %div3A_956 : vector<64x128xf32>
    %mul3A_958 = arith.constant 1.500000e+00 : f32
    %mul3A_959 = vector.broadcast %mul3A_958 : f32 to vector<64x128xf32>
    %mul3A_960 = arith.mulf %mul3A_959, %sub3A_957 : vector<64x128xf32>
    %exp23A_961 = math.exp2 %mul3A_960 : vector<64x128xf32>
    %mul3A_962 = arith.mulf %exp23A_961, %div3A_956 : vector<64x128xf32>
    %mul3A_963 = arith.mulf %convert_element_type3A_934, %mul3A_962 : vector<64x128xf32>
    %add3A_964 = arith.addf %add3A_925, %mul3A_963 : vector<64x128xf32>
    %add3A_965 = arith.addf %add3A_926, %mul3A_962 : vector<64x128xf32>
    %add3A_966 = arith.addf %add3A_927, %convert_element_type3A_934 : vector<64x128xf32>
    %get3A_967 = arith.constant 1600 : index
    %get3A_968 = arith.constant 0 : index
    %get3A_969 = vector.load %arg1[%get3A_967, %get3A_968] : memref<5632x128xf32, #tpu.memory_space<vmem>>, vector<64x128xf32>
    %get3A_970 = arith.constant 1600 : index
    %get3A_971 = arith.constant 0 : index
    %get3A_972 = vector.load %arg2[%get3A_970, %get3A_971] : memref<5632x128xi32, #tpu.memory_space<vmem>>, vector<64x128xi32>
    %convert_element_type3A_973 = arith.sitofp %get3A_972 : vector<64x128xi32> to vector<64x128xf32>
    %mul3A_974 = arith.constant 2.000000e+00 : f32
    %mul3A_975 = vector.broadcast %mul3A_974 : f32 to vector<64x128xf32>
    %mul3A_976 = arith.mulf %mul3A_975, %convert_element_type3A_973 : vector<64x128xf32>
    %sub3A_977 = arith.constant 1.000000e+00 : f32
    %sub3A_978 = vector.broadcast %sub3A_977 : f32 to vector<64x128xf32>
    %sub3A_979 = arith.subf %mul3A_976, %sub3A_978 : vector<64x128xf32>
    %mul3A_980 = arith.mulf %get3A_969, %sub3A_979 : vector<64x128xf32>
    %mul3A_981 = arith.constant -1.44269502 : f32
    %mul3A_982 = vector.broadcast %mul3A_981 : f32 to vector<64x128xf32>
    %mul3A_983 = arith.mulf %mul3A_980, %mul3A_982 : vector<64x128xf32>
    %min3A_984 = arith.constant 1.260000e+02 : f32
    %min3A_985 = vector.broadcast %min3A_984 : f32 to vector<64x128xf32>
    %min3A_986 = arith.minimumf %mul3A_983, %min3A_985 : vector<64x128xf32>
    %exp23A_987 = math.exp2 %min3A_986 : vector<64x128xf32>
    %add3A_988 = arith.constant 1.000000e+00 : f32
    %add3A_989 = vector.broadcast %add3A_988 : f32 to vector<64x128xf32>
    %add3A_990 = arith.addf %add3A_989, %exp23A_987 : vector<64x128xf32>
    %log3A_991 = math.log %add3A_990 : vector<64x128xf32>
    %log3A_992 = arith.constant 2.000000e+00 : f32
    %log3A_993 = math.log %log3A_992 : f32
    %div3A_994 = vector.broadcast %log3A_993 : f32 to vector<64x128xf32>
    %div3A_995 = arith.divf %log3A_991, %div3A_994 : vector<64x128xf32>
    %sub3A_996 = arith.subf %min3A_986, %div3A_995 : vector<64x128xf32>
    %mul3A_997 = arith.constant 1.500000e+00 : f32
    %mul3A_998 = vector.broadcast %mul3A_997 : f32 to vector<64x128xf32>
    %mul3A_999 = arith.mulf %mul3A_998, %sub3A_996 : vector<64x128xf32>
    %exp23A_1000 = math.exp2 %mul3A_999 : vector<64x128xf32>
    %mul3A_1001 = arith.mulf %exp23A_1000, %div3A_995 : vector<64x128xf32>
    %mul3A_1002 = arith.mulf %convert_element_type3A_973, %mul3A_1001 : vector<64x128xf32>
    %add3A_1003 = arith.addf %add3A_964, %mul3A_1002 : vector<64x128xf32>
    %add3A_1004 = arith.addf %add3A_965, %mul3A_1001 : vector<64x128xf32>
    %add3A_1005 = arith.addf %add3A_966, %convert_element_type3A_973 : vector<64x128xf32>
    %get3A_1006 = arith.constant 1664 : index
    %get3A_1007 = arith.constant 0 : index
    %get3A_1008 = vector.load %arg1[%get3A_1006, %get3A_1007] : memref<5632x128xf32, #tpu.memory_space<vmem>>, vector<64x128xf32>
    %get3A_1009 = arith.constant 1664 : index
    %get3A_1010 = arith.constant 0 : index
    %get3A_1011 = vector.load %arg2[%get3A_1009, %get3A_1010] : memref<5632x128xi32, #tpu.memory_space<vmem>>, vector<64x128xi32>
    %convert_element_type3A_1012 = arith.sitofp %get3A_1011 : vector<64x128xi32> to vector<64x128xf32>
    %mul3A_1013 = arith.constant 2.000000e+00 : f32
    %mul3A_1014 = vector.broadcast %mul3A_1013 : f32 to vector<64x128xf32>
    %mul3A_1015 = arith.mulf %mul3A_1014, %convert_element_type3A_1012 : vector<64x128xf32>
    %sub3A_1016 = arith.constant 1.000000e+00 : f32
    %sub3A_1017 = vector.broadcast %sub3A_1016 : f32 to vector<64x128xf32>
    %sub3A_1018 = arith.subf %mul3A_1015, %sub3A_1017 : vector<64x128xf32>
    %mul3A_1019 = arith.mulf %get3A_1008, %sub3A_1018 : vector<64x128xf32>
    %mul3A_1020 = arith.constant -1.44269502 : f32
    %mul3A_1021 = vector.broadcast %mul3A_1020 : f32 to vector<64x128xf32>
    %mul3A_1022 = arith.mulf %mul3A_1019, %mul3A_1021 : vector<64x128xf32>
    %min3A_1023 = arith.constant 1.260000e+02 : f32
    %min3A_1024 = vector.broadcast %min3A_1023 : f32 to vector<64x128xf32>
    %min3A_1025 = arith.minimumf %mul3A_1022, %min3A_1024 : vector<64x128xf32>
    %exp23A_1026 = math.exp2 %min3A_1025 : vector<64x128xf32>
    %add3A_1027 = arith.constant 1.000000e+00 : f32
    %add3A_1028 = vector.broadcast %add3A_1027 : f32 to vector<64x128xf32>
    %add3A_1029 = arith.addf %add3A_1028, %exp23A_1026 : vector<64x128xf32>
    %log3A_1030 = math.log %add3A_1029 : vector<64x128xf32>
    %log3A_1031 = arith.constant 2.000000e+00 : f32
    %log3A_1032 = math.log %log3A_1031 : f32
    %div3A_1033 = vector.broadcast %log3A_1032 : f32 to vector<64x128xf32>
    %div3A_1034 = arith.divf %log3A_1030, %div3A_1033 : vector<64x128xf32>
    %sub3A_1035 = arith.subf %min3A_1025, %div3A_1034 : vector<64x128xf32>
    %mul3A_1036 = arith.constant 1.500000e+00 : f32
    %mul3A_1037 = vector.broadcast %mul3A_1036 : f32 to vector<64x128xf32>
    %mul3A_1038 = arith.mulf %mul3A_1037, %sub3A_1035 : vector<64x128xf32>
    %exp23A_1039 = math.exp2 %mul3A_1038 : vector<64x128xf32>
    %mul3A_1040 = arith.mulf %exp23A_1039, %div3A_1034 : vector<64x128xf32>
    %mul3A_1041 = arith.mulf %convert_element_type3A_1012, %mul3A_1040 : vector<64x128xf32>
    %add3A_1042 = arith.addf %add3A_1003, %mul3A_1041 : vector<64x128xf32>
    %add3A_1043 = arith.addf %add3A_1004, %mul3A_1040 : vector<64x128xf32>
    %add3A_1044 = arith.addf %add3A_1005, %convert_element_type3A_1012 : vector<64x128xf32>
    %get3A_1045 = arith.constant 1728 : index
    %get3A_1046 = arith.constant 0 : index
    %get3A_1047 = vector.load %arg1[%get3A_1045, %get3A_1046] : memref<5632x128xf32, #tpu.memory_space<vmem>>, vector<64x128xf32>
    %get3A_1048 = arith.constant 1728 : index
    %get3A_1049 = arith.constant 0 : index
    %get3A_1050 = vector.load %arg2[%get3A_1048, %get3A_1049] : memref<5632x128xi32, #tpu.memory_space<vmem>>, vector<64x128xi32>
    %convert_element_type3A_1051 = arith.sitofp %get3A_1050 : vector<64x128xi32> to vector<64x128xf32>
    %mul3A_1052 = arith.constant 2.000000e+00 : f32
    %mul3A_1053 = vector.broadcast %mul3A_1052 : f32 to vector<64x128xf32>
    %mul3A_1054 = arith.mulf %mul3A_1053, %convert_element_type3A_1051 : vector<64x128xf32>
    %sub3A_1055 = arith.constant 1.000000e+00 : f32
    %sub3A_1056 = vector.broadcast %sub3A_1055 : f32 to vector<64x128xf32>
    %sub3A_1057 = arith.subf %mul3A_1054, %sub3A_1056 : vector<64x128xf32>
    %mul3A_1058 = arith.mulf %get3A_1047, %sub3A_1057 : vector<64x128xf32>
    %mul3A_1059 = arith.constant -1.44269502 : f32
    %mul3A_1060 = vector.broadcast %mul3A_1059 : f32 to vector<64x128xf32>
    %mul3A_1061 = arith.mulf %mul3A_1058, %mul3A_1060 : vector<64x128xf32>
    %min3A_1062 = arith.constant 1.260000e+02 : f32
    %min3A_1063 = vector.broadcast %min3A_1062 : f32 to vector<64x128xf32>
    %min3A_1064 = arith.minimumf %mul3A_1061, %min3A_1063 : vector<64x128xf32>
    %exp23A_1065 = math.exp2 %min3A_1064 : vector<64x128xf32>
    %add3A_1066 = arith.constant 1.000000e+00 : f32
    %add3A_1067 = vector.broadcast %add3A_1066 : f32 to vector<64x128xf32>
    %add3A_1068 = arith.addf %add3A_1067, %exp23A_1065 : vector<64x128xf32>
    %log3A_1069 = math.log %add3A_1068 : vector<64x128xf32>
    %log3A_1070 = arith.constant 2.000000e+00 : f32
    %log3A_1071 = math.log %log3A_1070 : f32
    %div3A_1072 = vector.broadcast %log3A_1071 : f32 to vector<64x128xf32>
    %div3A_1073 = arith.divf %log3A_1069, %div3A_1072 : vector<64x128xf32>
    %sub3A_1074 = arith.subf %min3A_1064, %div3A_1073 : vector<64x128xf32>
    %mul3A_1075 = arith.constant 1.500000e+00 : f32
    %mul3A_1076 = vector.broadcast %mul3A_1075 : f32 to vector<64x128xf32>
    %mul3A_1077 = arith.mulf %mul3A_1076, %sub3A_1074 : vector<64x128xf32>
    %exp23A_1078 = math.exp2 %mul3A_1077 : vector<64x128xf32>
    %mul3A_1079 = arith.mulf %exp23A_1078, %div3A_1073 : vector<64x128xf32>
    %mul3A_1080 = arith.mulf %convert_element_type3A_1051, %mul3A_1079 : vector<64x128xf32>
    %add3A_1081 = arith.addf %add3A_1042, %mul3A_1080 : vector<64x128xf32>
    %add3A_1082 = arith.addf %add3A_1043, %mul3A_1079 : vector<64x128xf32>
    %add3A_1083 = arith.addf %add3A_1044, %convert_element_type3A_1051 : vector<64x128xf32>
    %get3A_1084 = arith.constant 1792 : index
    %get3A_1085 = arith.constant 0 : index
    %get3A_1086 = vector.load %arg1[%get3A_1084, %get3A_1085] : memref<5632x128xf32, #tpu.memory_space<vmem>>, vector<64x128xf32>
    %get3A_1087 = arith.constant 1792 : index
    %get3A_1088 = arith.constant 0 : index
    %get3A_1089 = vector.load %arg2[%get3A_1087, %get3A_1088] : memref<5632x128xi32, #tpu.memory_space<vmem>>, vector<64x128xi32>
    %convert_element_type3A_1090 = arith.sitofp %get3A_1089 : vector<64x128xi32> to vector<64x128xf32>
    %mul3A_1091 = arith.constant 2.000000e+00 : f32
    %mul3A_1092 = vector.broadcast %mul3A_1091 : f32 to vector<64x128xf32>
    %mul3A_1093 = arith.mulf %mul3A_1092, %convert_element_type3A_1090 : vector<64x128xf32>
    %sub3A_1094 = arith.constant 1.000000e+00 : f32
    %sub3A_1095 = vector.broadcast %sub3A_1094 : f32 to vector<64x128xf32>
    %sub3A_1096 = arith.subf %mul3A_1093, %sub3A_1095 : vector<64x128xf32>
    %mul3A_1097 = arith.mulf %get3A_1086, %sub3A_1096 : vector<64x128xf32>
    %mul3A_1098 = arith.constant -1.44269502 : f32
    %mul3A_1099 = vector.broadcast %mul3A_1098 : f32 to vector<64x128xf32>
    %mul3A_1100 = arith.mulf %mul3A_1097, %mul3A_1099 : vector<64x128xf32>
    %min3A_1101 = arith.constant 1.260000e+02 : f32
    %min3A_1102 = vector.broadcast %min3A_1101 : f32 to vector<64x128xf32>
    %min3A_1103 = arith.minimumf %mul3A_1100, %min3A_1102 : vector<64x128xf32>
    %exp23A_1104 = math.exp2 %min3A_1103 : vector<64x128xf32>
    %add3A_1105 = arith.constant 1.000000e+00 : f32
    %add3A_1106 = vector.broadcast %add3A_1105 : f32 to vector<64x128xf32>
    %add3A_1107 = arith.addf %add3A_1106, %exp23A_1104 : vector<64x128xf32>
    %log3A_1108 = math.log %add3A_1107 : vector<64x128xf32>
    %log3A_1109 = arith.constant 2.000000e+00 : f32
    %log3A_1110 = math.log %log3A_1109 : f32
    %div3A_1111 = vector.broadcast %log3A_1110 : f32 to vector<64x128xf32>
    %div3A_1112 = arith.divf %log3A_1108, %div3A_1111 : vector<64x128xf32>
    %sub3A_1113 = arith.subf %min3A_1103, %div3A_1112 : vector<64x128xf32>
    %mul3A_1114 = arith.constant 1.500000e+00 : f32
    %mul3A_1115 = vector.broadcast %mul3A_1114 : f32 to vector<64x128xf32>
    %mul3A_1116 = arith.mulf %mul3A_1115, %sub3A_1113 : vector<64x128xf32>
    %exp23A_1117 = math.exp2 %mul3A_1116 : vector<64x128xf32>
    %mul3A_1118 = arith.mulf %exp23A_1117, %div3A_1112 : vector<64x128xf32>
    %mul3A_1119 = arith.mulf %convert_element_type3A_1090, %mul3A_1118 : vector<64x128xf32>
    %add3A_1120 = arith.addf %add3A_1081, %mul3A_1119 : vector<64x128xf32>
    %add3A_1121 = arith.addf %add3A_1082, %mul3A_1118 : vector<64x128xf32>
    %add3A_1122 = arith.addf %add3A_1083, %convert_element_type3A_1090 : vector<64x128xf32>
    %get3A_1123 = arith.constant 1856 : index
    %get3A_1124 = arith.constant 0 : index
    %get3A_1125 = vector.load %arg1[%get3A_1123, %get3A_1124] : memref<5632x128xf32, #tpu.memory_space<vmem>>, vector<64x128xf32>
    %get3A_1126 = arith.constant 1856 : index
    %get3A_1127 = arith.constant 0 : index
    %get3A_1128 = vector.load %arg2[%get3A_1126, %get3A_1127] : memref<5632x128xi32, #tpu.memory_space<vmem>>, vector<64x128xi32>
    %convert_element_type3A_1129 = arith.sitofp %get3A_1128 : vector<64x128xi32> to vector<64x128xf32>
    %mul3A_1130 = arith.constant 2.000000e+00 : f32
    %mul3A_1131 = vector.broadcast %mul3A_1130 : f32 to vector<64x128xf32>
    %mul3A_1132 = arith.mulf %mul3A_1131, %convert_element_type3A_1129 : vector<64x128xf32>
    %sub3A_1133 = arith.constant 1.000000e+00 : f32
    %sub3A_1134 = vector.broadcast %sub3A_1133 : f32 to vector<64x128xf32>
    %sub3A_1135 = arith.subf %mul3A_1132, %sub3A_1134 : vector<64x128xf32>
    %mul3A_1136 = arith.mulf %get3A_1125, %sub3A_1135 : vector<64x128xf32>
    %mul3A_1137 = arith.constant -1.44269502 : f32
    %mul3A_1138 = vector.broadcast %mul3A_1137 : f32 to vector<64x128xf32>
    %mul3A_1139 = arith.mulf %mul3A_1136, %mul3A_1138 : vector<64x128xf32>
    %min3A_1140 = arith.constant 1.260000e+02 : f32
    %min3A_1141 = vector.broadcast %min3A_1140 : f32 to vector<64x128xf32>
    %min3A_1142 = arith.minimumf %mul3A_1139, %min3A_1141 : vector<64x128xf32>
    %exp23A_1143 = math.exp2 %min3A_1142 : vector<64x128xf32>
    %add3A_1144 = arith.constant 1.000000e+00 : f32
    %add3A_1145 = vector.broadcast %add3A_1144 : f32 to vector<64x128xf32>
    %add3A_1146 = arith.addf %add3A_1145, %exp23A_1143 : vector<64x128xf32>
    %log3A_1147 = math.log %add3A_1146 : vector<64x128xf32>
    %log3A_1148 = arith.constant 2.000000e+00 : f32
    %log3A_1149 = math.log %log3A_1148 : f32
    %div3A_1150 = vector.broadcast %log3A_1149 : f32 to vector<64x128xf32>
    %div3A_1151 = arith.divf %log3A_1147, %div3A_1150 : vector<64x128xf32>
    %sub3A_1152 = arith.subf %min3A_1142, %div3A_1151 : vector<64x128xf32>
    %mul3A_1153 = arith.constant 1.500000e+00 : f32
    %mul3A_1154 = vector.broadcast %mul3A_1153 : f32 to vector<64x128xf32>
    %mul3A_1155 = arith.mulf %mul3A_1154, %sub3A_1152 : vector<64x128xf32>
    %exp23A_1156 = math.exp2 %mul3A_1155 : vector<64x128xf32>
    %mul3A_1157 = arith.mulf %exp23A_1156, %div3A_1151 : vector<64x128xf32>
    %mul3A_1158 = arith.mulf %convert_element_type3A_1129, %mul3A_1157 : vector<64x128xf32>
    %add3A_1159 = arith.addf %add3A_1120, %mul3A_1158 : vector<64x128xf32>
    %add3A_1160 = arith.addf %add3A_1121, %mul3A_1157 : vector<64x128xf32>
    %add3A_1161 = arith.addf %add3A_1122, %convert_element_type3A_1129 : vector<64x128xf32>
    %get3A_1162 = arith.constant 1920 : index
    %get3A_1163 = arith.constant 0 : index
    %get3A_1164 = vector.load %arg1[%get3A_1162, %get3A_1163] : memref<5632x128xf32, #tpu.memory_space<vmem>>, vector<64x128xf32>
    %get3A_1165 = arith.constant 1920 : index
    %get3A_1166 = arith.constant 0 : index
    %get3A_1167 = vector.load %arg2[%get3A_1165, %get3A_1166] : memref<5632x128xi32, #tpu.memory_space<vmem>>, vector<64x128xi32>
    %convert_element_type3A_1168 = arith.sitofp %get3A_1167 : vector<64x128xi32> to vector<64x128xf32>
    %mul3A_1169 = arith.constant 2.000000e+00 : f32
    %mul3A_1170 = vector.broadcast %mul3A_1169 : f32 to vector<64x128xf32>
    %mul3A_1171 = arith.mulf %mul3A_1170, %convert_element_type3A_1168 : vector<64x128xf32>
    %sub3A_1172 = arith.constant 1.000000e+00 : f32
    %sub3A_1173 = vector.broadcast %sub3A_1172 : f32 to vector<64x128xf32>
    %sub3A_1174 = arith.subf %mul3A_1171, %sub3A_1173 : vector<64x128xf32>
    %mul3A_1175 = arith.mulf %get3A_1164, %sub3A_1174 : vector<64x128xf32>
    %mul3A_1176 = arith.constant -1.44269502 : f32
    %mul3A_1177 = vector.broadcast %mul3A_1176 : f32 to vector<64x128xf32>
    %mul3A_1178 = arith.mulf %mul3A_1175, %mul3A_1177 : vector<64x128xf32>
    %min3A_1179 = arith.constant 1.260000e+02 : f32
    %min3A_1180 = vector.broadcast %min3A_1179 : f32 to vector<64x128xf32>
    %min3A_1181 = arith.minimumf %mul3A_1178, %min3A_1180 : vector<64x128xf32>
    %exp23A_1182 = math.exp2 %min3A_1181 : vector<64x128xf32>
    %add3A_1183 = arith.constant 1.000000e+00 : f32
    %add3A_1184 = vector.broadcast %add3A_1183 : f32 to vector<64x128xf32>
    %add3A_1185 = arith.addf %add3A_1184, %exp23A_1182 : vector<64x128xf32>
    %log3A_1186 = math.log %add3A_1185 : vector<64x128xf32>
    %log3A_1187 = arith.constant 2.000000e+00 : f32
    %log3A_1188 = math.log %log3A_1187 : f32
    %div3A_1189 = vector.broadcast %log3A_1188 : f32 to vector<64x128xf32>
    %div3A_1190 = arith.divf %log3A_1186, %div3A_1189 : vector<64x128xf32>
    %sub3A_1191 = arith.subf %min3A_1181, %div3A_1190 : vector<64x128xf32>
    %mul3A_1192 = arith.constant 1.500000e+00 : f32
    %mul3A_1193 = vector.broadcast %mul3A_1192 : f32 to vector<64x128xf32>
    %mul3A_1194 = arith.mulf %mul3A_1193, %sub3A_1191 : vector<64x128xf32>
    %exp23A_1195 = math.exp2 %mul3A_1194 : vector<64x128xf32>
    %mul3A_1196 = arith.mulf %exp23A_1195, %div3A_1190 : vector<64x128xf32>
    %mul3A_1197 = arith.mulf %convert_element_type3A_1168, %mul3A_1196 : vector<64x128xf32>
    %add3A_1198 = arith.addf %add3A_1159, %mul3A_1197 : vector<64x128xf32>
    %add3A_1199 = arith.addf %add3A_1160, %mul3A_1196 : vector<64x128xf32>
    %add3A_1200 = arith.addf %add3A_1161, %convert_element_type3A_1168 : vector<64x128xf32>
    %get3A_1201 = arith.constant 1984 : index
    %get3A_1202 = arith.constant 0 : index
    %get3A_1203 = vector.load %arg1[%get3A_1201, %get3A_1202] : memref<5632x128xf32, #tpu.memory_space<vmem>>, vector<64x128xf32>
    %get3A_1204 = arith.constant 1984 : index
    %get3A_1205 = arith.constant 0 : index
    %get3A_1206 = vector.load %arg2[%get3A_1204, %get3A_1205] : memref<5632x128xi32, #tpu.memory_space<vmem>>, vector<64x128xi32>
    %convert_element_type3A_1207 = arith.sitofp %get3A_1206 : vector<64x128xi32> to vector<64x128xf32>
    %mul3A_1208 = arith.constant 2.000000e+00 : f32
    %mul3A_1209 = vector.broadcast %mul3A_1208 : f32 to vector<64x128xf32>
    %mul3A_1210 = arith.mulf %mul3A_1209, %convert_element_type3A_1207 : vector<64x128xf32>
    %sub3A_1211 = arith.constant 1.000000e+00 : f32
    %sub3A_1212 = vector.broadcast %sub3A_1211 : f32 to vector<64x128xf32>
    %sub3A_1213 = arith.subf %mul3A_1210, %sub3A_1212 : vector<64x128xf32>
    %mul3A_1214 = arith.mulf %get3A_1203, %sub3A_1213 : vector<64x128xf32>
    %mul3A_1215 = arith.constant -1.44269502 : f32
    %mul3A_1216 = vector.broadcast %mul3A_1215 : f32 to vector<64x128xf32>
    %mul3A_1217 = arith.mulf %mul3A_1214, %mul3A_1216 : vector<64x128xf32>
    %min3A_1218 = arith.constant 1.260000e+02 : f32
    %min3A_1219 = vector.broadcast %min3A_1218 : f32 to vector<64x128xf32>
    %min3A_1220 = arith.minimumf %mul3A_1217, %min3A_1219 : vector<64x128xf32>
    %exp23A_1221 = math.exp2 %min3A_1220 : vector<64x128xf32>
    %add3A_1222 = arith.constant 1.000000e+00 : f32
    %add3A_1223 = vector.broadcast %add3A_1222 : f32 to vector<64x128xf32>
    %add3A_1224 = arith.addf %add3A_1223, %exp23A_1221 : vector<64x128xf32>
    %log3A_1225 = math.log %add3A_1224 : vector<64x128xf32>
    %log3A_1226 = arith.constant 2.000000e+00 : f32
    %log3A_1227 = math.log %log3A_1226 : f32
    %div3A_1228 = vector.broadcast %log3A_1227 : f32 to vector<64x128xf32>
    %div3A_1229 = arith.divf %log3A_1225, %div3A_1228 : vector<64x128xf32>
    %sub3A_1230 = arith.subf %min3A_1220, %div3A_1229 : vector<64x128xf32>
    %mul3A_1231 = arith.constant 1.500000e+00 : f32
    %mul3A_1232 = vector.broadcast %mul3A_1231 : f32 to vector<64x128xf32>
    %mul3A_1233 = arith.mulf %mul3A_1232, %sub3A_1230 : vector<64x128xf32>
    %exp23A_1234 = math.exp2 %mul3A_1233 : vector<64x128xf32>
    %mul3A_1235 = arith.mulf %exp23A_1234, %div3A_1229 : vector<64x128xf32>
    %mul3A_1236 = arith.mulf %convert_element_type3A_1207, %mul3A_1235 : vector<64x128xf32>
    %add3A_1237 = arith.addf %add3A_1198, %mul3A_1236 : vector<64x128xf32>
    %add3A_1238 = arith.addf %add3A_1199, %mul3A_1235 : vector<64x128xf32>
    %add3A_1239 = arith.addf %add3A_1200, %convert_element_type3A_1207 : vector<64x128xf32>
    %get3A_1240 = arith.constant 2048 : index
    %get3A_1241 = arith.constant 0 : index
    %get3A_1242 = vector.load %arg1[%get3A_1240, %get3A_1241] : memref<5632x128xf32, #tpu.memory_space<vmem>>, vector<64x128xf32>
    %get3A_1243 = arith.constant 2048 : index
    %get3A_1244 = arith.constant 0 : index
    %get3A_1245 = vector.load %arg2[%get3A_1243, %get3A_1244] : memref<5632x128xi32, #tpu.memory_space<vmem>>, vector<64x128xi32>
    %convert_element_type3A_1246 = arith.sitofp %get3A_1245 : vector<64x128xi32> to vector<64x128xf32>
    %mul3A_1247 = arith.constant 2.000000e+00 : f32
    %mul3A_1248 = vector.broadcast %mul3A_1247 : f32 to vector<64x128xf32>
    %mul3A_1249 = arith.mulf %mul3A_1248, %convert_element_type3A_1246 : vector<64x128xf32>
    %sub3A_1250 = arith.constant 1.000000e+00 : f32
    %sub3A_1251 = vector.broadcast %sub3A_1250 : f32 to vector<64x128xf32>
    %sub3A_1252 = arith.subf %mul3A_1249, %sub3A_1251 : vector<64x128xf32>
    %mul3A_1253 = arith.mulf %get3A_1242, %sub3A_1252 : vector<64x128xf32>
    %mul3A_1254 = arith.constant -1.44269502 : f32
    %mul3A_1255 = vector.broadcast %mul3A_1254 : f32 to vector<64x128xf32>
    %mul3A_1256 = arith.mulf %mul3A_1253, %mul3A_1255 : vector<64x128xf32>
    %min3A_1257 = arith.constant 1.260000e+02 : f32
    %min3A_1258 = vector.broadcast %min3A_1257 : f32 to vector<64x128xf32>
    %min3A_1259 = arith.minimumf %mul3A_1256, %min3A_1258 : vector<64x128xf32>
    %exp23A_1260 = math.exp2 %min3A_1259 : vector<64x128xf32>
    %add3A_1261 = arith.constant 1.000000e+00 : f32
    %add3A_1262 = vector.broadcast %add3A_1261 : f32 to vector<64x128xf32>
    %add3A_1263 = arith.addf %add3A_1262, %exp23A_1260 : vector<64x128xf32>
    %log3A_1264 = math.log %add3A_1263 : vector<64x128xf32>
    %log3A_1265 = arith.constant 2.000000e+00 : f32
    %log3A_1266 = math.log %log3A_1265 : f32
    %div3A_1267 = vector.broadcast %log3A_1266 : f32 to vector<64x128xf32>
    %div3A_1268 = arith.divf %log3A_1264, %div3A_1267 : vector<64x128xf32>
    %sub3A_1269 = arith.subf %min3A_1259, %div3A_1268 : vector<64x128xf32>
    %mul3A_1270 = arith.constant 1.500000e+00 : f32
    %mul3A_1271 = vector.broadcast %mul3A_1270 : f32 to vector<64x128xf32>
    %mul3A_1272 = arith.mulf %mul3A_1271, %sub3A_1269 : vector<64x128xf32>
    %exp23A_1273 = math.exp2 %mul3A_1272 : vector<64x128xf32>
    %mul3A_1274 = arith.mulf %exp23A_1273, %div3A_1268 : vector<64x128xf32>
    %mul3A_1275 = arith.mulf %convert_element_type3A_1246, %mul3A_1274 : vector<64x128xf32>
    %add3A_1276 = arith.addf %add3A_1237, %mul3A_1275 : vector<64x128xf32>
    %add3A_1277 = arith.addf %add3A_1238, %mul3A_1274 : vector<64x128xf32>
    %add3A_1278 = arith.addf %add3A_1239, %convert_element_type3A_1246 : vector<64x128xf32>
    %get3A_1279 = arith.constant 2112 : index
    %get3A_1280 = arith.constant 0 : index
    %get3A_1281 = vector.load %arg1[%get3A_1279, %get3A_1280] : memref<5632x128xf32, #tpu.memory_space<vmem>>, vector<64x128xf32>
    %get3A_1282 = arith.constant 2112 : index
    %get3A_1283 = arith.constant 0 : index
    %get3A_1284 = vector.load %arg2[%get3A_1282, %get3A_1283] : memref<5632x128xi32, #tpu.memory_space<vmem>>, vector<64x128xi32>
    %convert_element_type3A_1285 = arith.sitofp %get3A_1284 : vector<64x128xi32> to vector<64x128xf32>
    %mul3A_1286 = arith.constant 2.000000e+00 : f32
    %mul3A_1287 = vector.broadcast %mul3A_1286 : f32 to vector<64x128xf32>
    %mul3A_1288 = arith.mulf %mul3A_1287, %convert_element_type3A_1285 : vector<64x128xf32>
    %sub3A_1289 = arith.constant 1.000000e+00 : f32
    %sub3A_1290 = vector.broadcast %sub3A_1289 : f32 to vector<64x128xf32>
    %sub3A_1291 = arith.subf %mul3A_1288, %sub3A_1290 : vector<64x128xf32>
    %mul3A_1292 = arith.mulf %get3A_1281, %sub3A_1291 : vector<64x128xf32>
    %mul3A_1293 = arith.constant -1.44269502 : f32
    %mul3A_1294 = vector.broadcast %mul3A_1293 : f32 to vector<64x128xf32>
    %mul3A_1295 = arith.mulf %mul3A_1292, %mul3A_1294 : vector<64x128xf32>
    %min3A_1296 = arith.constant 1.260000e+02 : f32
    %min3A_1297 = vector.broadcast %min3A_1296 : f32 to vector<64x128xf32>
    %min3A_1298 = arith.minimumf %mul3A_1295, %min3A_1297 : vector<64x128xf32>
    %exp23A_1299 = math.exp2 %min3A_1298 : vector<64x128xf32>
    %add3A_1300 = arith.constant 1.000000e+00 : f32
    %add3A_1301 = vector.broadcast %add3A_1300 : f32 to vector<64x128xf32>
    %add3A_1302 = arith.addf %add3A_1301, %exp23A_1299 : vector<64x128xf32>
    %log3A_1303 = math.log %add3A_1302 : vector<64x128xf32>
    %log3A_1304 = arith.constant 2.000000e+00 : f32
    %log3A_1305 = math.log %log3A_1304 : f32
    %div3A_1306 = vector.broadcast %log3A_1305 : f32 to vector<64x128xf32>
    %div3A_1307 = arith.divf %log3A_1303, %div3A_1306 : vector<64x128xf32>
    %sub3A_1308 = arith.subf %min3A_1298, %div3A_1307 : vector<64x128xf32>
    %mul3A_1309 = arith.constant 1.500000e+00 : f32
    %mul3A_1310 = vector.broadcast %mul3A_1309 : f32 to vector<64x128xf32>
    %mul3A_1311 = arith.mulf %mul3A_1310, %sub3A_1308 : vector<64x128xf32>
    %exp23A_1312 = math.exp2 %mul3A_1311 : vector<64x128xf32>
    %mul3A_1313 = arith.mulf %exp23A_1312, %div3A_1307 : vector<64x128xf32>
    %mul3A_1314 = arith.mulf %convert_element_type3A_1285, %mul3A_1313 : vector<64x128xf32>
    %add3A_1315 = arith.addf %add3A_1276, %mul3A_1314 : vector<64x128xf32>
    %add3A_1316 = arith.addf %add3A_1277, %mul3A_1313 : vector<64x128xf32>
    %add3A_1317 = arith.addf %add3A_1278, %convert_element_type3A_1285 : vector<64x128xf32>
    %get3A_1318 = arith.constant 2176 : index
    %get3A_1319 = arith.constant 0 : index
    %get3A_1320 = vector.load %arg1[%get3A_1318, %get3A_1319] : memref<5632x128xf32, #tpu.memory_space<vmem>>, vector<64x128xf32>
    %get3A_1321 = arith.constant 2176 : index
    %get3A_1322 = arith.constant 0 : index
    %get3A_1323 = vector.load %arg2[%get3A_1321, %get3A_1322] : memref<5632x128xi32, #tpu.memory_space<vmem>>, vector<64x128xi32>
    %convert_element_type3A_1324 = arith.sitofp %get3A_1323 : vector<64x128xi32> to vector<64x128xf32>
    %mul3A_1325 = arith.constant 2.000000e+00 : f32
    %mul3A_1326 = vector.broadcast %mul3A_1325 : f32 to vector<64x128xf32>
    %mul3A_1327 = arith.mulf %mul3A_1326, %convert_element_type3A_1324 : vector<64x128xf32>
    %sub3A_1328 = arith.constant 1.000000e+00 : f32
    %sub3A_1329 = vector.broadcast %sub3A_1328 : f32 to vector<64x128xf32>
    %sub3A_1330 = arith.subf %mul3A_1327, %sub3A_1329 : vector<64x128xf32>
    %mul3A_1331 = arith.mulf %get3A_1320, %sub3A_1330 : vector<64x128xf32>
    %mul3A_1332 = arith.constant -1.44269502 : f32
    %mul3A_1333 = vector.broadcast %mul3A_1332 : f32 to vector<64x128xf32>
    %mul3A_1334 = arith.mulf %mul3A_1331, %mul3A_1333 : vector<64x128xf32>
    %min3A_1335 = arith.constant 1.260000e+02 : f32
    %min3A_1336 = vector.broadcast %min3A_1335 : f32 to vector<64x128xf32>
    %min3A_1337 = arith.minimumf %mul3A_1334, %min3A_1336 : vector<64x128xf32>
    %exp23A_1338 = math.exp2 %min3A_1337 : vector<64x128xf32>
    %add3A_1339 = arith.constant 1.000000e+00 : f32
    %add3A_1340 = vector.broadcast %add3A_1339 : f32 to vector<64x128xf32>
    %add3A_1341 = arith.addf %add3A_1340, %exp23A_1338 : vector<64x128xf32>
    %log3A_1342 = math.log %add3A_1341 : vector<64x128xf32>
    %log3A_1343 = arith.constant 2.000000e+00 : f32
    %log3A_1344 = math.log %log3A_1343 : f32
    %div3A_1345 = vector.broadcast %log3A_1344 : f32 to vector<64x128xf32>
    %div3A_1346 = arith.divf %log3A_1342, %div3A_1345 : vector<64x128xf32>
    %sub3A_1347 = arith.subf %min3A_1337, %div3A_1346 : vector<64x128xf32>
    %mul3A_1348 = arith.constant 1.500000e+00 : f32
    %mul3A_1349 = vector.broadcast %mul3A_1348 : f32 to vector<64x128xf32>
    %mul3A_1350 = arith.mulf %mul3A_1349, %sub3A_1347 : vector<64x128xf32>
    %exp23A_1351 = math.exp2 %mul3A_1350 : vector<64x128xf32>
    %mul3A_1352 = arith.mulf %exp23A_1351, %div3A_1346 : vector<64x128xf32>
    %mul3A_1353 = arith.mulf %convert_element_type3A_1324, %mul3A_1352 : vector<64x128xf32>
    %add3A_1354 = arith.addf %add3A_1315, %mul3A_1353 : vector<64x128xf32>
    %add3A_1355 = arith.addf %add3A_1316, %mul3A_1352 : vector<64x128xf32>
    %add3A_1356 = arith.addf %add3A_1317, %convert_element_type3A_1324 : vector<64x128xf32>
    %get3A_1357 = arith.constant 2240 : index
    %get3A_1358 = arith.constant 0 : index
    %get3A_1359 = vector.load %arg1[%get3A_1357, %get3A_1358] : memref<5632x128xf32, #tpu.memory_space<vmem>>, vector<64x128xf32>
    %get3A_1360 = arith.constant 2240 : index
    %get3A_1361 = arith.constant 0 : index
    %get3A_1362 = vector.load %arg2[%get3A_1360, %get3A_1361] : memref<5632x128xi32, #tpu.memory_space<vmem>>, vector<64x128xi32>
    %convert_element_type3A_1363 = arith.sitofp %get3A_1362 : vector<64x128xi32> to vector<64x128xf32>
    %mul3A_1364 = arith.constant 2.000000e+00 : f32
    %mul3A_1365 = vector.broadcast %mul3A_1364 : f32 to vector<64x128xf32>
    %mul3A_1366 = arith.mulf %mul3A_1365, %convert_element_type3A_1363 : vector<64x128xf32>
    %sub3A_1367 = arith.constant 1.000000e+00 : f32
    %sub3A_1368 = vector.broadcast %sub3A_1367 : f32 to vector<64x128xf32>
    %sub3A_1369 = arith.subf %mul3A_1366, %sub3A_1368 : vector<64x128xf32>
    %mul3A_1370 = arith.mulf %get3A_1359, %sub3A_1369 : vector<64x128xf32>
    %mul3A_1371 = arith.constant -1.44269502 : f32
    %mul3A_1372 = vector.broadcast %mul3A_1371 : f32 to vector<64x128xf32>
    %mul3A_1373 = arith.mulf %mul3A_1370, %mul3A_1372 : vector<64x128xf32>
    %min3A_1374 = arith.constant 1.260000e+02 : f32
    %min3A_1375 = vector.broadcast %min3A_1374 : f32 to vector<64x128xf32>
    %min3A_1376 = arith.minimumf %mul3A_1373, %min3A_1375 : vector<64x128xf32>
    %exp23A_1377 = math.exp2 %min3A_1376 : vector<64x128xf32>
    %add3A_1378 = arith.constant 1.000000e+00 : f32
    %add3A_1379 = vector.broadcast %add3A_1378 : f32 to vector<64x128xf32>
    %add3A_1380 = arith.addf %add3A_1379, %exp23A_1377 : vector<64x128xf32>
    %log3A_1381 = math.log %add3A_1380 : vector<64x128xf32>
    %log3A_1382 = arith.constant 2.000000e+00 : f32
    %log3A_1383 = math.log %log3A_1382 : f32
    %div3A_1384 = vector.broadcast %log3A_1383 : f32 to vector<64x128xf32>
    %div3A_1385 = arith.divf %log3A_1381, %div3A_1384 : vector<64x128xf32>
    %sub3A_1386 = arith.subf %min3A_1376, %div3A_1385 : vector<64x128xf32>
    %mul3A_1387 = arith.constant 1.500000e+00 : f32
    %mul3A_1388 = vector.broadcast %mul3A_1387 : f32 to vector<64x128xf32>
    %mul3A_1389 = arith.mulf %mul3A_1388, %sub3A_1386 : vector<64x128xf32>
    %exp23A_1390 = math.exp2 %mul3A_1389 : vector<64x128xf32>
    %mul3A_1391 = arith.mulf %exp23A_1390, %div3A_1385 : vector<64x128xf32>
    %mul3A_1392 = arith.mulf %convert_element_type3A_1363, %mul3A_1391 : vector<64x128xf32>
    %add3A_1393 = arith.addf %add3A_1354, %mul3A_1392 : vector<64x128xf32>
    %add3A_1394 = arith.addf %add3A_1355, %mul3A_1391 : vector<64x128xf32>
    %add3A_1395 = arith.addf %add3A_1356, %convert_element_type3A_1363 : vector<64x128xf32>
    %get3A_1396 = arith.constant 2304 : index
    %get3A_1397 = arith.constant 0 : index
    %get3A_1398 = vector.load %arg1[%get3A_1396, %get3A_1397] : memref<5632x128xf32, #tpu.memory_space<vmem>>, vector<64x128xf32>
    %get3A_1399 = arith.constant 2304 : index
    %get3A_1400 = arith.constant 0 : index
    %get3A_1401 = vector.load %arg2[%get3A_1399, %get3A_1400] : memref<5632x128xi32, #tpu.memory_space<vmem>>, vector<64x128xi32>
    %convert_element_type3A_1402 = arith.sitofp %get3A_1401 : vector<64x128xi32> to vector<64x128xf32>
    %mul3A_1403 = arith.constant 2.000000e+00 : f32
    %mul3A_1404 = vector.broadcast %mul3A_1403 : f32 to vector<64x128xf32>
    %mul3A_1405 = arith.mulf %mul3A_1404, %convert_element_type3A_1402 : vector<64x128xf32>
    %sub3A_1406 = arith.constant 1.000000e+00 : f32
    %sub3A_1407 = vector.broadcast %sub3A_1406 : f32 to vector<64x128xf32>
    %sub3A_1408 = arith.subf %mul3A_1405, %sub3A_1407 : vector<64x128xf32>
    %mul3A_1409 = arith.mulf %get3A_1398, %sub3A_1408 : vector<64x128xf32>
    %mul3A_1410 = arith.constant -1.44269502 : f32
    %mul3A_1411 = vector.broadcast %mul3A_1410 : f32 to vector<64x128xf32>
    %mul3A_1412 = arith.mulf %mul3A_1409, %mul3A_1411 : vector<64x128xf32>
    %min3A_1413 = arith.constant 1.260000e+02 : f32
    %min3A_1414 = vector.broadcast %min3A_1413 : f32 to vector<64x128xf32>
    %min3A_1415 = arith.minimumf %mul3A_1412, %min3A_1414 : vector<64x128xf32>
    %exp23A_1416 = math.exp2 %min3A_1415 : vector<64x128xf32>
    %add3A_1417 = arith.constant 1.000000e+00 : f32
    %add3A_1418 = vector.broadcast %add3A_1417 : f32 to vector<64x128xf32>
    %add3A_1419 = arith.addf %add3A_1418, %exp23A_1416 : vector<64x128xf32>
    %log3A_1420 = math.log %add3A_1419 : vector<64x128xf32>
    %log3A_1421 = arith.constant 2.000000e+00 : f32
    %log3A_1422 = math.log %log3A_1421 : f32
    %div3A_1423 = vector.broadcast %log3A_1422 : f32 to vector<64x128xf32>
    %div3A_1424 = arith.divf %log3A_1420, %div3A_1423 : vector<64x128xf32>
    %sub3A_1425 = arith.subf %min3A_1415, %div3A_1424 : vector<64x128xf32>
    %mul3A_1426 = arith.constant 1.500000e+00 : f32
    %mul3A_1427 = vector.broadcast %mul3A_1426 : f32 to vector<64x128xf32>
    %mul3A_1428 = arith.mulf %mul3A_1427, %sub3A_1425 : vector<64x128xf32>
    %exp23A_1429 = math.exp2 %mul3A_1428 : vector<64x128xf32>
    %mul3A_1430 = arith.mulf %exp23A_1429, %div3A_1424 : vector<64x128xf32>
    %mul3A_1431 = arith.mulf %convert_element_type3A_1402, %mul3A_1430 : vector<64x128xf32>
    %add3A_1432 = arith.addf %add3A_1393, %mul3A_1431 : vector<64x128xf32>
    %add3A_1433 = arith.addf %add3A_1394, %mul3A_1430 : vector<64x128xf32>
    %add3A_1434 = arith.addf %add3A_1395, %convert_element_type3A_1402 : vector<64x128xf32>
    %get3A_1435 = arith.constant 2368 : index
    %get3A_1436 = arith.constant 0 : index
    %get3A_1437 = vector.load %arg1[%get3A_1435, %get3A_1436] : memref<5632x128xf32, #tpu.memory_space<vmem>>, vector<64x128xf32>
    %get3A_1438 = arith.constant 2368 : index
    %get3A_1439 = arith.constant 0 : index
    %get3A_1440 = vector.load %arg2[%get3A_1438, %get3A_1439] : memref<5632x128xi32, #tpu.memory_space<vmem>>, vector<64x128xi32>
    %convert_element_type3A_1441 = arith.sitofp %get3A_1440 : vector<64x128xi32> to vector<64x128xf32>
    %mul3A_1442 = arith.constant 2.000000e+00 : f32
    %mul3A_1443 = vector.broadcast %mul3A_1442 : f32 to vector<64x128xf32>
    %mul3A_1444 = arith.mulf %mul3A_1443, %convert_element_type3A_1441 : vector<64x128xf32>
    %sub3A_1445 = arith.constant 1.000000e+00 : f32
    %sub3A_1446 = vector.broadcast %sub3A_1445 : f32 to vector<64x128xf32>
    %sub3A_1447 = arith.subf %mul3A_1444, %sub3A_1446 : vector<64x128xf32>
    %mul3A_1448 = arith.mulf %get3A_1437, %sub3A_1447 : vector<64x128xf32>
    %mul3A_1449 = arith.constant -1.44269502 : f32
    %mul3A_1450 = vector.broadcast %mul3A_1449 : f32 to vector<64x128xf32>
    %mul3A_1451 = arith.mulf %mul3A_1448, %mul3A_1450 : vector<64x128xf32>
    %min3A_1452 = arith.constant 1.260000e+02 : f32
    %min3A_1453 = vector.broadcast %min3A_1452 : f32 to vector<64x128xf32>
    %min3A_1454 = arith.minimumf %mul3A_1451, %min3A_1453 : vector<64x128xf32>
    %exp23A_1455 = math.exp2 %min3A_1454 : vector<64x128xf32>
    %add3A_1456 = arith.constant 1.000000e+00 : f32
    %add3A_1457 = vector.broadcast %add3A_1456 : f32 to vector<64x128xf32>
    %add3A_1458 = arith.addf %add3A_1457, %exp23A_1455 : vector<64x128xf32>
    %log3A_1459 = math.log %add3A_1458 : vector<64x128xf32>
    %log3A_1460 = arith.constant 2.000000e+00 : f32
    %log3A_1461 = math.log %log3A_1460 : f32
    %div3A_1462 = vector.broadcast %log3A_1461 : f32 to vector<64x128xf32>
    %div3A_1463 = arith.divf %log3A_1459, %div3A_1462 : vector<64x128xf32>
    %sub3A_1464 = arith.subf %min3A_1454, %div3A_1463 : vector<64x128xf32>
    %mul3A_1465 = arith.constant 1.500000e+00 : f32
    %mul3A_1466 = vector.broadcast %mul3A_1465 : f32 to vector<64x128xf32>
    %mul3A_1467 = arith.mulf %mul3A_1466, %sub3A_1464 : vector<64x128xf32>
    %exp23A_1468 = math.exp2 %mul3A_1467 : vector<64x128xf32>
    %mul3A_1469 = arith.mulf %exp23A_1468, %div3A_1463 : vector<64x128xf32>
    %mul3A_1470 = arith.mulf %convert_element_type3A_1441, %mul3A_1469 : vector<64x128xf32>
    %add3A_1471 = arith.addf %add3A_1432, %mul3A_1470 : vector<64x128xf32>
    %add3A_1472 = arith.addf %add3A_1433, %mul3A_1469 : vector<64x128xf32>
    %add3A_1473 = arith.addf %add3A_1434, %convert_element_type3A_1441 : vector<64x128xf32>
    %get3A_1474 = arith.constant 2432 : index
    %get3A_1475 = arith.constant 0 : index
    %get3A_1476 = vector.load %arg1[%get3A_1474, %get3A_1475] : memref<5632x128xf32, #tpu.memory_space<vmem>>, vector<64x128xf32>
    %get3A_1477 = arith.constant 2432 : index
    %get3A_1478 = arith.constant 0 : index
    %get3A_1479 = vector.load %arg2[%get3A_1477, %get3A_1478] : memref<5632x128xi32, #tpu.memory_space<vmem>>, vector<64x128xi32>
    %convert_element_type3A_1480 = arith.sitofp %get3A_1479 : vector<64x128xi32> to vector<64x128xf32>
    %mul3A_1481 = arith.constant 2.000000e+00 : f32
    %mul3A_1482 = vector.broadcast %mul3A_1481 : f32 to vector<64x128xf32>
    %mul3A_1483 = arith.mulf %mul3A_1482, %convert_element_type3A_1480 : vector<64x128xf32>
    %sub3A_1484 = arith.constant 1.000000e+00 : f32
    %sub3A_1485 = vector.broadcast %sub3A_1484 : f32 to vector<64x128xf32>
    %sub3A_1486 = arith.subf %mul3A_1483, %sub3A_1485 : vector<64x128xf32>
    %mul3A_1487 = arith.mulf %get3A_1476, %sub3A_1486 : vector<64x128xf32>
    %mul3A_1488 = arith.constant -1.44269502 : f32
    %mul3A_1489 = vector.broadcast %mul3A_1488 : f32 to vector<64x128xf32>
    %mul3A_1490 = arith.mulf %mul3A_1487, %mul3A_1489 : vector<64x128xf32>
    %min3A_1491 = arith.constant 1.260000e+02 : f32
    %min3A_1492 = vector.broadcast %min3A_1491 : f32 to vector<64x128xf32>
    %min3A_1493 = arith.minimumf %mul3A_1490, %min3A_1492 : vector<64x128xf32>
    %exp23A_1494 = math.exp2 %min3A_1493 : vector<64x128xf32>
    %add3A_1495 = arith.constant 1.000000e+00 : f32
    %add3A_1496 = vector.broadcast %add3A_1495 : f32 to vector<64x128xf32>
    %add3A_1497 = arith.addf %add3A_1496, %exp23A_1494 : vector<64x128xf32>
    %log3A_1498 = math.log %add3A_1497 : vector<64x128xf32>
    %log3A_1499 = arith.constant 2.000000e+00 : f32
    %log3A_1500 = math.log %log3A_1499 : f32
    %div3A_1501 = vector.broadcast %log3A_1500 : f32 to vector<64x128xf32>
    %div3A_1502 = arith.divf %log3A_1498, %div3A_1501 : vector<64x128xf32>
    %sub3A_1503 = arith.subf %min3A_1493, %div3A_1502 : vector<64x128xf32>
    %mul3A_1504 = arith.constant 1.500000e+00 : f32
    %mul3A_1505 = vector.broadcast %mul3A_1504 : f32 to vector<64x128xf32>
    %mul3A_1506 = arith.mulf %mul3A_1505, %sub3A_1503 : vector<64x128xf32>
    %exp23A_1507 = math.exp2 %mul3A_1506 : vector<64x128xf32>
    %mul3A_1508 = arith.mulf %exp23A_1507, %div3A_1502 : vector<64x128xf32>
    %mul3A_1509 = arith.mulf %convert_element_type3A_1480, %mul3A_1508 : vector<64x128xf32>
    %add3A_1510 = arith.addf %add3A_1471, %mul3A_1509 : vector<64x128xf32>
    %add3A_1511 = arith.addf %add3A_1472, %mul3A_1508 : vector<64x128xf32>
    %add3A_1512 = arith.addf %add3A_1473, %convert_element_type3A_1480 : vector<64x128xf32>
    %get3A_1513 = arith.constant 2496 : index
    %get3A_1514 = arith.constant 0 : index
    %get3A_1515 = vector.load %arg1[%get3A_1513, %get3A_1514] : memref<5632x128xf32, #tpu.memory_space<vmem>>, vector<64x128xf32>
    %get3A_1516 = arith.constant 2496 : index
    %get3A_1517 = arith.constant 0 : index
    %get3A_1518 = vector.load %arg2[%get3A_1516, %get3A_1517] : memref<5632x128xi32, #tpu.memory_space<vmem>>, vector<64x128xi32>
    %convert_element_type3A_1519 = arith.sitofp %get3A_1518 : vector<64x128xi32> to vector<64x128xf32>
    %mul3A_1520 = arith.constant 2.000000e+00 : f32
    %mul3A_1521 = vector.broadcast %mul3A_1520 : f32 to vector<64x128xf32>
    %mul3A_1522 = arith.mulf %mul3A_1521, %convert_element_type3A_1519 : vector<64x128xf32>
    %sub3A_1523 = arith.constant 1.000000e+00 : f32
    %sub3A_1524 = vector.broadcast %sub3A_1523 : f32 to vector<64x128xf32>
    %sub3A_1525 = arith.subf %mul3A_1522, %sub3A_1524 : vector<64x128xf32>
    %mul3A_1526 = arith.mulf %get3A_1515, %sub3A_1525 : vector<64x128xf32>
    %mul3A_1527 = arith.constant -1.44269502 : f32
    %mul3A_1528 = vector.broadcast %mul3A_1527 : f32 to vector<64x128xf32>
    %mul3A_1529 = arith.mulf %mul3A_1526, %mul3A_1528 : vector<64x128xf32>
    %min3A_1530 = arith.constant 1.260000e+02 : f32
    %min3A_1531 = vector.broadcast %min3A_1530 : f32 to vector<64x128xf32>
    %min3A_1532 = arith.minimumf %mul3A_1529, %min3A_1531 : vector<64x128xf32>
    %exp23A_1533 = math.exp2 %min3A_1532 : vector<64x128xf32>
    %add3A_1534 = arith.constant 1.000000e+00 : f32
    %add3A_1535 = vector.broadcast %add3A_1534 : f32 to vector<64x128xf32>
    %add3A_1536 = arith.addf %add3A_1535, %exp23A_1533 : vector<64x128xf32>
    %log3A_1537 = math.log %add3A_1536 : vector<64x128xf32>
    %log3A_1538 = arith.constant 2.000000e+00 : f32
    %log3A_1539 = math.log %log3A_1538 : f32
    %div3A_1540 = vector.broadcast %log3A_1539 : f32 to vector<64x128xf32>
    %div3A_1541 = arith.divf %log3A_1537, %div3A_1540 : vector<64x128xf32>
    %sub3A_1542 = arith.subf %min3A_1532, %div3A_1541 : vector<64x128xf32>
    %mul3A_1543 = arith.constant 1.500000e+00 : f32
    %mul3A_1544 = vector.broadcast %mul3A_1543 : f32 to vector<64x128xf32>
    %mul3A_1545 = arith.mulf %mul3A_1544, %sub3A_1542 : vector<64x128xf32>
    %exp23A_1546 = math.exp2 %mul3A_1545 : vector<64x128xf32>
    %mul3A_1547 = arith.mulf %exp23A_1546, %div3A_1541 : vector<64x128xf32>
    %mul3A_1548 = arith.mulf %convert_element_type3A_1519, %mul3A_1547 : vector<64x128xf32>
    %add3A_1549 = arith.addf %add3A_1510, %mul3A_1548 : vector<64x128xf32>
    %add3A_1550 = arith.addf %add3A_1511, %mul3A_1547 : vector<64x128xf32>
    %add3A_1551 = arith.addf %add3A_1512, %convert_element_type3A_1519 : vector<64x128xf32>
    %get3A_1552 = arith.constant 2560 : index
    %get3A_1553 = arith.constant 0 : index
    %get3A_1554 = vector.load %arg1[%get3A_1552, %get3A_1553] : memref<5632x128xf32, #tpu.memory_space<vmem>>, vector<64x128xf32>
    %get3A_1555 = arith.constant 2560 : index
    %get3A_1556 = arith.constant 0 : index
    %get3A_1557 = vector.load %arg2[%get3A_1555, %get3A_1556] : memref<5632x128xi32, #tpu.memory_space<vmem>>, vector<64x128xi32>
    %convert_element_type3A_1558 = arith.sitofp %get3A_1557 : vector<64x128xi32> to vector<64x128xf32>
    %mul3A_1559 = arith.constant 2.000000e+00 : f32
    %mul3A_1560 = vector.broadcast %mul3A_1559 : f32 to vector<64x128xf32>
    %mul3A_1561 = arith.mulf %mul3A_1560, %convert_element_type3A_1558 : vector<64x128xf32>
    %sub3A_1562 = arith.constant 1.000000e+00 : f32
    %sub3A_1563 = vector.broadcast %sub3A_1562 : f32 to vector<64x128xf32>
    %sub3A_1564 = arith.subf %mul3A_1561, %sub3A_1563 : vector<64x128xf32>
    %mul3A_1565 = arith.mulf %get3A_1554, %sub3A_1564 : vector<64x128xf32>
    %mul3A_1566 = arith.constant -1.44269502 : f32
    %mul3A_1567 = vector.broadcast %mul3A_1566 : f32 to vector<64x128xf32>
    %mul3A_1568 = arith.mulf %mul3A_1565, %mul3A_1567 : vector<64x128xf32>
    %min3A_1569 = arith.constant 1.260000e+02 : f32
    %min3A_1570 = vector.broadcast %min3A_1569 : f32 to vector<64x128xf32>
    %min3A_1571 = arith.minimumf %mul3A_1568, %min3A_1570 : vector<64x128xf32>
    %exp23A_1572 = math.exp2 %min3A_1571 : vector<64x128xf32>
    %add3A_1573 = arith.constant 1.000000e+00 : f32
    %add3A_1574 = vector.broadcast %add3A_1573 : f32 to vector<64x128xf32>
    %add3A_1575 = arith.addf %add3A_1574, %exp23A_1572 : vector<64x128xf32>
    %log3A_1576 = math.log %add3A_1575 : vector<64x128xf32>
    %log3A_1577 = arith.constant 2.000000e+00 : f32
    %log3A_1578 = math.log %log3A_1577 : f32
    %div3A_1579 = vector.broadcast %log3A_1578 : f32 to vector<64x128xf32>
    %div3A_1580 = arith.divf %log3A_1576, %div3A_1579 : vector<64x128xf32>
    %sub3A_1581 = arith.subf %min3A_1571, %div3A_1580 : vector<64x128xf32>
    %mul3A_1582 = arith.constant 1.500000e+00 : f32
    %mul3A_1583 = vector.broadcast %mul3A_1582 : f32 to vector<64x128xf32>
    %mul3A_1584 = arith.mulf %mul3A_1583, %sub3A_1581 : vector<64x128xf32>
    %exp23A_1585 = math.exp2 %mul3A_1584 : vector<64x128xf32>
    %mul3A_1586 = arith.mulf %exp23A_1585, %div3A_1580 : vector<64x128xf32>
    %mul3A_1587 = arith.mulf %convert_element_type3A_1558, %mul3A_1586 : vector<64x128xf32>
    %add3A_1588 = arith.addf %add3A_1549, %mul3A_1587 : vector<64x128xf32>
    %add3A_1589 = arith.addf %add3A_1550, %mul3A_1586 : vector<64x128xf32>
    %add3A_1590 = arith.addf %add3A_1551, %convert_element_type3A_1558 : vector<64x128xf32>
    %get3A_1591 = arith.constant 2624 : index
    %get3A_1592 = arith.constant 0 : index
    %get3A_1593 = vector.load %arg1[%get3A_1591, %get3A_1592] : memref<5632x128xf32, #tpu.memory_space<vmem>>, vector<64x128xf32>
    %get3A_1594 = arith.constant 2624 : index
    %get3A_1595 = arith.constant 0 : index
    %get3A_1596 = vector.load %arg2[%get3A_1594, %get3A_1595] : memref<5632x128xi32, #tpu.memory_space<vmem>>, vector<64x128xi32>
    %convert_element_type3A_1597 = arith.sitofp %get3A_1596 : vector<64x128xi32> to vector<64x128xf32>
    %mul3A_1598 = arith.constant 2.000000e+00 : f32
    %mul3A_1599 = vector.broadcast %mul3A_1598 : f32 to vector<64x128xf32>
    %mul3A_1600 = arith.mulf %mul3A_1599, %convert_element_type3A_1597 : vector<64x128xf32>
    %sub3A_1601 = arith.constant 1.000000e+00 : f32
    %sub3A_1602 = vector.broadcast %sub3A_1601 : f32 to vector<64x128xf32>
    %sub3A_1603 = arith.subf %mul3A_1600, %sub3A_1602 : vector<64x128xf32>
    %mul3A_1604 = arith.mulf %get3A_1593, %sub3A_1603 : vector<64x128xf32>
    %mul3A_1605 = arith.constant -1.44269502 : f32
    %mul3A_1606 = vector.broadcast %mul3A_1605 : f32 to vector<64x128xf32>
    %mul3A_1607 = arith.mulf %mul3A_1604, %mul3A_1606 : vector<64x128xf32>
    %min3A_1608 = arith.constant 1.260000e+02 : f32
    %min3A_1609 = vector.broadcast %min3A_1608 : f32 to vector<64x128xf32>
    %min3A_1610 = arith.minimumf %mul3A_1607, %min3A_1609 : vector<64x128xf32>
    %exp23A_1611 = math.exp2 %min3A_1610 : vector<64x128xf32>
    %add3A_1612 = arith.constant 1.000000e+00 : f32
    %add3A_1613 = vector.broadcast %add3A_1612 : f32 to vector<64x128xf32>
    %add3A_1614 = arith.addf %add3A_1613, %exp23A_1611 : vector<64x128xf32>
    %log3A_1615 = math.log %add3A_1614 : vector<64x128xf32>
    %log3A_1616 = arith.constant 2.000000e+00 : f32
    %log3A_1617 = math.log %log3A_1616 : f32
    %div3A_1618 = vector.broadcast %log3A_1617 : f32 to vector<64x128xf32>
    %div3A_1619 = arith.divf %log3A_1615, %div3A_1618 : vector<64x128xf32>
    %sub3A_1620 = arith.subf %min3A_1610, %div3A_1619 : vector<64x128xf32>
    %mul3A_1621 = arith.constant 1.500000e+00 : f32
    %mul3A_1622 = vector.broadcast %mul3A_1621 : f32 to vector<64x128xf32>
    %mul3A_1623 = arith.mulf %mul3A_1622, %sub3A_1620 : vector<64x128xf32>
    %exp23A_1624 = math.exp2 %mul3A_1623 : vector<64x128xf32>
    %mul3A_1625 = arith.mulf %exp23A_1624, %div3A_1619 : vector<64x128xf32>
    %mul3A_1626 = arith.mulf %convert_element_type3A_1597, %mul3A_1625 : vector<64x128xf32>
    %add3A_1627 = arith.addf %add3A_1588, %mul3A_1626 : vector<64x128xf32>
    %add3A_1628 = arith.addf %add3A_1589, %mul3A_1625 : vector<64x128xf32>
    %add3A_1629 = arith.addf %add3A_1590, %convert_element_type3A_1597 : vector<64x128xf32>
    %get3A_1630 = arith.constant 2688 : index
    %get3A_1631 = arith.constant 0 : index
    %get3A_1632 = vector.load %arg1[%get3A_1630, %get3A_1631] : memref<5632x128xf32, #tpu.memory_space<vmem>>, vector<64x128xf32>
    %get3A_1633 = arith.constant 2688 : index
    %get3A_1634 = arith.constant 0 : index
    %get3A_1635 = vector.load %arg2[%get3A_1633, %get3A_1634] : memref<5632x128xi32, #tpu.memory_space<vmem>>, vector<64x128xi32>
    %convert_element_type3A_1636 = arith.sitofp %get3A_1635 : vector<64x128xi32> to vector<64x128xf32>
    %mul3A_1637 = arith.constant 2.000000e+00 : f32
    %mul3A_1638 = vector.broadcast %mul3A_1637 : f32 to vector<64x128xf32>
    %mul3A_1639 = arith.mulf %mul3A_1638, %convert_element_type3A_1636 : vector<64x128xf32>
    %sub3A_1640 = arith.constant 1.000000e+00 : f32
    %sub3A_1641 = vector.broadcast %sub3A_1640 : f32 to vector<64x128xf32>
    %sub3A_1642 = arith.subf %mul3A_1639, %sub3A_1641 : vector<64x128xf32>
    %mul3A_1643 = arith.mulf %get3A_1632, %sub3A_1642 : vector<64x128xf32>
    %mul3A_1644 = arith.constant -1.44269502 : f32
    %mul3A_1645 = vector.broadcast %mul3A_1644 : f32 to vector<64x128xf32>
    %mul3A_1646 = arith.mulf %mul3A_1643, %mul3A_1645 : vector<64x128xf32>
    %min3A_1647 = arith.constant 1.260000e+02 : f32
    %min3A_1648 = vector.broadcast %min3A_1647 : f32 to vector<64x128xf32>
    %min3A_1649 = arith.minimumf %mul3A_1646, %min3A_1648 : vector<64x128xf32>
    %exp23A_1650 = math.exp2 %min3A_1649 : vector<64x128xf32>
    %add3A_1651 = arith.constant 1.000000e+00 : f32
    %add3A_1652 = vector.broadcast %add3A_1651 : f32 to vector<64x128xf32>
    %add3A_1653 = arith.addf %add3A_1652, %exp23A_1650 : vector<64x128xf32>
    %log3A_1654 = math.log %add3A_1653 : vector<64x128xf32>
    %log3A_1655 = arith.constant 2.000000e+00 : f32
    %log3A_1656 = math.log %log3A_1655 : f32
    %div3A_1657 = vector.broadcast %log3A_1656 : f32 to vector<64x128xf32>
    %div3A_1658 = arith.divf %log3A_1654, %div3A_1657 : vector<64x128xf32>
    %sub3A_1659 = arith.subf %min3A_1649, %div3A_1658 : vector<64x128xf32>
    %mul3A_1660 = arith.constant 1.500000e+00 : f32
    %mul3A_1661 = vector.broadcast %mul3A_1660 : f32 to vector<64x128xf32>
    %mul3A_1662 = arith.mulf %mul3A_1661, %sub3A_1659 : vector<64x128xf32>
    %exp23A_1663 = math.exp2 %mul3A_1662 : vector<64x128xf32>
    %mul3A_1664 = arith.mulf %exp23A_1663, %div3A_1658 : vector<64x128xf32>
    %mul3A_1665 = arith.mulf %convert_element_type3A_1636, %mul3A_1664 : vector<64x128xf32>
    %add3A_1666 = arith.addf %add3A_1627, %mul3A_1665 : vector<64x128xf32>
    %add3A_1667 = arith.addf %add3A_1628, %mul3A_1664 : vector<64x128xf32>
    %add3A_1668 = arith.addf %add3A_1629, %convert_element_type3A_1636 : vector<64x128xf32>
    %get3A_1669 = arith.constant 2752 : index
    %get3A_1670 = arith.constant 0 : index
    %get3A_1671 = vector.load %arg1[%get3A_1669, %get3A_1670] : memref<5632x128xf32, #tpu.memory_space<vmem>>, vector<64x128xf32>
    %get3A_1672 = arith.constant 2752 : index
    %get3A_1673 = arith.constant 0 : index
    %get3A_1674 = vector.load %arg2[%get3A_1672, %get3A_1673] : memref<5632x128xi32, #tpu.memory_space<vmem>>, vector<64x128xi32>
    %convert_element_type3A_1675 = arith.sitofp %get3A_1674 : vector<64x128xi32> to vector<64x128xf32>
    %mul3A_1676 = arith.constant 2.000000e+00 : f32
    %mul3A_1677 = vector.broadcast %mul3A_1676 : f32 to vector<64x128xf32>
    %mul3A_1678 = arith.mulf %mul3A_1677, %convert_element_type3A_1675 : vector<64x128xf32>
    %sub3A_1679 = arith.constant 1.000000e+00 : f32
    %sub3A_1680 = vector.broadcast %sub3A_1679 : f32 to vector<64x128xf32>
    %sub3A_1681 = arith.subf %mul3A_1678, %sub3A_1680 : vector<64x128xf32>
    %mul3A_1682 = arith.mulf %get3A_1671, %sub3A_1681 : vector<64x128xf32>
    %mul3A_1683 = arith.constant -1.44269502 : f32
    %mul3A_1684 = vector.broadcast %mul3A_1683 : f32 to vector<64x128xf32>
    %mul3A_1685 = arith.mulf %mul3A_1682, %mul3A_1684 : vector<64x128xf32>
    %min3A_1686 = arith.constant 1.260000e+02 : f32
    %min3A_1687 = vector.broadcast %min3A_1686 : f32 to vector<64x128xf32>
    %min3A_1688 = arith.minimumf %mul3A_1685, %min3A_1687 : vector<64x128xf32>
    %exp23A_1689 = math.exp2 %min3A_1688 : vector<64x128xf32>
    %add3A_1690 = arith.constant 1.000000e+00 : f32
    %add3A_1691 = vector.broadcast %add3A_1690 : f32 to vector<64x128xf32>
    %add3A_1692 = arith.addf %add3A_1691, %exp23A_1689 : vector<64x128xf32>
    %log3A_1693 = math.log %add3A_1692 : vector<64x128xf32>
    %log3A_1694 = arith.constant 2.000000e+00 : f32
    %log3A_1695 = math.log %log3A_1694 : f32
    %div3A_1696 = vector.broadcast %log3A_1695 : f32 to vector<64x128xf32>
    %div3A_1697 = arith.divf %log3A_1693, %div3A_1696 : vector<64x128xf32>
    %sub3A_1698 = arith.subf %min3A_1688, %div3A_1697 : vector<64x128xf32>
    %mul3A_1699 = arith.constant 1.500000e+00 : f32
    %mul3A_1700 = vector.broadcast %mul3A_1699 : f32 to vector<64x128xf32>
    %mul3A_1701 = arith.mulf %mul3A_1700, %sub3A_1698 : vector<64x128xf32>
    %exp23A_1702 = math.exp2 %mul3A_1701 : vector<64x128xf32>
    %mul3A_1703 = arith.mulf %exp23A_1702, %div3A_1697 : vector<64x128xf32>
    %mul3A_1704 = arith.mulf %convert_element_type3A_1675, %mul3A_1703 : vector<64x128xf32>
    %add3A_1705 = arith.addf %add3A_1666, %mul3A_1704 : vector<64x128xf32>
    %add3A_1706 = arith.addf %add3A_1667, %mul3A_1703 : vector<64x128xf32>
    %add3A_1707 = arith.addf %add3A_1668, %convert_element_type3A_1675 : vector<64x128xf32>
    %get3A_1708 = arith.constant 2816 : index
    %get3A_1709 = arith.constant 0 : index
    %get3A_1710 = vector.load %arg1[%get3A_1708, %get3A_1709] : memref<5632x128xf32, #tpu.memory_space<vmem>>, vector<64x128xf32>
    %get3A_1711 = arith.constant 2816 : index
    %get3A_1712 = arith.constant 0 : index
    %get3A_1713 = vector.load %arg2[%get3A_1711, %get3A_1712] : memref<5632x128xi32, #tpu.memory_space<vmem>>, vector<64x128xi32>
    %convert_element_type3A_1714 = arith.sitofp %get3A_1713 : vector<64x128xi32> to vector<64x128xf32>
    %mul3A_1715 = arith.constant 2.000000e+00 : f32
    %mul3A_1716 = vector.broadcast %mul3A_1715 : f32 to vector<64x128xf32>
    %mul3A_1717 = arith.mulf %mul3A_1716, %convert_element_type3A_1714 : vector<64x128xf32>
    %sub3A_1718 = arith.constant 1.000000e+00 : f32
    %sub3A_1719 = vector.broadcast %sub3A_1718 : f32 to vector<64x128xf32>
    %sub3A_1720 = arith.subf %mul3A_1717, %sub3A_1719 : vector<64x128xf32>
    %mul3A_1721 = arith.mulf %get3A_1710, %sub3A_1720 : vector<64x128xf32>
    %mul3A_1722 = arith.constant -1.44269502 : f32
    %mul3A_1723 = vector.broadcast %mul3A_1722 : f32 to vector<64x128xf32>
    %mul3A_1724 = arith.mulf %mul3A_1721, %mul3A_1723 : vector<64x128xf32>
    %min3A_1725 = arith.constant 1.260000e+02 : f32
    %min3A_1726 = vector.broadcast %min3A_1725 : f32 to vector<64x128xf32>
    %min3A_1727 = arith.minimumf %mul3A_1724, %min3A_1726 : vector<64x128xf32>
    %exp23A_1728 = math.exp2 %min3A_1727 : vector<64x128xf32>
    %add3A_1729 = arith.constant 1.000000e+00 : f32
    %add3A_1730 = vector.broadcast %add3A_1729 : f32 to vector<64x128xf32>
    %add3A_1731 = arith.addf %add3A_1730, %exp23A_1728 : vector<64x128xf32>
    %log3A_1732 = math.log %add3A_1731 : vector<64x128xf32>
    %log3A_1733 = arith.constant 2.000000e+00 : f32
    %log3A_1734 = math.log %log3A_1733 : f32
    %div3A_1735 = vector.broadcast %log3A_1734 : f32 to vector<64x128xf32>
    %div3A_1736 = arith.divf %log3A_1732, %div3A_1735 : vector<64x128xf32>
    %sub3A_1737 = arith.subf %min3A_1727, %div3A_1736 : vector<64x128xf32>
    %mul3A_1738 = arith.constant 1.500000e+00 : f32
    %mul3A_1739 = vector.broadcast %mul3A_1738 : f32 to vector<64x128xf32>
    %mul3A_1740 = arith.mulf %mul3A_1739, %sub3A_1737 : vector<64x128xf32>
    %exp23A_1741 = math.exp2 %mul3A_1740 : vector<64x128xf32>
    %mul3A_1742 = arith.mulf %exp23A_1741, %div3A_1736 : vector<64x128xf32>
    %mul3A_1743 = arith.mulf %convert_element_type3A_1714, %mul3A_1742 : vector<64x128xf32>
    %add3A_1744 = arith.addf %add3A_1705, %mul3A_1743 : vector<64x128xf32>
    %add3A_1745 = arith.addf %add3A_1706, %mul3A_1742 : vector<64x128xf32>
    %add3A_1746 = arith.addf %add3A_1707, %convert_element_type3A_1714 : vector<64x128xf32>
    %get3A_1747 = arith.constant 2880 : index
    %get3A_1748 = arith.constant 0 : index
    %get3A_1749 = vector.load %arg1[%get3A_1747, %get3A_1748] : memref<5632x128xf32, #tpu.memory_space<vmem>>, vector<64x128xf32>
    %get3A_1750 = arith.constant 2880 : index
    %get3A_1751 = arith.constant 0 : index
    %get3A_1752 = vector.load %arg2[%get3A_1750, %get3A_1751] : memref<5632x128xi32, #tpu.memory_space<vmem>>, vector<64x128xi32>
    %convert_element_type3A_1753 = arith.sitofp %get3A_1752 : vector<64x128xi32> to vector<64x128xf32>
    %mul3A_1754 = arith.constant 2.000000e+00 : f32
    %mul3A_1755 = vector.broadcast %mul3A_1754 : f32 to vector<64x128xf32>
    %mul3A_1756 = arith.mulf %mul3A_1755, %convert_element_type3A_1753 : vector<64x128xf32>
    %sub3A_1757 = arith.constant 1.000000e+00 : f32
    %sub3A_1758 = vector.broadcast %sub3A_1757 : f32 to vector<64x128xf32>
    %sub3A_1759 = arith.subf %mul3A_1756, %sub3A_1758 : vector<64x128xf32>
    %mul3A_1760 = arith.mulf %get3A_1749, %sub3A_1759 : vector<64x128xf32>
    %mul3A_1761 = arith.constant -1.44269502 : f32
    %mul3A_1762 = vector.broadcast %mul3A_1761 : f32 to vector<64x128xf32>
    %mul3A_1763 = arith.mulf %mul3A_1760, %mul3A_1762 : vector<64x128xf32>
    %min3A_1764 = arith.constant 1.260000e+02 : f32
    %min3A_1765 = vector.broadcast %min3A_1764 : f32 to vector<64x128xf32>
    %min3A_1766 = arith.minimumf %mul3A_1763, %min3A_1765 : vector<64x128xf32>
    %exp23A_1767 = math.exp2 %min3A_1766 : vector<64x128xf32>
    %add3A_1768 = arith.constant 1.000000e+00 : f32
    %add3A_1769 = vector.broadcast %add3A_1768 : f32 to vector<64x128xf32>
    %add3A_1770 = arith.addf %add3A_1769, %exp23A_1767 : vector<64x128xf32>
    %log3A_1771 = math.log %add3A_1770 : vector<64x128xf32>
    %log3A_1772 = arith.constant 2.000000e+00 : f32
    %log3A_1773 = math.log %log3A_1772 : f32
    %div3A_1774 = vector.broadcast %log3A_1773 : f32 to vector<64x128xf32>
    %div3A_1775 = arith.divf %log3A_1771, %div3A_1774 : vector<64x128xf32>
    %sub3A_1776 = arith.subf %min3A_1766, %div3A_1775 : vector<64x128xf32>
    %mul3A_1777 = arith.constant 1.500000e+00 : f32
    %mul3A_1778 = vector.broadcast %mul3A_1777 : f32 to vector<64x128xf32>
    %mul3A_1779 = arith.mulf %mul3A_1778, %sub3A_1776 : vector<64x128xf32>
    %exp23A_1780 = math.exp2 %mul3A_1779 : vector<64x128xf32>
    %mul3A_1781 = arith.mulf %exp23A_1780, %div3A_1775 : vector<64x128xf32>
    %mul3A_1782 = arith.mulf %convert_element_type3A_1753, %mul3A_1781 : vector<64x128xf32>
    %add3A_1783 = arith.addf %add3A_1744, %mul3A_1782 : vector<64x128xf32>
    %add3A_1784 = arith.addf %add3A_1745, %mul3A_1781 : vector<64x128xf32>
    %add3A_1785 = arith.addf %add3A_1746, %convert_element_type3A_1753 : vector<64x128xf32>
    %get3A_1786 = arith.constant 2944 : index
    %get3A_1787 = arith.constant 0 : index
    %get3A_1788 = vector.load %arg1[%get3A_1786, %get3A_1787] : memref<5632x128xf32, #tpu.memory_space<vmem>>, vector<64x128xf32>
    %get3A_1789 = arith.constant 2944 : index
    %get3A_1790 = arith.constant 0 : index
    %get3A_1791 = vector.load %arg2[%get3A_1789, %get3A_1790] : memref<5632x128xi32, #tpu.memory_space<vmem>>, vector<64x128xi32>
    %convert_element_type3A_1792 = arith.sitofp %get3A_1791 : vector<64x128xi32> to vector<64x128xf32>
    %mul3A_1793 = arith.constant 2.000000e+00 : f32
    %mul3A_1794 = vector.broadcast %mul3A_1793 : f32 to vector<64x128xf32>
    %mul3A_1795 = arith.mulf %mul3A_1794, %convert_element_type3A_1792 : vector<64x128xf32>
    %sub3A_1796 = arith.constant 1.000000e+00 : f32
    %sub3A_1797 = vector.broadcast %sub3A_1796 : f32 to vector<64x128xf32>
    %sub3A_1798 = arith.subf %mul3A_1795, %sub3A_1797 : vector<64x128xf32>
    %mul3A_1799 = arith.mulf %get3A_1788, %sub3A_1798 : vector<64x128xf32>
    %mul3A_1800 = arith.constant -1.44269502 : f32
    %mul3A_1801 = vector.broadcast %mul3A_1800 : f32 to vector<64x128xf32>
    %mul3A_1802 = arith.mulf %mul3A_1799, %mul3A_1801 : vector<64x128xf32>
    %min3A_1803 = arith.constant 1.260000e+02 : f32
    %min3A_1804 = vector.broadcast %min3A_1803 : f32 to vector<64x128xf32>
    %min3A_1805 = arith.minimumf %mul3A_1802, %min3A_1804 : vector<64x128xf32>
    %exp23A_1806 = math.exp2 %min3A_1805 : vector<64x128xf32>
    %add3A_1807 = arith.constant 1.000000e+00 : f32
    %add3A_1808 = vector.broadcast %add3A_1807 : f32 to vector<64x128xf32>
    %add3A_1809 = arith.addf %add3A_1808, %exp23A_1806 : vector<64x128xf32>
    %log3A_1810 = math.log %add3A_1809 : vector<64x128xf32>
    %log3A_1811 = arith.constant 2.000000e+00 : f32
    %log3A_1812 = math.log %log3A_1811 : f32
    %div3A_1813 = vector.broadcast %log3A_1812 : f32 to vector<64x128xf32>
    %div3A_1814 = arith.divf %log3A_1810, %div3A_1813 : vector<64x128xf32>
    %sub3A_1815 = arith.subf %min3A_1805, %div3A_1814 : vector<64x128xf32>
    %mul3A_1816 = arith.constant 1.500000e+00 : f32
    %mul3A_1817 = vector.broadcast %mul3A_1816 : f32 to vector<64x128xf32>
    %mul3A_1818 = arith.mulf %mul3A_1817, %sub3A_1815 : vector<64x128xf32>
    %exp23A_1819 = math.exp2 %mul3A_1818 : vector<64x128xf32>
    %mul3A_1820 = arith.mulf %exp23A_1819, %div3A_1814 : vector<64x128xf32>
    %mul3A_1821 = arith.mulf %convert_element_type3A_1792, %mul3A_1820 : vector<64x128xf32>
    %add3A_1822 = arith.addf %add3A_1783, %mul3A_1821 : vector<64x128xf32>
    %add3A_1823 = arith.addf %add3A_1784, %mul3A_1820 : vector<64x128xf32>
    %add3A_1824 = arith.addf %add3A_1785, %convert_element_type3A_1792 : vector<64x128xf32>
    %get3A_1825 = arith.constant 3008 : index
    %get3A_1826 = arith.constant 0 : index
    %get3A_1827 = vector.load %arg1[%get3A_1825, %get3A_1826] : memref<5632x128xf32, #tpu.memory_space<vmem>>, vector<64x128xf32>
    %get3A_1828 = arith.constant 3008 : index
    %get3A_1829 = arith.constant 0 : index
    %get3A_1830 = vector.load %arg2[%get3A_1828, %get3A_1829] : memref<5632x128xi32, #tpu.memory_space<vmem>>, vector<64x128xi32>
    %convert_element_type3A_1831 = arith.sitofp %get3A_1830 : vector<64x128xi32> to vector<64x128xf32>
    %mul3A_1832 = arith.constant 2.000000e+00 : f32
    %mul3A_1833 = vector.broadcast %mul3A_1832 : f32 to vector<64x128xf32>
    %mul3A_1834 = arith.mulf %mul3A_1833, %convert_element_type3A_1831 : vector<64x128xf32>
    %sub3A_1835 = arith.constant 1.000000e+00 : f32
    %sub3A_1836 = vector.broadcast %sub3A_1835 : f32 to vector<64x128xf32>
    %sub3A_1837 = arith.subf %mul3A_1834, %sub3A_1836 : vector<64x128xf32>
    %mul3A_1838 = arith.mulf %get3A_1827, %sub3A_1837 : vector<64x128xf32>
    %mul3A_1839 = arith.constant -1.44269502 : f32
    %mul3A_1840 = vector.broadcast %mul3A_1839 : f32 to vector<64x128xf32>
    %mul3A_1841 = arith.mulf %mul3A_1838, %mul3A_1840 : vector<64x128xf32>
    %min3A_1842 = arith.constant 1.260000e+02 : f32
    %min3A_1843 = vector.broadcast %min3A_1842 : f32 to vector<64x128xf32>
    %min3A_1844 = arith.minimumf %mul3A_1841, %min3A_1843 : vector<64x128xf32>
    %exp23A_1845 = math.exp2 %min3A_1844 : vector<64x128xf32>
    %add3A_1846 = arith.constant 1.000000e+00 : f32
    %add3A_1847 = vector.broadcast %add3A_1846 : f32 to vector<64x128xf32>
    %add3A_1848 = arith.addf %add3A_1847, %exp23A_1845 : vector<64x128xf32>
    %log3A_1849 = math.log %add3A_1848 : vector<64x128xf32>
    %log3A_1850 = arith.constant 2.000000e+00 : f32
    %log3A_1851 = math.log %log3A_1850 : f32
    %div3A_1852 = vector.broadcast %log3A_1851 : f32 to vector<64x128xf32>
    %div3A_1853 = arith.divf %log3A_1849, %div3A_1852 : vector<64x128xf32>
    %sub3A_1854 = arith.subf %min3A_1844, %div3A_1853 : vector<64x128xf32>
    %mul3A_1855 = arith.constant 1.500000e+00 : f32
    %mul3A_1856 = vector.broadcast %mul3A_1855 : f32 to vector<64x128xf32>
    %mul3A_1857 = arith.mulf %mul3A_1856, %sub3A_1854 : vector<64x128xf32>
    %exp23A_1858 = math.exp2 %mul3A_1857 : vector<64x128xf32>
    %mul3A_1859 = arith.mulf %exp23A_1858, %div3A_1853 : vector<64x128xf32>
    %mul3A_1860 = arith.mulf %convert_element_type3A_1831, %mul3A_1859 : vector<64x128xf32>
    %add3A_1861 = arith.addf %add3A_1822, %mul3A_1860 : vector<64x128xf32>
    %add3A_1862 = arith.addf %add3A_1823, %mul3A_1859 : vector<64x128xf32>
    %add3A_1863 = arith.addf %add3A_1824, %convert_element_type3A_1831 : vector<64x128xf32>
    %get3A_1864 = arith.constant 3072 : index
    %get3A_1865 = arith.constant 0 : index
    %get3A_1866 = vector.load %arg1[%get3A_1864, %get3A_1865] : memref<5632x128xf32, #tpu.memory_space<vmem>>, vector<64x128xf32>
    %get3A_1867 = arith.constant 3072 : index
    %get3A_1868 = arith.constant 0 : index
    %get3A_1869 = vector.load %arg2[%get3A_1867, %get3A_1868] : memref<5632x128xi32, #tpu.memory_space<vmem>>, vector<64x128xi32>
    %convert_element_type3A_1870 = arith.sitofp %get3A_1869 : vector<64x128xi32> to vector<64x128xf32>
    %mul3A_1871 = arith.constant 2.000000e+00 : f32
    %mul3A_1872 = vector.broadcast %mul3A_1871 : f32 to vector<64x128xf32>
    %mul3A_1873 = arith.mulf %mul3A_1872, %convert_element_type3A_1870 : vector<64x128xf32>
    %sub3A_1874 = arith.constant 1.000000e+00 : f32
    %sub3A_1875 = vector.broadcast %sub3A_1874 : f32 to vector<64x128xf32>
    %sub3A_1876 = arith.subf %mul3A_1873, %sub3A_1875 : vector<64x128xf32>
    %mul3A_1877 = arith.mulf %get3A_1866, %sub3A_1876 : vector<64x128xf32>
    %mul3A_1878 = arith.constant -1.44269502 : f32
    %mul3A_1879 = vector.broadcast %mul3A_1878 : f32 to vector<64x128xf32>
    %mul3A_1880 = arith.mulf %mul3A_1877, %mul3A_1879 : vector<64x128xf32>
    %min3A_1881 = arith.constant 1.260000e+02 : f32
    %min3A_1882 = vector.broadcast %min3A_1881 : f32 to vector<64x128xf32>
    %min3A_1883 = arith.minimumf %mul3A_1880, %min3A_1882 : vector<64x128xf32>
    %exp23A_1884 = math.exp2 %min3A_1883 : vector<64x128xf32>
    %add3A_1885 = arith.constant 1.000000e+00 : f32
    %add3A_1886 = vector.broadcast %add3A_1885 : f32 to vector<64x128xf32>
    %add3A_1887 = arith.addf %add3A_1886, %exp23A_1884 : vector<64x128xf32>
    %log3A_1888 = math.log %add3A_1887 : vector<64x128xf32>
    %log3A_1889 = arith.constant 2.000000e+00 : f32
    %log3A_1890 = math.log %log3A_1889 : f32
    %div3A_1891 = vector.broadcast %log3A_1890 : f32 to vector<64x128xf32>
    %div3A_1892 = arith.divf %log3A_1888, %div3A_1891 : vector<64x128xf32>
    %sub3A_1893 = arith.subf %min3A_1883, %div3A_1892 : vector<64x128xf32>
    %mul3A_1894 = arith.constant 1.500000e+00 : f32
    %mul3A_1895 = vector.broadcast %mul3A_1894 : f32 to vector<64x128xf32>
    %mul3A_1896 = arith.mulf %mul3A_1895, %sub3A_1893 : vector<64x128xf32>
    %exp23A_1897 = math.exp2 %mul3A_1896 : vector<64x128xf32>
    %mul3A_1898 = arith.mulf %exp23A_1897, %div3A_1892 : vector<64x128xf32>
    %mul3A_1899 = arith.mulf %convert_element_type3A_1870, %mul3A_1898 : vector<64x128xf32>
    %add3A_1900 = arith.addf %add3A_1861, %mul3A_1899 : vector<64x128xf32>
    %add3A_1901 = arith.addf %add3A_1862, %mul3A_1898 : vector<64x128xf32>
    %add3A_1902 = arith.addf %add3A_1863, %convert_element_type3A_1870 : vector<64x128xf32>
    %get3A_1903 = arith.constant 3136 : index
    %get3A_1904 = arith.constant 0 : index
    %get3A_1905 = vector.load %arg1[%get3A_1903, %get3A_1904] : memref<5632x128xf32, #tpu.memory_space<vmem>>, vector<64x128xf32>
    %get3A_1906 = arith.constant 3136 : index
    %get3A_1907 = arith.constant 0 : index
    %get3A_1908 = vector.load %arg2[%get3A_1906, %get3A_1907] : memref<5632x128xi32, #tpu.memory_space<vmem>>, vector<64x128xi32>
    %convert_element_type3A_1909 = arith.sitofp %get3A_1908 : vector<64x128xi32> to vector<64x128xf32>
    %mul3A_1910 = arith.constant 2.000000e+00 : f32
    %mul3A_1911 = vector.broadcast %mul3A_1910 : f32 to vector<64x128xf32>
    %mul3A_1912 = arith.mulf %mul3A_1911, %convert_element_type3A_1909 : vector<64x128xf32>
    %sub3A_1913 = arith.constant 1.000000e+00 : f32
    %sub3A_1914 = vector.broadcast %sub3A_1913 : f32 to vector<64x128xf32>
    %sub3A_1915 = arith.subf %mul3A_1912, %sub3A_1914 : vector<64x128xf32>
    %mul3A_1916 = arith.mulf %get3A_1905, %sub3A_1915 : vector<64x128xf32>
    %mul3A_1917 = arith.constant -1.44269502 : f32
    %mul3A_1918 = vector.broadcast %mul3A_1917 : f32 to vector<64x128xf32>
    %mul3A_1919 = arith.mulf %mul3A_1916, %mul3A_1918 : vector<64x128xf32>
    %min3A_1920 = arith.constant 1.260000e+02 : f32
    %min3A_1921 = vector.broadcast %min3A_1920 : f32 to vector<64x128xf32>
    %min3A_1922 = arith.minimumf %mul3A_1919, %min3A_1921 : vector<64x128xf32>
    %exp23A_1923 = math.exp2 %min3A_1922 : vector<64x128xf32>
    %add3A_1924 = arith.constant 1.000000e+00 : f32
    %add3A_1925 = vector.broadcast %add3A_1924 : f32 to vector<64x128xf32>
    %add3A_1926 = arith.addf %add3A_1925, %exp23A_1923 : vector<64x128xf32>
    %log3A_1927 = math.log %add3A_1926 : vector<64x128xf32>
    %log3A_1928 = arith.constant 2.000000e+00 : f32
    %log3A_1929 = math.log %log3A_1928 : f32
    %div3A_1930 = vector.broadcast %log3A_1929 : f32 to vector<64x128xf32>
    %div3A_1931 = arith.divf %log3A_1927, %div3A_1930 : vector<64x128xf32>
    %sub3A_1932 = arith.subf %min3A_1922, %div3A_1931 : vector<64x128xf32>
    %mul3A_1933 = arith.constant 1.500000e+00 : f32
    %mul3A_1934 = vector.broadcast %mul3A_1933 : f32 to vector<64x128xf32>
    %mul3A_1935 = arith.mulf %mul3A_1934, %sub3A_1932 : vector<64x128xf32>
    %exp23A_1936 = math.exp2 %mul3A_1935 : vector<64x128xf32>
    %mul3A_1937 = arith.mulf %exp23A_1936, %div3A_1931 : vector<64x128xf32>
    %mul3A_1938 = arith.mulf %convert_element_type3A_1909, %mul3A_1937 : vector<64x128xf32>
    %add3A_1939 = arith.addf %add3A_1900, %mul3A_1938 : vector<64x128xf32>
    %add3A_1940 = arith.addf %add3A_1901, %mul3A_1937 : vector<64x128xf32>
    %add3A_1941 = arith.addf %add3A_1902, %convert_element_type3A_1909 : vector<64x128xf32>
    %get3A_1942 = arith.constant 3200 : index
    %get3A_1943 = arith.constant 0 : index
    %get3A_1944 = vector.load %arg1[%get3A_1942, %get3A_1943] : memref<5632x128xf32, #tpu.memory_space<vmem>>, vector<64x128xf32>
    %get3A_1945 = arith.constant 3200 : index
    %get3A_1946 = arith.constant 0 : index
    %get3A_1947 = vector.load %arg2[%get3A_1945, %get3A_1946] : memref<5632x128xi32, #tpu.memory_space<vmem>>, vector<64x128xi32>
    %convert_element_type3A_1948 = arith.sitofp %get3A_1947 : vector<64x128xi32> to vector<64x128xf32>
    %mul3A_1949 = arith.constant 2.000000e+00 : f32
    %mul3A_1950 = vector.broadcast %mul3A_1949 : f32 to vector<64x128xf32>
    %mul3A_1951 = arith.mulf %mul3A_1950, %convert_element_type3A_1948 : vector<64x128xf32>
    %sub3A_1952 = arith.constant 1.000000e+00 : f32
    %sub3A_1953 = vector.broadcast %sub3A_1952 : f32 to vector<64x128xf32>
    %sub3A_1954 = arith.subf %mul3A_1951, %sub3A_1953 : vector<64x128xf32>
    %mul3A_1955 = arith.mulf %get3A_1944, %sub3A_1954 : vector<64x128xf32>
    %mul3A_1956 = arith.constant -1.44269502 : f32
    %mul3A_1957 = vector.broadcast %mul3A_1956 : f32 to vector<64x128xf32>
    %mul3A_1958 = arith.mulf %mul3A_1955, %mul3A_1957 : vector<64x128xf32>
    %min3A_1959 = arith.constant 1.260000e+02 : f32
    %min3A_1960 = vector.broadcast %min3A_1959 : f32 to vector<64x128xf32>
    %min3A_1961 = arith.minimumf %mul3A_1958, %min3A_1960 : vector<64x128xf32>
    %exp23A_1962 = math.exp2 %min3A_1961 : vector<64x128xf32>
    %add3A_1963 = arith.constant 1.000000e+00 : f32
    %add3A_1964 = vector.broadcast %add3A_1963 : f32 to vector<64x128xf32>
    %add3A_1965 = arith.addf %add3A_1964, %exp23A_1962 : vector<64x128xf32>
    %log3A_1966 = math.log %add3A_1965 : vector<64x128xf32>
    %log3A_1967 = arith.constant 2.000000e+00 : f32
    %log3A_1968 = math.log %log3A_1967 : f32
    %div3A_1969 = vector.broadcast %log3A_1968 : f32 to vector<64x128xf32>
    %div3A_1970 = arith.divf %log3A_1966, %div3A_1969 : vector<64x128xf32>
    %sub3A_1971 = arith.subf %min3A_1961, %div3A_1970 : vector<64x128xf32>
    %mul3A_1972 = arith.constant 1.500000e+00 : f32
    %mul3A_1973 = vector.broadcast %mul3A_1972 : f32 to vector<64x128xf32>
    %mul3A_1974 = arith.mulf %mul3A_1973, %sub3A_1971 : vector<64x128xf32>
    %exp23A_1975 = math.exp2 %mul3A_1974 : vector<64x128xf32>
    %mul3A_1976 = arith.mulf %exp23A_1975, %div3A_1970 : vector<64x128xf32>
    %mul3A_1977 = arith.mulf %convert_element_type3A_1948, %mul3A_1976 : vector<64x128xf32>
    %add3A_1978 = arith.addf %add3A_1939, %mul3A_1977 : vector<64x128xf32>
    %add3A_1979 = arith.addf %add3A_1940, %mul3A_1976 : vector<64x128xf32>
    %add3A_1980 = arith.addf %add3A_1941, %convert_element_type3A_1948 : vector<64x128xf32>
    %get3A_1981 = arith.constant 3264 : index
    %get3A_1982 = arith.constant 0 : index
    %get3A_1983 = vector.load %arg1[%get3A_1981, %get3A_1982] : memref<5632x128xf32, #tpu.memory_space<vmem>>, vector<64x128xf32>
    %get3A_1984 = arith.constant 3264 : index
    %get3A_1985 = arith.constant 0 : index
    %get3A_1986 = vector.load %arg2[%get3A_1984, %get3A_1985] : memref<5632x128xi32, #tpu.memory_space<vmem>>, vector<64x128xi32>
    %convert_element_type3A_1987 = arith.sitofp %get3A_1986 : vector<64x128xi32> to vector<64x128xf32>
    %mul3A_1988 = arith.constant 2.000000e+00 : f32
    %mul3A_1989 = vector.broadcast %mul3A_1988 : f32 to vector<64x128xf32>
    %mul3A_1990 = arith.mulf %mul3A_1989, %convert_element_type3A_1987 : vector<64x128xf32>
    %sub3A_1991 = arith.constant 1.000000e+00 : f32
    %sub3A_1992 = vector.broadcast %sub3A_1991 : f32 to vector<64x128xf32>
    %sub3A_1993 = arith.subf %mul3A_1990, %sub3A_1992 : vector<64x128xf32>
    %mul3A_1994 = arith.mulf %get3A_1983, %sub3A_1993 : vector<64x128xf32>
    %mul3A_1995 = arith.constant -1.44269502 : f32
    %mul3A_1996 = vector.broadcast %mul3A_1995 : f32 to vector<64x128xf32>
    %mul3A_1997 = arith.mulf %mul3A_1994, %mul3A_1996 : vector<64x128xf32>
    %min3A_1998 = arith.constant 1.260000e+02 : f32
    %min3A_1999 = vector.broadcast %min3A_1998 : f32 to vector<64x128xf32>
    %min3A_2000 = arith.minimumf %mul3A_1997, %min3A_1999 : vector<64x128xf32>
    %exp23A_2001 = math.exp2 %min3A_2000 : vector<64x128xf32>
    %add3A_2002 = arith.constant 1.000000e+00 : f32
    %add3A_2003 = vector.broadcast %add3A_2002 : f32 to vector<64x128xf32>
    %add3A_2004 = arith.addf %add3A_2003, %exp23A_2001 : vector<64x128xf32>
    %log3A_2005 = math.log %add3A_2004 : vector<64x128xf32>
    %log3A_2006 = arith.constant 2.000000e+00 : f32
    %log3A_2007 = math.log %log3A_2006 : f32
    %div3A_2008 = vector.broadcast %log3A_2007 : f32 to vector<64x128xf32>
    %div3A_2009 = arith.divf %log3A_2005, %div3A_2008 : vector<64x128xf32>
    %sub3A_2010 = arith.subf %min3A_2000, %div3A_2009 : vector<64x128xf32>
    %mul3A_2011 = arith.constant 1.500000e+00 : f32
    %mul3A_2012 = vector.broadcast %mul3A_2011 : f32 to vector<64x128xf32>
    %mul3A_2013 = arith.mulf %mul3A_2012, %sub3A_2010 : vector<64x128xf32>
    %exp23A_2014 = math.exp2 %mul3A_2013 : vector<64x128xf32>
    %mul3A_2015 = arith.mulf %exp23A_2014, %div3A_2009 : vector<64x128xf32>
    %mul3A_2016 = arith.mulf %convert_element_type3A_1987, %mul3A_2015 : vector<64x128xf32>
    %add3A_2017 = arith.addf %add3A_1978, %mul3A_2016 : vector<64x128xf32>
    %add3A_2018 = arith.addf %add3A_1979, %mul3A_2015 : vector<64x128xf32>
    %add3A_2019 = arith.addf %add3A_1980, %convert_element_type3A_1987 : vector<64x128xf32>
    %get3A_2020 = arith.constant 3328 : index
    %get3A_2021 = arith.constant 0 : index
    %get3A_2022 = vector.load %arg1[%get3A_2020, %get3A_2021] : memref<5632x128xf32, #tpu.memory_space<vmem>>, vector<64x128xf32>
    %get3A_2023 = arith.constant 3328 : index
    %get3A_2024 = arith.constant 0 : index
    %get3A_2025 = vector.load %arg2[%get3A_2023, %get3A_2024] : memref<5632x128xi32, #tpu.memory_space<vmem>>, vector<64x128xi32>
    %convert_element_type3A_2026 = arith.sitofp %get3A_2025 : vector<64x128xi32> to vector<64x128xf32>
    %mul3A_2027 = arith.constant 2.000000e+00 : f32
    %mul3A_2028 = vector.broadcast %mul3A_2027 : f32 to vector<64x128xf32>
    %mul3A_2029 = arith.mulf %mul3A_2028, %convert_element_type3A_2026 : vector<64x128xf32>
    %sub3A_2030 = arith.constant 1.000000e+00 : f32
    %sub3A_2031 = vector.broadcast %sub3A_2030 : f32 to vector<64x128xf32>
    %sub3A_2032 = arith.subf %mul3A_2029, %sub3A_2031 : vector<64x128xf32>
    %mul3A_2033 = arith.mulf %get3A_2022, %sub3A_2032 : vector<64x128xf32>
    %mul3A_2034 = arith.constant -1.44269502 : f32
    %mul3A_2035 = vector.broadcast %mul3A_2034 : f32 to vector<64x128xf32>
    %mul3A_2036 = arith.mulf %mul3A_2033, %mul3A_2035 : vector<64x128xf32>
    %min3A_2037 = arith.constant 1.260000e+02 : f32
    %min3A_2038 = vector.broadcast %min3A_2037 : f32 to vector<64x128xf32>
    %min3A_2039 = arith.minimumf %mul3A_2036, %min3A_2038 : vector<64x128xf32>
    %exp23A_2040 = math.exp2 %min3A_2039 : vector<64x128xf32>
    %add3A_2041 = arith.constant 1.000000e+00 : f32
    %add3A_2042 = vector.broadcast %add3A_2041 : f32 to vector<64x128xf32>
    %add3A_2043 = arith.addf %add3A_2042, %exp23A_2040 : vector<64x128xf32>
    %log3A_2044 = math.log %add3A_2043 : vector<64x128xf32>
    %log3A_2045 = arith.constant 2.000000e+00 : f32
    %log3A_2046 = math.log %log3A_2045 : f32
    %div3A_2047 = vector.broadcast %log3A_2046 : f32 to vector<64x128xf32>
    %div3A_2048 = arith.divf %log3A_2044, %div3A_2047 : vector<64x128xf32>
    %sub3A_2049 = arith.subf %min3A_2039, %div3A_2048 : vector<64x128xf32>
    %mul3A_2050 = arith.constant 1.500000e+00 : f32
    %mul3A_2051 = vector.broadcast %mul3A_2050 : f32 to vector<64x128xf32>
    %mul3A_2052 = arith.mulf %mul3A_2051, %sub3A_2049 : vector<64x128xf32>
    %exp23A_2053 = math.exp2 %mul3A_2052 : vector<64x128xf32>
    %mul3A_2054 = arith.mulf %exp23A_2053, %div3A_2048 : vector<64x128xf32>
    %mul3A_2055 = arith.mulf %convert_element_type3A_2026, %mul3A_2054 : vector<64x128xf32>
    %add3A_2056 = arith.addf %add3A_2017, %mul3A_2055 : vector<64x128xf32>
    %add3A_2057 = arith.addf %add3A_2018, %mul3A_2054 : vector<64x128xf32>
    %add3A_2058 = arith.addf %add3A_2019, %convert_element_type3A_2026 : vector<64x128xf32>
    %get3A_2059 = arith.constant 3392 : index
    %get3A_2060 = arith.constant 0 : index
    %get3A_2061 = vector.load %arg1[%get3A_2059, %get3A_2060] : memref<5632x128xf32, #tpu.memory_space<vmem>>, vector<64x128xf32>
    %get3A_2062 = arith.constant 3392 : index
    %get3A_2063 = arith.constant 0 : index
    %get3A_2064 = vector.load %arg2[%get3A_2062, %get3A_2063] : memref<5632x128xi32, #tpu.memory_space<vmem>>, vector<64x128xi32>
    %convert_element_type3A_2065 = arith.sitofp %get3A_2064 : vector<64x128xi32> to vector<64x128xf32>
    %mul3A_2066 = arith.constant 2.000000e+00 : f32
    %mul3A_2067 = vector.broadcast %mul3A_2066 : f32 to vector<64x128xf32>
    %mul3A_2068 = arith.mulf %mul3A_2067, %convert_element_type3A_2065 : vector<64x128xf32>
    %sub3A_2069 = arith.constant 1.000000e+00 : f32
    %sub3A_2070 = vector.broadcast %sub3A_2069 : f32 to vector<64x128xf32>
    %sub3A_2071 = arith.subf %mul3A_2068, %sub3A_2070 : vector<64x128xf32>
    %mul3A_2072 = arith.mulf %get3A_2061, %sub3A_2071 : vector<64x128xf32>
    %mul3A_2073 = arith.constant -1.44269502 : f32
    %mul3A_2074 = vector.broadcast %mul3A_2073 : f32 to vector<64x128xf32>
    %mul3A_2075 = arith.mulf %mul3A_2072, %mul3A_2074 : vector<64x128xf32>
    %min3A_2076 = arith.constant 1.260000e+02 : f32
    %min3A_2077 = vector.broadcast %min3A_2076 : f32 to vector<64x128xf32>
    %min3A_2078 = arith.minimumf %mul3A_2075, %min3A_2077 : vector<64x128xf32>
    %exp23A_2079 = math.exp2 %min3A_2078 : vector<64x128xf32>
    %add3A_2080 = arith.constant 1.000000e+00 : f32
    %add3A_2081 = vector.broadcast %add3A_2080 : f32 to vector<64x128xf32>
    %add3A_2082 = arith.addf %add3A_2081, %exp23A_2079 : vector<64x128xf32>
    %log3A_2083 = math.log %add3A_2082 : vector<64x128xf32>
    %log3A_2084 = arith.constant 2.000000e+00 : f32
    %log3A_2085 = math.log %log3A_2084 : f32
    %div3A_2086 = vector.broadcast %log3A_2085 : f32 to vector<64x128xf32>
    %div3A_2087 = arith.divf %log3A_2083, %div3A_2086 : vector<64x128xf32>
    %sub3A_2088 = arith.subf %min3A_2078, %div3A_2087 : vector<64x128xf32>
    %mul3A_2089 = arith.constant 1.500000e+00 : f32
    %mul3A_2090 = vector.broadcast %mul3A_2089 : f32 to vector<64x128xf32>
    %mul3A_2091 = arith.mulf %mul3A_2090, %sub3A_2088 : vector<64x128xf32>
    %exp23A_2092 = math.exp2 %mul3A_2091 : vector<64x128xf32>
    %mul3A_2093 = arith.mulf %exp23A_2092, %div3A_2087 : vector<64x128xf32>
    %mul3A_2094 = arith.mulf %convert_element_type3A_2065, %mul3A_2093 : vector<64x128xf32>
    %add3A_2095 = arith.addf %add3A_2056, %mul3A_2094 : vector<64x128xf32>
    %add3A_2096 = arith.addf %add3A_2057, %mul3A_2093 : vector<64x128xf32>
    %add3A_2097 = arith.addf %add3A_2058, %convert_element_type3A_2065 : vector<64x128xf32>
    %get3A_2098 = arith.constant 3456 : index
    %get3A_2099 = arith.constant 0 : index
    %get3A_2100 = vector.load %arg1[%get3A_2098, %get3A_2099] : memref<5632x128xf32, #tpu.memory_space<vmem>>, vector<64x128xf32>
    %get3A_2101 = arith.constant 3456 : index
    %get3A_2102 = arith.constant 0 : index
    %get3A_2103 = vector.load %arg2[%get3A_2101, %get3A_2102] : memref<5632x128xi32, #tpu.memory_space<vmem>>, vector<64x128xi32>
    %convert_element_type3A_2104 = arith.sitofp %get3A_2103 : vector<64x128xi32> to vector<64x128xf32>
    %mul3A_2105 = arith.constant 2.000000e+00 : f32
    %mul3A_2106 = vector.broadcast %mul3A_2105 : f32 to vector<64x128xf32>
    %mul3A_2107 = arith.mulf %mul3A_2106, %convert_element_type3A_2104 : vector<64x128xf32>
    %sub3A_2108 = arith.constant 1.000000e+00 : f32
    %sub3A_2109 = vector.broadcast %sub3A_2108 : f32 to vector<64x128xf32>
    %sub3A_2110 = arith.subf %mul3A_2107, %sub3A_2109 : vector<64x128xf32>
    %mul3A_2111 = arith.mulf %get3A_2100, %sub3A_2110 : vector<64x128xf32>
    %mul3A_2112 = arith.constant -1.44269502 : f32
    %mul3A_2113 = vector.broadcast %mul3A_2112 : f32 to vector<64x128xf32>
    %mul3A_2114 = arith.mulf %mul3A_2111, %mul3A_2113 : vector<64x128xf32>
    %min3A_2115 = arith.constant 1.260000e+02 : f32
    %min3A_2116 = vector.broadcast %min3A_2115 : f32 to vector<64x128xf32>
    %min3A_2117 = arith.minimumf %mul3A_2114, %min3A_2116 : vector<64x128xf32>
    %exp23A_2118 = math.exp2 %min3A_2117 : vector<64x128xf32>
    %add3A_2119 = arith.constant 1.000000e+00 : f32
    %add3A_2120 = vector.broadcast %add3A_2119 : f32 to vector<64x128xf32>
    %add3A_2121 = arith.addf %add3A_2120, %exp23A_2118 : vector<64x128xf32>
    %log3A_2122 = math.log %add3A_2121 : vector<64x128xf32>
    %log3A_2123 = arith.constant 2.000000e+00 : f32
    %log3A_2124 = math.log %log3A_2123 : f32
    %div3A_2125 = vector.broadcast %log3A_2124 : f32 to vector<64x128xf32>
    %div3A_2126 = arith.divf %log3A_2122, %div3A_2125 : vector<64x128xf32>
    %sub3A_2127 = arith.subf %min3A_2117, %div3A_2126 : vector<64x128xf32>
    %mul3A_2128 = arith.constant 1.500000e+00 : f32
    %mul3A_2129 = vector.broadcast %mul3A_2128 : f32 to vector<64x128xf32>
    %mul3A_2130 = arith.mulf %mul3A_2129, %sub3A_2127 : vector<64x128xf32>
    %exp23A_2131 = math.exp2 %mul3A_2130 : vector<64x128xf32>
    %mul3A_2132 = arith.mulf %exp23A_2131, %div3A_2126 : vector<64x128xf32>
    %mul3A_2133 = arith.mulf %convert_element_type3A_2104, %mul3A_2132 : vector<64x128xf32>
    %add3A_2134 = arith.addf %add3A_2095, %mul3A_2133 : vector<64x128xf32>
    %add3A_2135 = arith.addf %add3A_2096, %mul3A_2132 : vector<64x128xf32>
    %add3A_2136 = arith.addf %add3A_2097, %convert_element_type3A_2104 : vector<64x128xf32>
    %get3A_2137 = arith.constant 3520 : index
    %get3A_2138 = arith.constant 0 : index
    %get3A_2139 = vector.load %arg1[%get3A_2137, %get3A_2138] : memref<5632x128xf32, #tpu.memory_space<vmem>>, vector<64x128xf32>
    %get3A_2140 = arith.constant 3520 : index
    %get3A_2141 = arith.constant 0 : index
    %get3A_2142 = vector.load %arg2[%get3A_2140, %get3A_2141] : memref<5632x128xi32, #tpu.memory_space<vmem>>, vector<64x128xi32>
    %convert_element_type3A_2143 = arith.sitofp %get3A_2142 : vector<64x128xi32> to vector<64x128xf32>
    %mul3A_2144 = arith.constant 2.000000e+00 : f32
    %mul3A_2145 = vector.broadcast %mul3A_2144 : f32 to vector<64x128xf32>
    %mul3A_2146 = arith.mulf %mul3A_2145, %convert_element_type3A_2143 : vector<64x128xf32>
    %sub3A_2147 = arith.constant 1.000000e+00 : f32
    %sub3A_2148 = vector.broadcast %sub3A_2147 : f32 to vector<64x128xf32>
    %sub3A_2149 = arith.subf %mul3A_2146, %sub3A_2148 : vector<64x128xf32>
    %mul3A_2150 = arith.mulf %get3A_2139, %sub3A_2149 : vector<64x128xf32>
    %mul3A_2151 = arith.constant -1.44269502 : f32
    %mul3A_2152 = vector.broadcast %mul3A_2151 : f32 to vector<64x128xf32>
    %mul3A_2153 = arith.mulf %mul3A_2150, %mul3A_2152 : vector<64x128xf32>
    %min3A_2154 = arith.constant 1.260000e+02 : f32
    %min3A_2155 = vector.broadcast %min3A_2154 : f32 to vector<64x128xf32>
    %min3A_2156 = arith.minimumf %mul3A_2153, %min3A_2155 : vector<64x128xf32>
    %exp23A_2157 = math.exp2 %min3A_2156 : vector<64x128xf32>
    %add3A_2158 = arith.constant 1.000000e+00 : f32
    %add3A_2159 = vector.broadcast %add3A_2158 : f32 to vector<64x128xf32>
    %add3A_2160 = arith.addf %add3A_2159, %exp23A_2157 : vector<64x128xf32>
    %log3A_2161 = math.log %add3A_2160 : vector<64x128xf32>
    %log3A_2162 = arith.constant 2.000000e+00 : f32
    %log3A_2163 = math.log %log3A_2162 : f32
    %div3A_2164 = vector.broadcast %log3A_2163 : f32 to vector<64x128xf32>
    %div3A_2165 = arith.divf %log3A_2161, %div3A_2164 : vector<64x128xf32>
    %sub3A_2166 = arith.subf %min3A_2156, %div3A_2165 : vector<64x128xf32>
    %mul3A_2167 = arith.constant 1.500000e+00 : f32
    %mul3A_2168 = vector.broadcast %mul3A_2167 : f32 to vector<64x128xf32>
    %mul3A_2169 = arith.mulf %mul3A_2168, %sub3A_2166 : vector<64x128xf32>
    %exp23A_2170 = math.exp2 %mul3A_2169 : vector<64x128xf32>
    %mul3A_2171 = arith.mulf %exp23A_2170, %div3A_2165 : vector<64x128xf32>
    %mul3A_2172 = arith.mulf %convert_element_type3A_2143, %mul3A_2171 : vector<64x128xf32>
    %add3A_2173 = arith.addf %add3A_2134, %mul3A_2172 : vector<64x128xf32>
    %add3A_2174 = arith.addf %add3A_2135, %mul3A_2171 : vector<64x128xf32>
    %add3A_2175 = arith.addf %add3A_2136, %convert_element_type3A_2143 : vector<64x128xf32>
    %get3A_2176 = arith.constant 3584 : index
    %get3A_2177 = arith.constant 0 : index
    %get3A_2178 = vector.load %arg1[%get3A_2176, %get3A_2177] : memref<5632x128xf32, #tpu.memory_space<vmem>>, vector<64x128xf32>
    %get3A_2179 = arith.constant 3584 : index
    %get3A_2180 = arith.constant 0 : index
    %get3A_2181 = vector.load %arg2[%get3A_2179, %get3A_2180] : memref<5632x128xi32, #tpu.memory_space<vmem>>, vector<64x128xi32>
    %convert_element_type3A_2182 = arith.sitofp %get3A_2181 : vector<64x128xi32> to vector<64x128xf32>
    %mul3A_2183 = arith.constant 2.000000e+00 : f32
    %mul3A_2184 = vector.broadcast %mul3A_2183 : f32 to vector<64x128xf32>
    %mul3A_2185 = arith.mulf %mul3A_2184, %convert_element_type3A_2182 : vector<64x128xf32>
    %sub3A_2186 = arith.constant 1.000000e+00 : f32
    %sub3A_2187 = vector.broadcast %sub3A_2186 : f32 to vector<64x128xf32>
    %sub3A_2188 = arith.subf %mul3A_2185, %sub3A_2187 : vector<64x128xf32>
    %mul3A_2189 = arith.mulf %get3A_2178, %sub3A_2188 : vector<64x128xf32>
    %mul3A_2190 = arith.constant -1.44269502 : f32
    %mul3A_2191 = vector.broadcast %mul3A_2190 : f32 to vector<64x128xf32>
    %mul3A_2192 = arith.mulf %mul3A_2189, %mul3A_2191 : vector<64x128xf32>
    %min3A_2193 = arith.constant 1.260000e+02 : f32
    %min3A_2194 = vector.broadcast %min3A_2193 : f32 to vector<64x128xf32>
    %min3A_2195 = arith.minimumf %mul3A_2192, %min3A_2194 : vector<64x128xf32>
    %exp23A_2196 = math.exp2 %min3A_2195 : vector<64x128xf32>
    %add3A_2197 = arith.constant 1.000000e+00 : f32
    %add3A_2198 = vector.broadcast %add3A_2197 : f32 to vector<64x128xf32>
    %add3A_2199 = arith.addf %add3A_2198, %exp23A_2196 : vector<64x128xf32>
    %log3A_2200 = math.log %add3A_2199 : vector<64x128xf32>
    %log3A_2201 = arith.constant 2.000000e+00 : f32
    %log3A_2202 = math.log %log3A_2201 : f32
    %div3A_2203 = vector.broadcast %log3A_2202 : f32 to vector<64x128xf32>
    %div3A_2204 = arith.divf %log3A_2200, %div3A_2203 : vector<64x128xf32>
    %sub3A_2205 = arith.subf %min3A_2195, %div3A_2204 : vector<64x128xf32>
    %mul3A_2206 = arith.constant 1.500000e+00 : f32
    %mul3A_2207 = vector.broadcast %mul3A_2206 : f32 to vector<64x128xf32>
    %mul3A_2208 = arith.mulf %mul3A_2207, %sub3A_2205 : vector<64x128xf32>
    %exp23A_2209 = math.exp2 %mul3A_2208 : vector<64x128xf32>
    %mul3A_2210 = arith.mulf %exp23A_2209, %div3A_2204 : vector<64x128xf32>
    %mul3A_2211 = arith.mulf %convert_element_type3A_2182, %mul3A_2210 : vector<64x128xf32>
    %add3A_2212 = arith.addf %add3A_2173, %mul3A_2211 : vector<64x128xf32>
    %add3A_2213 = arith.addf %add3A_2174, %mul3A_2210 : vector<64x128xf32>
    %add3A_2214 = arith.addf %add3A_2175, %convert_element_type3A_2182 : vector<64x128xf32>
    %get3A_2215 = arith.constant 3648 : index
    %get3A_2216 = arith.constant 0 : index
    %get3A_2217 = vector.load %arg1[%get3A_2215, %get3A_2216] : memref<5632x128xf32, #tpu.memory_space<vmem>>, vector<64x128xf32>
    %get3A_2218 = arith.constant 3648 : index
    %get3A_2219 = arith.constant 0 : index
    %get3A_2220 = vector.load %arg2[%get3A_2218, %get3A_2219] : memref<5632x128xi32, #tpu.memory_space<vmem>>, vector<64x128xi32>
    %convert_element_type3A_2221 = arith.sitofp %get3A_2220 : vector<64x128xi32> to vector<64x128xf32>
    %mul3A_2222 = arith.constant 2.000000e+00 : f32
    %mul3A_2223 = vector.broadcast %mul3A_2222 : f32 to vector<64x128xf32>
    %mul3A_2224 = arith.mulf %mul3A_2223, %convert_element_type3A_2221 : vector<64x128xf32>
    %sub3A_2225 = arith.constant 1.000000e+00 : f32
    %sub3A_2226 = vector.broadcast %sub3A_2225 : f32 to vector<64x128xf32>
    %sub3A_2227 = arith.subf %mul3A_2224, %sub3A_2226 : vector<64x128xf32>
    %mul3A_2228 = arith.mulf %get3A_2217, %sub3A_2227 : vector<64x128xf32>
    %mul3A_2229 = arith.constant -1.44269502 : f32
    %mul3A_2230 = vector.broadcast %mul3A_2229 : f32 to vector<64x128xf32>
    %mul3A_2231 = arith.mulf %mul3A_2228, %mul3A_2230 : vector<64x128xf32>
    %min3A_2232 = arith.constant 1.260000e+02 : f32
    %min3A_2233 = vector.broadcast %min3A_2232 : f32 to vector<64x128xf32>
    %min3A_2234 = arith.minimumf %mul3A_2231, %min3A_2233 : vector<64x128xf32>
    %exp23A_2235 = math.exp2 %min3A_2234 : vector<64x128xf32>
    %add3A_2236 = arith.constant 1.000000e+00 : f32
    %add3A_2237 = vector.broadcast %add3A_2236 : f32 to vector<64x128xf32>
    %add3A_2238 = arith.addf %add3A_2237, %exp23A_2235 : vector<64x128xf32>
    %log3A_2239 = math.log %add3A_2238 : vector<64x128xf32>
    %log3A_2240 = arith.constant 2.000000e+00 : f32
    %log3A_2241 = math.log %log3A_2240 : f32
    %div3A_2242 = vector.broadcast %log3A_2241 : f32 to vector<64x128xf32>
    %div3A_2243 = arith.divf %log3A_2239, %div3A_2242 : vector<64x128xf32>
    %sub3A_2244 = arith.subf %min3A_2234, %div3A_2243 : vector<64x128xf32>
    %mul3A_2245 = arith.constant 1.500000e+00 : f32
    %mul3A_2246 = vector.broadcast %mul3A_2245 : f32 to vector<64x128xf32>
    %mul3A_2247 = arith.mulf %mul3A_2246, %sub3A_2244 : vector<64x128xf32>
    %exp23A_2248 = math.exp2 %mul3A_2247 : vector<64x128xf32>
    %mul3A_2249 = arith.mulf %exp23A_2248, %div3A_2243 : vector<64x128xf32>
    %mul3A_2250 = arith.mulf %convert_element_type3A_2221, %mul3A_2249 : vector<64x128xf32>
    %add3A_2251 = arith.addf %add3A_2212, %mul3A_2250 : vector<64x128xf32>
    %add3A_2252 = arith.addf %add3A_2213, %mul3A_2249 : vector<64x128xf32>
    %add3A_2253 = arith.addf %add3A_2214, %convert_element_type3A_2221 : vector<64x128xf32>
    %get3A_2254 = arith.constant 3712 : index
    %get3A_2255 = arith.constant 0 : index
    %get3A_2256 = vector.load %arg1[%get3A_2254, %get3A_2255] : memref<5632x128xf32, #tpu.memory_space<vmem>>, vector<64x128xf32>
    %get3A_2257 = arith.constant 3712 : index
    %get3A_2258 = arith.constant 0 : index
    %get3A_2259 = vector.load %arg2[%get3A_2257, %get3A_2258] : memref<5632x128xi32, #tpu.memory_space<vmem>>, vector<64x128xi32>
    %convert_element_type3A_2260 = arith.sitofp %get3A_2259 : vector<64x128xi32> to vector<64x128xf32>
    %mul3A_2261 = arith.constant 2.000000e+00 : f32
    %mul3A_2262 = vector.broadcast %mul3A_2261 : f32 to vector<64x128xf32>
    %mul3A_2263 = arith.mulf %mul3A_2262, %convert_element_type3A_2260 : vector<64x128xf32>
    %sub3A_2264 = arith.constant 1.000000e+00 : f32
    %sub3A_2265 = vector.broadcast %sub3A_2264 : f32 to vector<64x128xf32>
    %sub3A_2266 = arith.subf %mul3A_2263, %sub3A_2265 : vector<64x128xf32>
    %mul3A_2267 = arith.mulf %get3A_2256, %sub3A_2266 : vector<64x128xf32>
    %mul3A_2268 = arith.constant -1.44269502 : f32
    %mul3A_2269 = vector.broadcast %mul3A_2268 : f32 to vector<64x128xf32>
    %mul3A_2270 = arith.mulf %mul3A_2267, %mul3A_2269 : vector<64x128xf32>
    %min3A_2271 = arith.constant 1.260000e+02 : f32
    %min3A_2272 = vector.broadcast %min3A_2271 : f32 to vector<64x128xf32>
    %min3A_2273 = arith.minimumf %mul3A_2270, %min3A_2272 : vector<64x128xf32>
    %exp23A_2274 = math.exp2 %min3A_2273 : vector<64x128xf32>
    %add3A_2275 = arith.constant 1.000000e+00 : f32
    %add3A_2276 = vector.broadcast %add3A_2275 : f32 to vector<64x128xf32>
    %add3A_2277 = arith.addf %add3A_2276, %exp23A_2274 : vector<64x128xf32>
    %log3A_2278 = math.log %add3A_2277 : vector<64x128xf32>
    %log3A_2279 = arith.constant 2.000000e+00 : f32
    %log3A_2280 = math.log %log3A_2279 : f32
    %div3A_2281 = vector.broadcast %log3A_2280 : f32 to vector<64x128xf32>
    %div3A_2282 = arith.divf %log3A_2278, %div3A_2281 : vector<64x128xf32>
    %sub3A_2283 = arith.subf %min3A_2273, %div3A_2282 : vector<64x128xf32>
    %mul3A_2284 = arith.constant 1.500000e+00 : f32
    %mul3A_2285 = vector.broadcast %mul3A_2284 : f32 to vector<64x128xf32>
    %mul3A_2286 = arith.mulf %mul3A_2285, %sub3A_2283 : vector<64x128xf32>
    %exp23A_2287 = math.exp2 %mul3A_2286 : vector<64x128xf32>
    %mul3A_2288 = arith.mulf %exp23A_2287, %div3A_2282 : vector<64x128xf32>
    %mul3A_2289 = arith.mulf %convert_element_type3A_2260, %mul3A_2288 : vector<64x128xf32>
    %add3A_2290 = arith.addf %add3A_2251, %mul3A_2289 : vector<64x128xf32>
    %add3A_2291 = arith.addf %add3A_2252, %mul3A_2288 : vector<64x128xf32>
    %add3A_2292 = arith.addf %add3A_2253, %convert_element_type3A_2260 : vector<64x128xf32>
    %get3A_2293 = arith.constant 3776 : index
    %get3A_2294 = arith.constant 0 : index
    %get3A_2295 = vector.load %arg1[%get3A_2293, %get3A_2294] : memref<5632x128xf32, #tpu.memory_space<vmem>>, vector<64x128xf32>
    %get3A_2296 = arith.constant 3776 : index
    %get3A_2297 = arith.constant 0 : index
    %get3A_2298 = vector.load %arg2[%get3A_2296, %get3A_2297] : memref<5632x128xi32, #tpu.memory_space<vmem>>, vector<64x128xi32>
    %convert_element_type3A_2299 = arith.sitofp %get3A_2298 : vector<64x128xi32> to vector<64x128xf32>
    %mul3A_2300 = arith.constant 2.000000e+00 : f32
    %mul3A_2301 = vector.broadcast %mul3A_2300 : f32 to vector<64x128xf32>
    %mul3A_2302 = arith.mulf %mul3A_2301, %convert_element_type3A_2299 : vector<64x128xf32>
    %sub3A_2303 = arith.constant 1.000000e+00 : f32
    %sub3A_2304 = vector.broadcast %sub3A_2303 : f32 to vector<64x128xf32>
    %sub3A_2305 = arith.subf %mul3A_2302, %sub3A_2304 : vector<64x128xf32>
    %mul3A_2306 = arith.mulf %get3A_2295, %sub3A_2305 : vector<64x128xf32>
    %mul3A_2307 = arith.constant -1.44269502 : f32
    %mul3A_2308 = vector.broadcast %mul3A_2307 : f32 to vector<64x128xf32>
    %mul3A_2309 = arith.mulf %mul3A_2306, %mul3A_2308 : vector<64x128xf32>
    %min3A_2310 = arith.constant 1.260000e+02 : f32
    %min3A_2311 = vector.broadcast %min3A_2310 : f32 to vector<64x128xf32>
    %min3A_2312 = arith.minimumf %mul3A_2309, %min3A_2311 : vector<64x128xf32>
    %exp23A_2313 = math.exp2 %min3A_2312 : vector<64x128xf32>
    %add3A_2314 = arith.constant 1.000000e+00 : f32
    %add3A_2315 = vector.broadcast %add3A_2314 : f32 to vector<64x128xf32>
    %add3A_2316 = arith.addf %add3A_2315, %exp23A_2313 : vector<64x128xf32>
    %log3A_2317 = math.log %add3A_2316 : vector<64x128xf32>
    %log3A_2318 = arith.constant 2.000000e+00 : f32
    %log3A_2319 = math.log %log3A_2318 : f32
    %div3A_2320 = vector.broadcast %log3A_2319 : f32 to vector<64x128xf32>
    %div3A_2321 = arith.divf %log3A_2317, %div3A_2320 : vector<64x128xf32>
    %sub3A_2322 = arith.subf %min3A_2312, %div3A_2321 : vector<64x128xf32>
    %mul3A_2323 = arith.constant 1.500000e+00 : f32
    %mul3A_2324 = vector.broadcast %mul3A_2323 : f32 to vector<64x128xf32>
    %mul3A_2325 = arith.mulf %mul3A_2324, %sub3A_2322 : vector<64x128xf32>
    %exp23A_2326 = math.exp2 %mul3A_2325 : vector<64x128xf32>
    %mul3A_2327 = arith.mulf %exp23A_2326, %div3A_2321 : vector<64x128xf32>
    %mul3A_2328 = arith.mulf %convert_element_type3A_2299, %mul3A_2327 : vector<64x128xf32>
    %add3A_2329 = arith.addf %add3A_2290, %mul3A_2328 : vector<64x128xf32>
    %add3A_2330 = arith.addf %add3A_2291, %mul3A_2327 : vector<64x128xf32>
    %add3A_2331 = arith.addf %add3A_2292, %convert_element_type3A_2299 : vector<64x128xf32>
    %get3A_2332 = arith.constant 3840 : index
    %get3A_2333 = arith.constant 0 : index
    %get3A_2334 = vector.load %arg1[%get3A_2332, %get3A_2333] : memref<5632x128xf32, #tpu.memory_space<vmem>>, vector<64x128xf32>
    %get3A_2335 = arith.constant 3840 : index
    %get3A_2336 = arith.constant 0 : index
    %get3A_2337 = vector.load %arg2[%get3A_2335, %get3A_2336] : memref<5632x128xi32, #tpu.memory_space<vmem>>, vector<64x128xi32>
    %convert_element_type3A_2338 = arith.sitofp %get3A_2337 : vector<64x128xi32> to vector<64x128xf32>
    %mul3A_2339 = arith.constant 2.000000e+00 : f32
    %mul3A_2340 = vector.broadcast %mul3A_2339 : f32 to vector<64x128xf32>
    %mul3A_2341 = arith.mulf %mul3A_2340, %convert_element_type3A_2338 : vector<64x128xf32>
    %sub3A_2342 = arith.constant 1.000000e+00 : f32
    %sub3A_2343 = vector.broadcast %sub3A_2342 : f32 to vector<64x128xf32>
    %sub3A_2344 = arith.subf %mul3A_2341, %sub3A_2343 : vector<64x128xf32>
    %mul3A_2345 = arith.mulf %get3A_2334, %sub3A_2344 : vector<64x128xf32>
    %mul3A_2346 = arith.constant -1.44269502 : f32
    %mul3A_2347 = vector.broadcast %mul3A_2346 : f32 to vector<64x128xf32>
    %mul3A_2348 = arith.mulf %mul3A_2345, %mul3A_2347 : vector<64x128xf32>
    %min3A_2349 = arith.constant 1.260000e+02 : f32
    %min3A_2350 = vector.broadcast %min3A_2349 : f32 to vector<64x128xf32>
    %min3A_2351 = arith.minimumf %mul3A_2348, %min3A_2350 : vector<64x128xf32>
    %exp23A_2352 = math.exp2 %min3A_2351 : vector<64x128xf32>
    %add3A_2353 = arith.constant 1.000000e+00 : f32
    %add3A_2354 = vector.broadcast %add3A_2353 : f32 to vector<64x128xf32>
    %add3A_2355 = arith.addf %add3A_2354, %exp23A_2352 : vector<64x128xf32>
    %log3A_2356 = math.log %add3A_2355 : vector<64x128xf32>
    %log3A_2357 = arith.constant 2.000000e+00 : f32
    %log3A_2358 = math.log %log3A_2357 : f32
    %div3A_2359 = vector.broadcast %log3A_2358 : f32 to vector<64x128xf32>
    %div3A_2360 = arith.divf %log3A_2356, %div3A_2359 : vector<64x128xf32>
    %sub3A_2361 = arith.subf %min3A_2351, %div3A_2360 : vector<64x128xf32>
    %mul3A_2362 = arith.constant 1.500000e+00 : f32
    %mul3A_2363 = vector.broadcast %mul3A_2362 : f32 to vector<64x128xf32>
    %mul3A_2364 = arith.mulf %mul3A_2363, %sub3A_2361 : vector<64x128xf32>
    %exp23A_2365 = math.exp2 %mul3A_2364 : vector<64x128xf32>
    %mul3A_2366 = arith.mulf %exp23A_2365, %div3A_2360 : vector<64x128xf32>
    %mul3A_2367 = arith.mulf %convert_element_type3A_2338, %mul3A_2366 : vector<64x128xf32>
    %add3A_2368 = arith.addf %add3A_2329, %mul3A_2367 : vector<64x128xf32>
    %add3A_2369 = arith.addf %add3A_2330, %mul3A_2366 : vector<64x128xf32>
    %add3A_2370 = arith.addf %add3A_2331, %convert_element_type3A_2338 : vector<64x128xf32>
    %get3A_2371 = arith.constant 3904 : index
    %get3A_2372 = arith.constant 0 : index
    %get3A_2373 = vector.load %arg1[%get3A_2371, %get3A_2372] : memref<5632x128xf32, #tpu.memory_space<vmem>>, vector<64x128xf32>
    %get3A_2374 = arith.constant 3904 : index
    %get3A_2375 = arith.constant 0 : index
    %get3A_2376 = vector.load %arg2[%get3A_2374, %get3A_2375] : memref<5632x128xi32, #tpu.memory_space<vmem>>, vector<64x128xi32>
    %convert_element_type3A_2377 = arith.sitofp %get3A_2376 : vector<64x128xi32> to vector<64x128xf32>
    %mul3A_2378 = arith.constant 2.000000e+00 : f32
    %mul3A_2379 = vector.broadcast %mul3A_2378 : f32 to vector<64x128xf32>
    %mul3A_2380 = arith.mulf %mul3A_2379, %convert_element_type3A_2377 : vector<64x128xf32>
    %sub3A_2381 = arith.constant 1.000000e+00 : f32
    %sub3A_2382 = vector.broadcast %sub3A_2381 : f32 to vector<64x128xf32>
    %sub3A_2383 = arith.subf %mul3A_2380, %sub3A_2382 : vector<64x128xf32>
    %mul3A_2384 = arith.mulf %get3A_2373, %sub3A_2383 : vector<64x128xf32>
    %mul3A_2385 = arith.constant -1.44269502 : f32
    %mul3A_2386 = vector.broadcast %mul3A_2385 : f32 to vector<64x128xf32>
    %mul3A_2387 = arith.mulf %mul3A_2384, %mul3A_2386 : vector<64x128xf32>
    %min3A_2388 = arith.constant 1.260000e+02 : f32
    %min3A_2389 = vector.broadcast %min3A_2388 : f32 to vector<64x128xf32>
    %min3A_2390 = arith.minimumf %mul3A_2387, %min3A_2389 : vector<64x128xf32>
    %exp23A_2391 = math.exp2 %min3A_2390 : vector<64x128xf32>
    %add3A_2392 = arith.constant 1.000000e+00 : f32
    %add3A_2393 = vector.broadcast %add3A_2392 : f32 to vector<64x128xf32>
    %add3A_2394 = arith.addf %add3A_2393, %exp23A_2391 : vector<64x128xf32>
    %log3A_2395 = math.log %add3A_2394 : vector<64x128xf32>
    %log3A_2396 = arith.constant 2.000000e+00 : f32
    %log3A_2397 = math.log %log3A_2396 : f32
    %div3A_2398 = vector.broadcast %log3A_2397 : f32 to vector<64x128xf32>
    %div3A_2399 = arith.divf %log3A_2395, %div3A_2398 : vector<64x128xf32>
    %sub3A_2400 = arith.subf %min3A_2390, %div3A_2399 : vector<64x128xf32>
    %mul3A_2401 = arith.constant 1.500000e+00 : f32
    %mul3A_2402 = vector.broadcast %mul3A_2401 : f32 to vector<64x128xf32>
    %mul3A_2403 = arith.mulf %mul3A_2402, %sub3A_2400 : vector<64x128xf32>
    %exp23A_2404 = math.exp2 %mul3A_2403 : vector<64x128xf32>
    %mul3A_2405 = arith.mulf %exp23A_2404, %div3A_2399 : vector<64x128xf32>
    %mul3A_2406 = arith.mulf %convert_element_type3A_2377, %mul3A_2405 : vector<64x128xf32>
    %add3A_2407 = arith.addf %add3A_2368, %mul3A_2406 : vector<64x128xf32>
    %add3A_2408 = arith.addf %add3A_2369, %mul3A_2405 : vector<64x128xf32>
    %add3A_2409 = arith.addf %add3A_2370, %convert_element_type3A_2377 : vector<64x128xf32>
    %get3A_2410 = arith.constant 3968 : index
    %get3A_2411 = arith.constant 0 : index
    %get3A_2412 = vector.load %arg1[%get3A_2410, %get3A_2411] : memref<5632x128xf32, #tpu.memory_space<vmem>>, vector<64x128xf32>
    %get3A_2413 = arith.constant 3968 : index
    %get3A_2414 = arith.constant 0 : index
    %get3A_2415 = vector.load %arg2[%get3A_2413, %get3A_2414] : memref<5632x128xi32, #tpu.memory_space<vmem>>, vector<64x128xi32>
    %convert_element_type3A_2416 = arith.sitofp %get3A_2415 : vector<64x128xi32> to vector<64x128xf32>
    %mul3A_2417 = arith.constant 2.000000e+00 : f32
    %mul3A_2418 = vector.broadcast %mul3A_2417 : f32 to vector<64x128xf32>
    %mul3A_2419 = arith.mulf %mul3A_2418, %convert_element_type3A_2416 : vector<64x128xf32>
    %sub3A_2420 = arith.constant 1.000000e+00 : f32
    %sub3A_2421 = vector.broadcast %sub3A_2420 : f32 to vector<64x128xf32>
    %sub3A_2422 = arith.subf %mul3A_2419, %sub3A_2421 : vector<64x128xf32>
    %mul3A_2423 = arith.mulf %get3A_2412, %sub3A_2422 : vector<64x128xf32>
    %mul3A_2424 = arith.constant -1.44269502 : f32
    %mul3A_2425 = vector.broadcast %mul3A_2424 : f32 to vector<64x128xf32>
    %mul3A_2426 = arith.mulf %mul3A_2423, %mul3A_2425 : vector<64x128xf32>
    %min3A_2427 = arith.constant 1.260000e+02 : f32
    %min3A_2428 = vector.broadcast %min3A_2427 : f32 to vector<64x128xf32>
    %min3A_2429 = arith.minimumf %mul3A_2426, %min3A_2428 : vector<64x128xf32>
    %exp23A_2430 = math.exp2 %min3A_2429 : vector<64x128xf32>
    %add3A_2431 = arith.constant 1.000000e+00 : f32
    %add3A_2432 = vector.broadcast %add3A_2431 : f32 to vector<64x128xf32>
    %add3A_2433 = arith.addf %add3A_2432, %exp23A_2430 : vector<64x128xf32>
    %log3A_2434 = math.log %add3A_2433 : vector<64x128xf32>
    %log3A_2435 = arith.constant 2.000000e+00 : f32
    %log3A_2436 = math.log %log3A_2435 : f32
    %div3A_2437 = vector.broadcast %log3A_2436 : f32 to vector<64x128xf32>
    %div3A_2438 = arith.divf %log3A_2434, %div3A_2437 : vector<64x128xf32>
    %sub3A_2439 = arith.subf %min3A_2429, %div3A_2438 : vector<64x128xf32>
    %mul3A_2440 = arith.constant 1.500000e+00 : f32
    %mul3A_2441 = vector.broadcast %mul3A_2440 : f32 to vector<64x128xf32>
    %mul3A_2442 = arith.mulf %mul3A_2441, %sub3A_2439 : vector<64x128xf32>
    %exp23A_2443 = math.exp2 %mul3A_2442 : vector<64x128xf32>
    %mul3A_2444 = arith.mulf %exp23A_2443, %div3A_2438 : vector<64x128xf32>
    %mul3A_2445 = arith.mulf %convert_element_type3A_2416, %mul3A_2444 : vector<64x128xf32>
    %add3A_2446 = arith.addf %add3A_2407, %mul3A_2445 : vector<64x128xf32>
    %add3A_2447 = arith.addf %add3A_2408, %mul3A_2444 : vector<64x128xf32>
    %add3A_2448 = arith.addf %add3A_2409, %convert_element_type3A_2416 : vector<64x128xf32>
    %get3A_2449 = arith.constant 4032 : index
    %get3A_2450 = arith.constant 0 : index
    %get3A_2451 = vector.load %arg1[%get3A_2449, %get3A_2450] : memref<5632x128xf32, #tpu.memory_space<vmem>>, vector<64x128xf32>
    %get3A_2452 = arith.constant 4032 : index
    %get3A_2453 = arith.constant 0 : index
    %get3A_2454 = vector.load %arg2[%get3A_2452, %get3A_2453] : memref<5632x128xi32, #tpu.memory_space<vmem>>, vector<64x128xi32>
    %convert_element_type3A_2455 = arith.sitofp %get3A_2454 : vector<64x128xi32> to vector<64x128xf32>
    %mul3A_2456 = arith.constant 2.000000e+00 : f32
    %mul3A_2457 = vector.broadcast %mul3A_2456 : f32 to vector<64x128xf32>
    %mul3A_2458 = arith.mulf %mul3A_2457, %convert_element_type3A_2455 : vector<64x128xf32>
    %sub3A_2459 = arith.constant 1.000000e+00 : f32
    %sub3A_2460 = vector.broadcast %sub3A_2459 : f32 to vector<64x128xf32>
    %sub3A_2461 = arith.subf %mul3A_2458, %sub3A_2460 : vector<64x128xf32>
    %mul3A_2462 = arith.mulf %get3A_2451, %sub3A_2461 : vector<64x128xf32>
    %mul3A_2463 = arith.constant -1.44269502 : f32
    %mul3A_2464 = vector.broadcast %mul3A_2463 : f32 to vector<64x128xf32>
    %mul3A_2465 = arith.mulf %mul3A_2462, %mul3A_2464 : vector<64x128xf32>
    %min3A_2466 = arith.constant 1.260000e+02 : f32
    %min3A_2467 = vector.broadcast %min3A_2466 : f32 to vector<64x128xf32>
    %min3A_2468 = arith.minimumf %mul3A_2465, %min3A_2467 : vector<64x128xf32>
    %exp23A_2469 = math.exp2 %min3A_2468 : vector<64x128xf32>
    %add3A_2470 = arith.constant 1.000000e+00 : f32
    %add3A_2471 = vector.broadcast %add3A_2470 : f32 to vector<64x128xf32>
    %add3A_2472 = arith.addf %add3A_2471, %exp23A_2469 : vector<64x128xf32>
    %log3A_2473 = math.log %add3A_2472 : vector<64x128xf32>
    %log3A_2474 = arith.constant 2.000000e+00 : f32
    %log3A_2475 = math.log %log3A_2474 : f32
    %div3A_2476 = vector.broadcast %log3A_2475 : f32 to vector<64x128xf32>
    %div3A_2477 = arith.divf %log3A_2473, %div3A_2476 : vector<64x128xf32>
    %sub3A_2478 = arith.subf %min3A_2468, %div3A_2477 : vector<64x128xf32>
    %mul3A_2479 = arith.constant 1.500000e+00 : f32
    %mul3A_2480 = vector.broadcast %mul3A_2479 : f32 to vector<64x128xf32>
    %mul3A_2481 = arith.mulf %mul3A_2480, %sub3A_2478 : vector<64x128xf32>
    %exp23A_2482 = math.exp2 %mul3A_2481 : vector<64x128xf32>
    %mul3A_2483 = arith.mulf %exp23A_2482, %div3A_2477 : vector<64x128xf32>
    %mul3A_2484 = arith.mulf %convert_element_type3A_2455, %mul3A_2483 : vector<64x128xf32>
    %add3A_2485 = arith.addf %add3A_2446, %mul3A_2484 : vector<64x128xf32>
    %add3A_2486 = arith.addf %add3A_2447, %mul3A_2483 : vector<64x128xf32>
    %add3A_2487 = arith.addf %add3A_2448, %convert_element_type3A_2455 : vector<64x128xf32>
    %get3A_2488 = arith.constant 4096 : index
    %get3A_2489 = arith.constant 0 : index
    %get3A_2490 = vector.load %arg1[%get3A_2488, %get3A_2489] : memref<5632x128xf32, #tpu.memory_space<vmem>>, vector<64x128xf32>
    %get3A_2491 = arith.constant 4096 : index
    %get3A_2492 = arith.constant 0 : index
    %get3A_2493 = vector.load %arg2[%get3A_2491, %get3A_2492] : memref<5632x128xi32, #tpu.memory_space<vmem>>, vector<64x128xi32>
    %convert_element_type3A_2494 = arith.sitofp %get3A_2493 : vector<64x128xi32> to vector<64x128xf32>
    %mul3A_2495 = arith.constant 2.000000e+00 : f32
    %mul3A_2496 = vector.broadcast %mul3A_2495 : f32 to vector<64x128xf32>
    %mul3A_2497 = arith.mulf %mul3A_2496, %convert_element_type3A_2494 : vector<64x128xf32>
    %sub3A_2498 = arith.constant 1.000000e+00 : f32
    %sub3A_2499 = vector.broadcast %sub3A_2498 : f32 to vector<64x128xf32>
    %sub3A_2500 = arith.subf %mul3A_2497, %sub3A_2499 : vector<64x128xf32>
    %mul3A_2501 = arith.mulf %get3A_2490, %sub3A_2500 : vector<64x128xf32>
    %mul3A_2502 = arith.constant -1.44269502 : f32
    %mul3A_2503 = vector.broadcast %mul3A_2502 : f32 to vector<64x128xf32>
    %mul3A_2504 = arith.mulf %mul3A_2501, %mul3A_2503 : vector<64x128xf32>
    %min3A_2505 = arith.constant 1.260000e+02 : f32
    %min3A_2506 = vector.broadcast %min3A_2505 : f32 to vector<64x128xf32>
    %min3A_2507 = arith.minimumf %mul3A_2504, %min3A_2506 : vector<64x128xf32>
    %exp23A_2508 = math.exp2 %min3A_2507 : vector<64x128xf32>
    %add3A_2509 = arith.constant 1.000000e+00 : f32
    %add3A_2510 = vector.broadcast %add3A_2509 : f32 to vector<64x128xf32>
    %add3A_2511 = arith.addf %add3A_2510, %exp23A_2508 : vector<64x128xf32>
    %log3A_2512 = math.log %add3A_2511 : vector<64x128xf32>
    %log3A_2513 = arith.constant 2.000000e+00 : f32
    %log3A_2514 = math.log %log3A_2513 : f32
    %div3A_2515 = vector.broadcast %log3A_2514 : f32 to vector<64x128xf32>
    %div3A_2516 = arith.divf %log3A_2512, %div3A_2515 : vector<64x128xf32>
    %sub3A_2517 = arith.subf %min3A_2507, %div3A_2516 : vector<64x128xf32>
    %mul3A_2518 = arith.constant 1.500000e+00 : f32
    %mul3A_2519 = vector.broadcast %mul3A_2518 : f32 to vector<64x128xf32>
    %mul3A_2520 = arith.mulf %mul3A_2519, %sub3A_2517 : vector<64x128xf32>
    %exp23A_2521 = math.exp2 %mul3A_2520 : vector<64x128xf32>
    %mul3A_2522 = arith.mulf %exp23A_2521, %div3A_2516 : vector<64x128xf32>
    %mul3A_2523 = arith.mulf %convert_element_type3A_2494, %mul3A_2522 : vector<64x128xf32>
    %add3A_2524 = arith.addf %add3A_2485, %mul3A_2523 : vector<64x128xf32>
    %add3A_2525 = arith.addf %add3A_2486, %mul3A_2522 : vector<64x128xf32>
    %add3A_2526 = arith.addf %add3A_2487, %convert_element_type3A_2494 : vector<64x128xf32>
    %get3A_2527 = arith.constant 4160 : index
    %get3A_2528 = arith.constant 0 : index
    %get3A_2529 = vector.load %arg1[%get3A_2527, %get3A_2528] : memref<5632x128xf32, #tpu.memory_space<vmem>>, vector<64x128xf32>
    %get3A_2530 = arith.constant 4160 : index
    %get3A_2531 = arith.constant 0 : index
    %get3A_2532 = vector.load %arg2[%get3A_2530, %get3A_2531] : memref<5632x128xi32, #tpu.memory_space<vmem>>, vector<64x128xi32>
    %convert_element_type3A_2533 = arith.sitofp %get3A_2532 : vector<64x128xi32> to vector<64x128xf32>
    %mul3A_2534 = arith.constant 2.000000e+00 : f32
    %mul3A_2535 = vector.broadcast %mul3A_2534 : f32 to vector<64x128xf32>
    %mul3A_2536 = arith.mulf %mul3A_2535, %convert_element_type3A_2533 : vector<64x128xf32>
    %sub3A_2537 = arith.constant 1.000000e+00 : f32
    %sub3A_2538 = vector.broadcast %sub3A_2537 : f32 to vector<64x128xf32>
    %sub3A_2539 = arith.subf %mul3A_2536, %sub3A_2538 : vector<64x128xf32>
    %mul3A_2540 = arith.mulf %get3A_2529, %sub3A_2539 : vector<64x128xf32>
    %mul3A_2541 = arith.constant -1.44269502 : f32
    %mul3A_2542 = vector.broadcast %mul3A_2541 : f32 to vector<64x128xf32>
    %mul3A_2543 = arith.mulf %mul3A_2540, %mul3A_2542 : vector<64x128xf32>
    %min3A_2544 = arith.constant 1.260000e+02 : f32
    %min3A_2545 = vector.broadcast %min3A_2544 : f32 to vector<64x128xf32>
    %min3A_2546 = arith.minimumf %mul3A_2543, %min3A_2545 : vector<64x128xf32>
    %exp23A_2547 = math.exp2 %min3A_2546 : vector<64x128xf32>
    %add3A_2548 = arith.constant 1.000000e+00 : f32
    %add3A_2549 = vector.broadcast %add3A_2548 : f32 to vector<64x128xf32>
    %add3A_2550 = arith.addf %add3A_2549, %exp23A_2547 : vector<64x128xf32>
    %log3A_2551 = math.log %add3A_2550 : vector<64x128xf32>
    %log3A_2552 = arith.constant 2.000000e+00 : f32
    %log3A_2553 = math.log %log3A_2552 : f32
    %div3A_2554 = vector.broadcast %log3A_2553 : f32 to vector<64x128xf32>
    %div3A_2555 = arith.divf %log3A_2551, %div3A_2554 : vector<64x128xf32>
    %sub3A_2556 = arith.subf %min3A_2546, %div3A_2555 : vector<64x128xf32>
    %mul3A_2557 = arith.constant 1.500000e+00 : f32
    %mul3A_2558 = vector.broadcast %mul3A_2557 : f32 to vector<64x128xf32>
    %mul3A_2559 = arith.mulf %mul3A_2558, %sub3A_2556 : vector<64x128xf32>
    %exp23A_2560 = math.exp2 %mul3A_2559 : vector<64x128xf32>
    %mul3A_2561 = arith.mulf %exp23A_2560, %div3A_2555 : vector<64x128xf32>
    %mul3A_2562 = arith.mulf %convert_element_type3A_2533, %mul3A_2561 : vector<64x128xf32>
    %add3A_2563 = arith.addf %add3A_2524, %mul3A_2562 : vector<64x128xf32>
    %add3A_2564 = arith.addf %add3A_2525, %mul3A_2561 : vector<64x128xf32>
    %add3A_2565 = arith.addf %add3A_2526, %convert_element_type3A_2533 : vector<64x128xf32>
    %get3A_2566 = arith.constant 4224 : index
    %get3A_2567 = arith.constant 0 : index
    %get3A_2568 = vector.load %arg1[%get3A_2566, %get3A_2567] : memref<5632x128xf32, #tpu.memory_space<vmem>>, vector<64x128xf32>
    %get3A_2569 = arith.constant 4224 : index
    %get3A_2570 = arith.constant 0 : index
    %get3A_2571 = vector.load %arg2[%get3A_2569, %get3A_2570] : memref<5632x128xi32, #tpu.memory_space<vmem>>, vector<64x128xi32>
    %convert_element_type3A_2572 = arith.sitofp %get3A_2571 : vector<64x128xi32> to vector<64x128xf32>
    %mul3A_2573 = arith.constant 2.000000e+00 : f32
    %mul3A_2574 = vector.broadcast %mul3A_2573 : f32 to vector<64x128xf32>
    %mul3A_2575 = arith.mulf %mul3A_2574, %convert_element_type3A_2572 : vector<64x128xf32>
    %sub3A_2576 = arith.constant 1.000000e+00 : f32
    %sub3A_2577 = vector.broadcast %sub3A_2576 : f32 to vector<64x128xf32>
    %sub3A_2578 = arith.subf %mul3A_2575, %sub3A_2577 : vector<64x128xf32>
    %mul3A_2579 = arith.mulf %get3A_2568, %sub3A_2578 : vector<64x128xf32>
    %mul3A_2580 = arith.constant -1.44269502 : f32
    %mul3A_2581 = vector.broadcast %mul3A_2580 : f32 to vector<64x128xf32>
    %mul3A_2582 = arith.mulf %mul3A_2579, %mul3A_2581 : vector<64x128xf32>
    %min3A_2583 = arith.constant 1.260000e+02 : f32
    %min3A_2584 = vector.broadcast %min3A_2583 : f32 to vector<64x128xf32>
    %min3A_2585 = arith.minimumf %mul3A_2582, %min3A_2584 : vector<64x128xf32>
    %exp23A_2586 = math.exp2 %min3A_2585 : vector<64x128xf32>
    %add3A_2587 = arith.constant 1.000000e+00 : f32
    %add3A_2588 = vector.broadcast %add3A_2587 : f32 to vector<64x128xf32>
    %add3A_2589 = arith.addf %add3A_2588, %exp23A_2586 : vector<64x128xf32>
    %log3A_2590 = math.log %add3A_2589 : vector<64x128xf32>
    %log3A_2591 = arith.constant 2.000000e+00 : f32
    %log3A_2592 = math.log %log3A_2591 : f32
    %div3A_2593 = vector.broadcast %log3A_2592 : f32 to vector<64x128xf32>
    %div3A_2594 = arith.divf %log3A_2590, %div3A_2593 : vector<64x128xf32>
    %sub3A_2595 = arith.subf %min3A_2585, %div3A_2594 : vector<64x128xf32>
    %mul3A_2596 = arith.constant 1.500000e+00 : f32
    %mul3A_2597 = vector.broadcast %mul3A_2596 : f32 to vector<64x128xf32>
    %mul3A_2598 = arith.mulf %mul3A_2597, %sub3A_2595 : vector<64x128xf32>
    %exp23A_2599 = math.exp2 %mul3A_2598 : vector<64x128xf32>
    %mul3A_2600 = arith.mulf %exp23A_2599, %div3A_2594 : vector<64x128xf32>
    %mul3A_2601 = arith.mulf %convert_element_type3A_2572, %mul3A_2600 : vector<64x128xf32>
    %add3A_2602 = arith.addf %add3A_2563, %mul3A_2601 : vector<64x128xf32>
    %add3A_2603 = arith.addf %add3A_2564, %mul3A_2600 : vector<64x128xf32>
    %add3A_2604 = arith.addf %add3A_2565, %convert_element_type3A_2572 : vector<64x128xf32>
    %get3A_2605 = arith.constant 4288 : index
    %get3A_2606 = arith.constant 0 : index
    %get3A_2607 = vector.load %arg1[%get3A_2605, %get3A_2606] : memref<5632x128xf32, #tpu.memory_space<vmem>>, vector<64x128xf32>
    %get3A_2608 = arith.constant 4288 : index
    %get3A_2609 = arith.constant 0 : index
    %get3A_2610 = vector.load %arg2[%get3A_2608, %get3A_2609] : memref<5632x128xi32, #tpu.memory_space<vmem>>, vector<64x128xi32>
    %convert_element_type3A_2611 = arith.sitofp %get3A_2610 : vector<64x128xi32> to vector<64x128xf32>
    %mul3A_2612 = arith.constant 2.000000e+00 : f32
    %mul3A_2613 = vector.broadcast %mul3A_2612 : f32 to vector<64x128xf32>
    %mul3A_2614 = arith.mulf %mul3A_2613, %convert_element_type3A_2611 : vector<64x128xf32>
    %sub3A_2615 = arith.constant 1.000000e+00 : f32
    %sub3A_2616 = vector.broadcast %sub3A_2615 : f32 to vector<64x128xf32>
    %sub3A_2617 = arith.subf %mul3A_2614, %sub3A_2616 : vector<64x128xf32>
    %mul3A_2618 = arith.mulf %get3A_2607, %sub3A_2617 : vector<64x128xf32>
    %mul3A_2619 = arith.constant -1.44269502 : f32
    %mul3A_2620 = vector.broadcast %mul3A_2619 : f32 to vector<64x128xf32>
    %mul3A_2621 = arith.mulf %mul3A_2618, %mul3A_2620 : vector<64x128xf32>
    %min3A_2622 = arith.constant 1.260000e+02 : f32
    %min3A_2623 = vector.broadcast %min3A_2622 : f32 to vector<64x128xf32>
    %min3A_2624 = arith.minimumf %mul3A_2621, %min3A_2623 : vector<64x128xf32>
    %exp23A_2625 = math.exp2 %min3A_2624 : vector<64x128xf32>
    %add3A_2626 = arith.constant 1.000000e+00 : f32
    %add3A_2627 = vector.broadcast %add3A_2626 : f32 to vector<64x128xf32>
    %add3A_2628 = arith.addf %add3A_2627, %exp23A_2625 : vector<64x128xf32>
    %log3A_2629 = math.log %add3A_2628 : vector<64x128xf32>
    %log3A_2630 = arith.constant 2.000000e+00 : f32
    %log3A_2631 = math.log %log3A_2630 : f32
    %div3A_2632 = vector.broadcast %log3A_2631 : f32 to vector<64x128xf32>
    %div3A_2633 = arith.divf %log3A_2629, %div3A_2632 : vector<64x128xf32>
    %sub3A_2634 = arith.subf %min3A_2624, %div3A_2633 : vector<64x128xf32>
    %mul3A_2635 = arith.constant 1.500000e+00 : f32
    %mul3A_2636 = vector.broadcast %mul3A_2635 : f32 to vector<64x128xf32>
    %mul3A_2637 = arith.mulf %mul3A_2636, %sub3A_2634 : vector<64x128xf32>
    %exp23A_2638 = math.exp2 %mul3A_2637 : vector<64x128xf32>
    %mul3A_2639 = arith.mulf %exp23A_2638, %div3A_2633 : vector<64x128xf32>
    %mul3A_2640 = arith.mulf %convert_element_type3A_2611, %mul3A_2639 : vector<64x128xf32>
    %add3A_2641 = arith.addf %add3A_2602, %mul3A_2640 : vector<64x128xf32>
    %add3A_2642 = arith.addf %add3A_2603, %mul3A_2639 : vector<64x128xf32>
    %add3A_2643 = arith.addf %add3A_2604, %convert_element_type3A_2611 : vector<64x128xf32>
    %get3A_2644 = arith.constant 4352 : index
    %get3A_2645 = arith.constant 0 : index
    %get3A_2646 = vector.load %arg1[%get3A_2644, %get3A_2645] : memref<5632x128xf32, #tpu.memory_space<vmem>>, vector<64x128xf32>
    %get3A_2647 = arith.constant 4352 : index
    %get3A_2648 = arith.constant 0 : index
    %get3A_2649 = vector.load %arg2[%get3A_2647, %get3A_2648] : memref<5632x128xi32, #tpu.memory_space<vmem>>, vector<64x128xi32>
    %convert_element_type3A_2650 = arith.sitofp %get3A_2649 : vector<64x128xi32> to vector<64x128xf32>
    %mul3A_2651 = arith.constant 2.000000e+00 : f32
    %mul3A_2652 = vector.broadcast %mul3A_2651 : f32 to vector<64x128xf32>
    %mul3A_2653 = arith.mulf %mul3A_2652, %convert_element_type3A_2650 : vector<64x128xf32>
    %sub3A_2654 = arith.constant 1.000000e+00 : f32
    %sub3A_2655 = vector.broadcast %sub3A_2654 : f32 to vector<64x128xf32>
    %sub3A_2656 = arith.subf %mul3A_2653, %sub3A_2655 : vector<64x128xf32>
    %mul3A_2657 = arith.mulf %get3A_2646, %sub3A_2656 : vector<64x128xf32>
    %mul3A_2658 = arith.constant -1.44269502 : f32
    %mul3A_2659 = vector.broadcast %mul3A_2658 : f32 to vector<64x128xf32>
    %mul3A_2660 = arith.mulf %mul3A_2657, %mul3A_2659 : vector<64x128xf32>
    %min3A_2661 = arith.constant 1.260000e+02 : f32
    %min3A_2662 = vector.broadcast %min3A_2661 : f32 to vector<64x128xf32>
    %min3A_2663 = arith.minimumf %mul3A_2660, %min3A_2662 : vector<64x128xf32>
    %exp23A_2664 = math.exp2 %min3A_2663 : vector<64x128xf32>
    %add3A_2665 = arith.constant 1.000000e+00 : f32
    %add3A_2666 = vector.broadcast %add3A_2665 : f32 to vector<64x128xf32>
    %add3A_2667 = arith.addf %add3A_2666, %exp23A_2664 : vector<64x128xf32>
    %log3A_2668 = math.log %add3A_2667 : vector<64x128xf32>
    %log3A_2669 = arith.constant 2.000000e+00 : f32
    %log3A_2670 = math.log %log3A_2669 : f32
    %div3A_2671 = vector.broadcast %log3A_2670 : f32 to vector<64x128xf32>
    %div3A_2672 = arith.divf %log3A_2668, %div3A_2671 : vector<64x128xf32>
    %sub3A_2673 = arith.subf %min3A_2663, %div3A_2672 : vector<64x128xf32>
    %mul3A_2674 = arith.constant 1.500000e+00 : f32
    %mul3A_2675 = vector.broadcast %mul3A_2674 : f32 to vector<64x128xf32>
    %mul3A_2676 = arith.mulf %mul3A_2675, %sub3A_2673 : vector<64x128xf32>
    %exp23A_2677 = math.exp2 %mul3A_2676 : vector<64x128xf32>
    %mul3A_2678 = arith.mulf %exp23A_2677, %div3A_2672 : vector<64x128xf32>
    %mul3A_2679 = arith.mulf %convert_element_type3A_2650, %mul3A_2678 : vector<64x128xf32>
    %add3A_2680 = arith.addf %add3A_2641, %mul3A_2679 : vector<64x128xf32>
    %add3A_2681 = arith.addf %add3A_2642, %mul3A_2678 : vector<64x128xf32>
    %add3A_2682 = arith.addf %add3A_2643, %convert_element_type3A_2650 : vector<64x128xf32>
    %get3A_2683 = arith.constant 4416 : index
    %get3A_2684 = arith.constant 0 : index
    %get3A_2685 = vector.load %arg1[%get3A_2683, %get3A_2684] : memref<5632x128xf32, #tpu.memory_space<vmem>>, vector<64x128xf32>
    %get3A_2686 = arith.constant 4416 : index
    %get3A_2687 = arith.constant 0 : index
    %get3A_2688 = vector.load %arg2[%get3A_2686, %get3A_2687] : memref<5632x128xi32, #tpu.memory_space<vmem>>, vector<64x128xi32>
    %convert_element_type3A_2689 = arith.sitofp %get3A_2688 : vector<64x128xi32> to vector<64x128xf32>
    %mul3A_2690 = arith.constant 2.000000e+00 : f32
    %mul3A_2691 = vector.broadcast %mul3A_2690 : f32 to vector<64x128xf32>
    %mul3A_2692 = arith.mulf %mul3A_2691, %convert_element_type3A_2689 : vector<64x128xf32>
    %sub3A_2693 = arith.constant 1.000000e+00 : f32
    %sub3A_2694 = vector.broadcast %sub3A_2693 : f32 to vector<64x128xf32>
    %sub3A_2695 = arith.subf %mul3A_2692, %sub3A_2694 : vector<64x128xf32>
    %mul3A_2696 = arith.mulf %get3A_2685, %sub3A_2695 : vector<64x128xf32>
    %mul3A_2697 = arith.constant -1.44269502 : f32
    %mul3A_2698 = vector.broadcast %mul3A_2697 : f32 to vector<64x128xf32>
    %mul3A_2699 = arith.mulf %mul3A_2696, %mul3A_2698 : vector<64x128xf32>
    %min3A_2700 = arith.constant 1.260000e+02 : f32
    %min3A_2701 = vector.broadcast %min3A_2700 : f32 to vector<64x128xf32>
    %min3A_2702 = arith.minimumf %mul3A_2699, %min3A_2701 : vector<64x128xf32>
    %exp23A_2703 = math.exp2 %min3A_2702 : vector<64x128xf32>
    %add3A_2704 = arith.constant 1.000000e+00 : f32
    %add3A_2705 = vector.broadcast %add3A_2704 : f32 to vector<64x128xf32>
    %add3A_2706 = arith.addf %add3A_2705, %exp23A_2703 : vector<64x128xf32>
    %log3A_2707 = math.log %add3A_2706 : vector<64x128xf32>
    %log3A_2708 = arith.constant 2.000000e+00 : f32
    %log3A_2709 = math.log %log3A_2708 : f32
    %div3A_2710 = vector.broadcast %log3A_2709 : f32 to vector<64x128xf32>
    %div3A_2711 = arith.divf %log3A_2707, %div3A_2710 : vector<64x128xf32>
    %sub3A_2712 = arith.subf %min3A_2702, %div3A_2711 : vector<64x128xf32>
    %mul3A_2713 = arith.constant 1.500000e+00 : f32
    %mul3A_2714 = vector.broadcast %mul3A_2713 : f32 to vector<64x128xf32>
    %mul3A_2715 = arith.mulf %mul3A_2714, %sub3A_2712 : vector<64x128xf32>
    %exp23A_2716 = math.exp2 %mul3A_2715 : vector<64x128xf32>
    %mul3A_2717 = arith.mulf %exp23A_2716, %div3A_2711 : vector<64x128xf32>
    %mul3A_2718 = arith.mulf %convert_element_type3A_2689, %mul3A_2717 : vector<64x128xf32>
    %add3A_2719 = arith.addf %add3A_2680, %mul3A_2718 : vector<64x128xf32>
    %add3A_2720 = arith.addf %add3A_2681, %mul3A_2717 : vector<64x128xf32>
    %add3A_2721 = arith.addf %add3A_2682, %convert_element_type3A_2689 : vector<64x128xf32>
    %get3A_2722 = arith.constant 4480 : index
    %get3A_2723 = arith.constant 0 : index
    %get3A_2724 = vector.load %arg1[%get3A_2722, %get3A_2723] : memref<5632x128xf32, #tpu.memory_space<vmem>>, vector<64x128xf32>
    %get3A_2725 = arith.constant 4480 : index
    %get3A_2726 = arith.constant 0 : index
    %get3A_2727 = vector.load %arg2[%get3A_2725, %get3A_2726] : memref<5632x128xi32, #tpu.memory_space<vmem>>, vector<64x128xi32>
    %convert_element_type3A_2728 = arith.sitofp %get3A_2727 : vector<64x128xi32> to vector<64x128xf32>
    %mul3A_2729 = arith.constant 2.000000e+00 : f32
    %mul3A_2730 = vector.broadcast %mul3A_2729 : f32 to vector<64x128xf32>
    %mul3A_2731 = arith.mulf %mul3A_2730, %convert_element_type3A_2728 : vector<64x128xf32>
    %sub3A_2732 = arith.constant 1.000000e+00 : f32
    %sub3A_2733 = vector.broadcast %sub3A_2732 : f32 to vector<64x128xf32>
    %sub3A_2734 = arith.subf %mul3A_2731, %sub3A_2733 : vector<64x128xf32>
    %mul3A_2735 = arith.mulf %get3A_2724, %sub3A_2734 : vector<64x128xf32>
    %mul3A_2736 = arith.constant -1.44269502 : f32
    %mul3A_2737 = vector.broadcast %mul3A_2736 : f32 to vector<64x128xf32>
    %mul3A_2738 = arith.mulf %mul3A_2735, %mul3A_2737 : vector<64x128xf32>
    %min3A_2739 = arith.constant 1.260000e+02 : f32
    %min3A_2740 = vector.broadcast %min3A_2739 : f32 to vector<64x128xf32>
    %min3A_2741 = arith.minimumf %mul3A_2738, %min3A_2740 : vector<64x128xf32>
    %exp23A_2742 = math.exp2 %min3A_2741 : vector<64x128xf32>
    %add3A_2743 = arith.constant 1.000000e+00 : f32
    %add3A_2744 = vector.broadcast %add3A_2743 : f32 to vector<64x128xf32>
    %add3A_2745 = arith.addf %add3A_2744, %exp23A_2742 : vector<64x128xf32>
    %log3A_2746 = math.log %add3A_2745 : vector<64x128xf32>
    %log3A_2747 = arith.constant 2.000000e+00 : f32
    %log3A_2748 = math.log %log3A_2747 : f32
    %div3A_2749 = vector.broadcast %log3A_2748 : f32 to vector<64x128xf32>
    %div3A_2750 = arith.divf %log3A_2746, %div3A_2749 : vector<64x128xf32>
    %sub3A_2751 = arith.subf %min3A_2741, %div3A_2750 : vector<64x128xf32>
    %mul3A_2752 = arith.constant 1.500000e+00 : f32
    %mul3A_2753 = vector.broadcast %mul3A_2752 : f32 to vector<64x128xf32>
    %mul3A_2754 = arith.mulf %mul3A_2753, %sub3A_2751 : vector<64x128xf32>
    %exp23A_2755 = math.exp2 %mul3A_2754 : vector<64x128xf32>
    %mul3A_2756 = arith.mulf %exp23A_2755, %div3A_2750 : vector<64x128xf32>
    %mul3A_2757 = arith.mulf %convert_element_type3A_2728, %mul3A_2756 : vector<64x128xf32>
    %add3A_2758 = arith.addf %add3A_2719, %mul3A_2757 : vector<64x128xf32>
    %add3A_2759 = arith.addf %add3A_2720, %mul3A_2756 : vector<64x128xf32>
    %add3A_2760 = arith.addf %add3A_2721, %convert_element_type3A_2728 : vector<64x128xf32>
    %get3A_2761 = arith.constant 4544 : index
    %get3A_2762 = arith.constant 0 : index
    %get3A_2763 = vector.load %arg1[%get3A_2761, %get3A_2762] : memref<5632x128xf32, #tpu.memory_space<vmem>>, vector<64x128xf32>
    %get3A_2764 = arith.constant 4544 : index
    %get3A_2765 = arith.constant 0 : index
    %get3A_2766 = vector.load %arg2[%get3A_2764, %get3A_2765] : memref<5632x128xi32, #tpu.memory_space<vmem>>, vector<64x128xi32>
    %convert_element_type3A_2767 = arith.sitofp %get3A_2766 : vector<64x128xi32> to vector<64x128xf32>
    %mul3A_2768 = arith.constant 2.000000e+00 : f32
    %mul3A_2769 = vector.broadcast %mul3A_2768 : f32 to vector<64x128xf32>
    %mul3A_2770 = arith.mulf %mul3A_2769, %convert_element_type3A_2767 : vector<64x128xf32>
    %sub3A_2771 = arith.constant 1.000000e+00 : f32
    %sub3A_2772 = vector.broadcast %sub3A_2771 : f32 to vector<64x128xf32>
    %sub3A_2773 = arith.subf %mul3A_2770, %sub3A_2772 : vector<64x128xf32>
    %mul3A_2774 = arith.mulf %get3A_2763, %sub3A_2773 : vector<64x128xf32>
    %mul3A_2775 = arith.constant -1.44269502 : f32
    %mul3A_2776 = vector.broadcast %mul3A_2775 : f32 to vector<64x128xf32>
    %mul3A_2777 = arith.mulf %mul3A_2774, %mul3A_2776 : vector<64x128xf32>
    %min3A_2778 = arith.constant 1.260000e+02 : f32
    %min3A_2779 = vector.broadcast %min3A_2778 : f32 to vector<64x128xf32>
    %min3A_2780 = arith.minimumf %mul3A_2777, %min3A_2779 : vector<64x128xf32>
    %exp23A_2781 = math.exp2 %min3A_2780 : vector<64x128xf32>
    %add3A_2782 = arith.constant 1.000000e+00 : f32
    %add3A_2783 = vector.broadcast %add3A_2782 : f32 to vector<64x128xf32>
    %add3A_2784 = arith.addf %add3A_2783, %exp23A_2781 : vector<64x128xf32>
    %log3A_2785 = math.log %add3A_2784 : vector<64x128xf32>
    %log3A_2786 = arith.constant 2.000000e+00 : f32
    %log3A_2787 = math.log %log3A_2786 : f32
    %div3A_2788 = vector.broadcast %log3A_2787 : f32 to vector<64x128xf32>
    %div3A_2789 = arith.divf %log3A_2785, %div3A_2788 : vector<64x128xf32>
    %sub3A_2790 = arith.subf %min3A_2780, %div3A_2789 : vector<64x128xf32>
    %mul3A_2791 = arith.constant 1.500000e+00 : f32
    %mul3A_2792 = vector.broadcast %mul3A_2791 : f32 to vector<64x128xf32>
    %mul3A_2793 = arith.mulf %mul3A_2792, %sub3A_2790 : vector<64x128xf32>
    %exp23A_2794 = math.exp2 %mul3A_2793 : vector<64x128xf32>
    %mul3A_2795 = arith.mulf %exp23A_2794, %div3A_2789 : vector<64x128xf32>
    %mul3A_2796 = arith.mulf %convert_element_type3A_2767, %mul3A_2795 : vector<64x128xf32>
    %add3A_2797 = arith.addf %add3A_2758, %mul3A_2796 : vector<64x128xf32>
    %add3A_2798 = arith.addf %add3A_2759, %mul3A_2795 : vector<64x128xf32>
    %add3A_2799 = arith.addf %add3A_2760, %convert_element_type3A_2767 : vector<64x128xf32>
    %get3A_2800 = arith.constant 4608 : index
    %get3A_2801 = arith.constant 0 : index
    %get3A_2802 = vector.load %arg1[%get3A_2800, %get3A_2801] : memref<5632x128xf32, #tpu.memory_space<vmem>>, vector<64x128xf32>
    %get3A_2803 = arith.constant 4608 : index
    %get3A_2804 = arith.constant 0 : index
    %get3A_2805 = vector.load %arg2[%get3A_2803, %get3A_2804] : memref<5632x128xi32, #tpu.memory_space<vmem>>, vector<64x128xi32>
    %convert_element_type3A_2806 = arith.sitofp %get3A_2805 : vector<64x128xi32> to vector<64x128xf32>
    %mul3A_2807 = arith.constant 2.000000e+00 : f32
    %mul3A_2808 = vector.broadcast %mul3A_2807 : f32 to vector<64x128xf32>
    %mul3A_2809 = arith.mulf %mul3A_2808, %convert_element_type3A_2806 : vector<64x128xf32>
    %sub3A_2810 = arith.constant 1.000000e+00 : f32
    %sub3A_2811 = vector.broadcast %sub3A_2810 : f32 to vector<64x128xf32>
    %sub3A_2812 = arith.subf %mul3A_2809, %sub3A_2811 : vector<64x128xf32>
    %mul3A_2813 = arith.mulf %get3A_2802, %sub3A_2812 : vector<64x128xf32>
    %mul3A_2814 = arith.constant -1.44269502 : f32
    %mul3A_2815 = vector.broadcast %mul3A_2814 : f32 to vector<64x128xf32>
    %mul3A_2816 = arith.mulf %mul3A_2813, %mul3A_2815 : vector<64x128xf32>
    %min3A_2817 = arith.constant 1.260000e+02 : f32
    %min3A_2818 = vector.broadcast %min3A_2817 : f32 to vector<64x128xf32>
    %min3A_2819 = arith.minimumf %mul3A_2816, %min3A_2818 : vector<64x128xf32>
    %exp23A_2820 = math.exp2 %min3A_2819 : vector<64x128xf32>
    %add3A_2821 = arith.constant 1.000000e+00 : f32
    %add3A_2822 = vector.broadcast %add3A_2821 : f32 to vector<64x128xf32>
    %add3A_2823 = arith.addf %add3A_2822, %exp23A_2820 : vector<64x128xf32>
    %log3A_2824 = math.log %add3A_2823 : vector<64x128xf32>
    %log3A_2825 = arith.constant 2.000000e+00 : f32
    %log3A_2826 = math.log %log3A_2825 : f32
    %div3A_2827 = vector.broadcast %log3A_2826 : f32 to vector<64x128xf32>
    %div3A_2828 = arith.divf %log3A_2824, %div3A_2827 : vector<64x128xf32>
    %sub3A_2829 = arith.subf %min3A_2819, %div3A_2828 : vector<64x128xf32>
    %mul3A_2830 = arith.constant 1.500000e+00 : f32
    %mul3A_2831 = vector.broadcast %mul3A_2830 : f32 to vector<64x128xf32>
    %mul3A_2832 = arith.mulf %mul3A_2831, %sub3A_2829 : vector<64x128xf32>
    %exp23A_2833 = math.exp2 %mul3A_2832 : vector<64x128xf32>
    %mul3A_2834 = arith.mulf %exp23A_2833, %div3A_2828 : vector<64x128xf32>
    %mul3A_2835 = arith.mulf %convert_element_type3A_2806, %mul3A_2834 : vector<64x128xf32>
    %add3A_2836 = arith.addf %add3A_2797, %mul3A_2835 : vector<64x128xf32>
    %add3A_2837 = arith.addf %add3A_2798, %mul3A_2834 : vector<64x128xf32>
    %add3A_2838 = arith.addf %add3A_2799, %convert_element_type3A_2806 : vector<64x128xf32>
    %get3A_2839 = arith.constant 4672 : index
    %get3A_2840 = arith.constant 0 : index
    %get3A_2841 = vector.load %arg1[%get3A_2839, %get3A_2840] : memref<5632x128xf32, #tpu.memory_space<vmem>>, vector<64x128xf32>
    %get3A_2842 = arith.constant 4672 : index
    %get3A_2843 = arith.constant 0 : index
    %get3A_2844 = vector.load %arg2[%get3A_2842, %get3A_2843] : memref<5632x128xi32, #tpu.memory_space<vmem>>, vector<64x128xi32>
    %convert_element_type3A_2845 = arith.sitofp %get3A_2844 : vector<64x128xi32> to vector<64x128xf32>
    %mul3A_2846 = arith.constant 2.000000e+00 : f32
    %mul3A_2847 = vector.broadcast %mul3A_2846 : f32 to vector<64x128xf32>
    %mul3A_2848 = arith.mulf %mul3A_2847, %convert_element_type3A_2845 : vector<64x128xf32>
    %sub3A_2849 = arith.constant 1.000000e+00 : f32
    %sub3A_2850 = vector.broadcast %sub3A_2849 : f32 to vector<64x128xf32>
    %sub3A_2851 = arith.subf %mul3A_2848, %sub3A_2850 : vector<64x128xf32>
    %mul3A_2852 = arith.mulf %get3A_2841, %sub3A_2851 : vector<64x128xf32>
    %mul3A_2853 = arith.constant -1.44269502 : f32
    %mul3A_2854 = vector.broadcast %mul3A_2853 : f32 to vector<64x128xf32>
    %mul3A_2855 = arith.mulf %mul3A_2852, %mul3A_2854 : vector<64x128xf32>
    %min3A_2856 = arith.constant 1.260000e+02 : f32
    %min3A_2857 = vector.broadcast %min3A_2856 : f32 to vector<64x128xf32>
    %min3A_2858 = arith.minimumf %mul3A_2855, %min3A_2857 : vector<64x128xf32>
    %exp23A_2859 = math.exp2 %min3A_2858 : vector<64x128xf32>
    %add3A_2860 = arith.constant 1.000000e+00 : f32
    %add3A_2861 = vector.broadcast %add3A_2860 : f32 to vector<64x128xf32>
    %add3A_2862 = arith.addf %add3A_2861, %exp23A_2859 : vector<64x128xf32>
    %log3A_2863 = math.log %add3A_2862 : vector<64x128xf32>
    %log3A_2864 = arith.constant 2.000000e+00 : f32
    %log3A_2865 = math.log %log3A_2864 : f32
    %div3A_2866 = vector.broadcast %log3A_2865 : f32 to vector<64x128xf32>
    %div3A_2867 = arith.divf %log3A_2863, %div3A_2866 : vector<64x128xf32>
    %sub3A_2868 = arith.subf %min3A_2858, %div3A_2867 : vector<64x128xf32>
    %mul3A_2869 = arith.constant 1.500000e+00 : f32
    %mul3A_2870 = vector.broadcast %mul3A_2869 : f32 to vector<64x128xf32>
    %mul3A_2871 = arith.mulf %mul3A_2870, %sub3A_2868 : vector<64x128xf32>
    %exp23A_2872 = math.exp2 %mul3A_2871 : vector<64x128xf32>
    %mul3A_2873 = arith.mulf %exp23A_2872, %div3A_2867 : vector<64x128xf32>
    %mul3A_2874 = arith.mulf %convert_element_type3A_2845, %mul3A_2873 : vector<64x128xf32>
    %add3A_2875 = arith.addf %add3A_2836, %mul3A_2874 : vector<64x128xf32>
    %add3A_2876 = arith.addf %add3A_2837, %mul3A_2873 : vector<64x128xf32>
    %add3A_2877 = arith.addf %add3A_2838, %convert_element_type3A_2845 : vector<64x128xf32>
    %get3A_2878 = arith.constant 4736 : index
    %get3A_2879 = arith.constant 0 : index
    %get3A_2880 = vector.load %arg1[%get3A_2878, %get3A_2879] : memref<5632x128xf32, #tpu.memory_space<vmem>>, vector<64x128xf32>
    %get3A_2881 = arith.constant 4736 : index
    %get3A_2882 = arith.constant 0 : index
    %get3A_2883 = vector.load %arg2[%get3A_2881, %get3A_2882] : memref<5632x128xi32, #tpu.memory_space<vmem>>, vector<64x128xi32>
    %convert_element_type3A_2884 = arith.sitofp %get3A_2883 : vector<64x128xi32> to vector<64x128xf32>
    %mul3A_2885 = arith.constant 2.000000e+00 : f32
    %mul3A_2886 = vector.broadcast %mul3A_2885 : f32 to vector<64x128xf32>
    %mul3A_2887 = arith.mulf %mul3A_2886, %convert_element_type3A_2884 : vector<64x128xf32>
    %sub3A_2888 = arith.constant 1.000000e+00 : f32
    %sub3A_2889 = vector.broadcast %sub3A_2888 : f32 to vector<64x128xf32>
    %sub3A_2890 = arith.subf %mul3A_2887, %sub3A_2889 : vector<64x128xf32>
    %mul3A_2891 = arith.mulf %get3A_2880, %sub3A_2890 : vector<64x128xf32>
    %mul3A_2892 = arith.constant -1.44269502 : f32
    %mul3A_2893 = vector.broadcast %mul3A_2892 : f32 to vector<64x128xf32>
    %mul3A_2894 = arith.mulf %mul3A_2891, %mul3A_2893 : vector<64x128xf32>
    %min3A_2895 = arith.constant 1.260000e+02 : f32
    %min3A_2896 = vector.broadcast %min3A_2895 : f32 to vector<64x128xf32>
    %min3A_2897 = arith.minimumf %mul3A_2894, %min3A_2896 : vector<64x128xf32>
    %exp23A_2898 = math.exp2 %min3A_2897 : vector<64x128xf32>
    %add3A_2899 = arith.constant 1.000000e+00 : f32
    %add3A_2900 = vector.broadcast %add3A_2899 : f32 to vector<64x128xf32>
    %add3A_2901 = arith.addf %add3A_2900, %exp23A_2898 : vector<64x128xf32>
    %log3A_2902 = math.log %add3A_2901 : vector<64x128xf32>
    %log3A_2903 = arith.constant 2.000000e+00 : f32
    %log3A_2904 = math.log %log3A_2903 : f32
    %div3A_2905 = vector.broadcast %log3A_2904 : f32 to vector<64x128xf32>
    %div3A_2906 = arith.divf %log3A_2902, %div3A_2905 : vector<64x128xf32>
    %sub3A_2907 = arith.subf %min3A_2897, %div3A_2906 : vector<64x128xf32>
    %mul3A_2908 = arith.constant 1.500000e+00 : f32
    %mul3A_2909 = vector.broadcast %mul3A_2908 : f32 to vector<64x128xf32>
    %mul3A_2910 = arith.mulf %mul3A_2909, %sub3A_2907 : vector<64x128xf32>
    %exp23A_2911 = math.exp2 %mul3A_2910 : vector<64x128xf32>
    %mul3A_2912 = arith.mulf %exp23A_2911, %div3A_2906 : vector<64x128xf32>
    %mul3A_2913 = arith.mulf %convert_element_type3A_2884, %mul3A_2912 : vector<64x128xf32>
    %add3A_2914 = arith.addf %add3A_2875, %mul3A_2913 : vector<64x128xf32>
    %add3A_2915 = arith.addf %add3A_2876, %mul3A_2912 : vector<64x128xf32>
    %add3A_2916 = arith.addf %add3A_2877, %convert_element_type3A_2884 : vector<64x128xf32>
    %get3A_2917 = arith.constant 4800 : index
    %get3A_2918 = arith.constant 0 : index
    %get3A_2919 = vector.load %arg1[%get3A_2917, %get3A_2918] : memref<5632x128xf32, #tpu.memory_space<vmem>>, vector<64x128xf32>
    %get3A_2920 = arith.constant 4800 : index
    %get3A_2921 = arith.constant 0 : index
    %get3A_2922 = vector.load %arg2[%get3A_2920, %get3A_2921] : memref<5632x128xi32, #tpu.memory_space<vmem>>, vector<64x128xi32>
    %convert_element_type3A_2923 = arith.sitofp %get3A_2922 : vector<64x128xi32> to vector<64x128xf32>
    %mul3A_2924 = arith.constant 2.000000e+00 : f32
    %mul3A_2925 = vector.broadcast %mul3A_2924 : f32 to vector<64x128xf32>
    %mul3A_2926 = arith.mulf %mul3A_2925, %convert_element_type3A_2923 : vector<64x128xf32>
    %sub3A_2927 = arith.constant 1.000000e+00 : f32
    %sub3A_2928 = vector.broadcast %sub3A_2927 : f32 to vector<64x128xf32>
    %sub3A_2929 = arith.subf %mul3A_2926, %sub3A_2928 : vector<64x128xf32>
    %mul3A_2930 = arith.mulf %get3A_2919, %sub3A_2929 : vector<64x128xf32>
    %mul3A_2931 = arith.constant -1.44269502 : f32
    %mul3A_2932 = vector.broadcast %mul3A_2931 : f32 to vector<64x128xf32>
    %mul3A_2933 = arith.mulf %mul3A_2930, %mul3A_2932 : vector<64x128xf32>
    %min3A_2934 = arith.constant 1.260000e+02 : f32
    %min3A_2935 = vector.broadcast %min3A_2934 : f32 to vector<64x128xf32>
    %min3A_2936 = arith.minimumf %mul3A_2933, %min3A_2935 : vector<64x128xf32>
    %exp23A_2937 = math.exp2 %min3A_2936 : vector<64x128xf32>
    %add3A_2938 = arith.constant 1.000000e+00 : f32
    %add3A_2939 = vector.broadcast %add3A_2938 : f32 to vector<64x128xf32>
    %add3A_2940 = arith.addf %add3A_2939, %exp23A_2937 : vector<64x128xf32>
    %log3A_2941 = math.log %add3A_2940 : vector<64x128xf32>
    %log3A_2942 = arith.constant 2.000000e+00 : f32
    %log3A_2943 = math.log %log3A_2942 : f32
    %div3A_2944 = vector.broadcast %log3A_2943 : f32 to vector<64x128xf32>
    %div3A_2945 = arith.divf %log3A_2941, %div3A_2944 : vector<64x128xf32>
    %sub3A_2946 = arith.subf %min3A_2936, %div3A_2945 : vector<64x128xf32>
    %mul3A_2947 = arith.constant 1.500000e+00 : f32
    %mul3A_2948 = vector.broadcast %mul3A_2947 : f32 to vector<64x128xf32>
    %mul3A_2949 = arith.mulf %mul3A_2948, %sub3A_2946 : vector<64x128xf32>
    %exp23A_2950 = math.exp2 %mul3A_2949 : vector<64x128xf32>
    %mul3A_2951 = arith.mulf %exp23A_2950, %div3A_2945 : vector<64x128xf32>
    %mul3A_2952 = arith.mulf %convert_element_type3A_2923, %mul3A_2951 : vector<64x128xf32>
    %add3A_2953 = arith.addf %add3A_2914, %mul3A_2952 : vector<64x128xf32>
    %add3A_2954 = arith.addf %add3A_2915, %mul3A_2951 : vector<64x128xf32>
    %add3A_2955 = arith.addf %add3A_2916, %convert_element_type3A_2923 : vector<64x128xf32>
    %get3A_2956 = arith.constant 4864 : index
    %get3A_2957 = arith.constant 0 : index
    %get3A_2958 = vector.load %arg1[%get3A_2956, %get3A_2957] : memref<5632x128xf32, #tpu.memory_space<vmem>>, vector<64x128xf32>
    %get3A_2959 = arith.constant 4864 : index
    %get3A_2960 = arith.constant 0 : index
    %get3A_2961 = vector.load %arg2[%get3A_2959, %get3A_2960] : memref<5632x128xi32, #tpu.memory_space<vmem>>, vector<64x128xi32>
    %convert_element_type3A_2962 = arith.sitofp %get3A_2961 : vector<64x128xi32> to vector<64x128xf32>
    %mul3A_2963 = arith.constant 2.000000e+00 : f32
    %mul3A_2964 = vector.broadcast %mul3A_2963 : f32 to vector<64x128xf32>
    %mul3A_2965 = arith.mulf %mul3A_2964, %convert_element_type3A_2962 : vector<64x128xf32>
    %sub3A_2966 = arith.constant 1.000000e+00 : f32
    %sub3A_2967 = vector.broadcast %sub3A_2966 : f32 to vector<64x128xf32>
    %sub3A_2968 = arith.subf %mul3A_2965, %sub3A_2967 : vector<64x128xf32>
    %mul3A_2969 = arith.mulf %get3A_2958, %sub3A_2968 : vector<64x128xf32>
    %mul3A_2970 = arith.constant -1.44269502 : f32
    %mul3A_2971 = vector.broadcast %mul3A_2970 : f32 to vector<64x128xf32>
    %mul3A_2972 = arith.mulf %mul3A_2969, %mul3A_2971 : vector<64x128xf32>
    %min3A_2973 = arith.constant 1.260000e+02 : f32
    %min3A_2974 = vector.broadcast %min3A_2973 : f32 to vector<64x128xf32>
    %min3A_2975 = arith.minimumf %mul3A_2972, %min3A_2974 : vector<64x128xf32>
    %exp23A_2976 = math.exp2 %min3A_2975 : vector<64x128xf32>
    %add3A_2977 = arith.constant 1.000000e+00 : f32
    %add3A_2978 = vector.broadcast %add3A_2977 : f32 to vector<64x128xf32>
    %add3A_2979 = arith.addf %add3A_2978, %exp23A_2976 : vector<64x128xf32>
    %log3A_2980 = math.log %add3A_2979 : vector<64x128xf32>
    %log3A_2981 = arith.constant 2.000000e+00 : f32
    %log3A_2982 = math.log %log3A_2981 : f32
    %div3A_2983 = vector.broadcast %log3A_2982 : f32 to vector<64x128xf32>
    %div3A_2984 = arith.divf %log3A_2980, %div3A_2983 : vector<64x128xf32>
    %sub3A_2985 = arith.subf %min3A_2975, %div3A_2984 : vector<64x128xf32>
    %mul3A_2986 = arith.constant 1.500000e+00 : f32
    %mul3A_2987 = vector.broadcast %mul3A_2986 : f32 to vector<64x128xf32>
    %mul3A_2988 = arith.mulf %mul3A_2987, %sub3A_2985 : vector<64x128xf32>
    %exp23A_2989 = math.exp2 %mul3A_2988 : vector<64x128xf32>
    %mul3A_2990 = arith.mulf %exp23A_2989, %div3A_2984 : vector<64x128xf32>
    %mul3A_2991 = arith.mulf %convert_element_type3A_2962, %mul3A_2990 : vector<64x128xf32>
    %add3A_2992 = arith.addf %add3A_2953, %mul3A_2991 : vector<64x128xf32>
    %add3A_2993 = arith.addf %add3A_2954, %mul3A_2990 : vector<64x128xf32>
    %add3A_2994 = arith.addf %add3A_2955, %convert_element_type3A_2962 : vector<64x128xf32>
    %get3A_2995 = arith.constant 4928 : index
    %get3A_2996 = arith.constant 0 : index
    %get3A_2997 = vector.load %arg1[%get3A_2995, %get3A_2996] : memref<5632x128xf32, #tpu.memory_space<vmem>>, vector<64x128xf32>
    %get3A_2998 = arith.constant 4928 : index
    %get3A_2999 = arith.constant 0 : index
    %get3A_3000 = vector.load %arg2[%get3A_2998, %get3A_2999] : memref<5632x128xi32, #tpu.memory_space<vmem>>, vector<64x128xi32>
    %convert_element_type3A_3001 = arith.sitofp %get3A_3000 : vector<64x128xi32> to vector<64x128xf32>
    %mul3A_3002 = arith.constant 2.000000e+00 : f32
    %mul3A_3003 = vector.broadcast %mul3A_3002 : f32 to vector<64x128xf32>
    %mul3A_3004 = arith.mulf %mul3A_3003, %convert_element_type3A_3001 : vector<64x128xf32>
    %sub3A_3005 = arith.constant 1.000000e+00 : f32
    %sub3A_3006 = vector.broadcast %sub3A_3005 : f32 to vector<64x128xf32>
    %sub3A_3007 = arith.subf %mul3A_3004, %sub3A_3006 : vector<64x128xf32>
    %mul3A_3008 = arith.mulf %get3A_2997, %sub3A_3007 : vector<64x128xf32>
    %mul3A_3009 = arith.constant -1.44269502 : f32
    %mul3A_3010 = vector.broadcast %mul3A_3009 : f32 to vector<64x128xf32>
    %mul3A_3011 = arith.mulf %mul3A_3008, %mul3A_3010 : vector<64x128xf32>
    %min3A_3012 = arith.constant 1.260000e+02 : f32
    %min3A_3013 = vector.broadcast %min3A_3012 : f32 to vector<64x128xf32>
    %min3A_3014 = arith.minimumf %mul3A_3011, %min3A_3013 : vector<64x128xf32>
    %exp23A_3015 = math.exp2 %min3A_3014 : vector<64x128xf32>
    %add3A_3016 = arith.constant 1.000000e+00 : f32
    %add3A_3017 = vector.broadcast %add3A_3016 : f32 to vector<64x128xf32>
    %add3A_3018 = arith.addf %add3A_3017, %exp23A_3015 : vector<64x128xf32>
    %log3A_3019 = math.log %add3A_3018 : vector<64x128xf32>
    %log3A_3020 = arith.constant 2.000000e+00 : f32
    %log3A_3021 = math.log %log3A_3020 : f32
    %div3A_3022 = vector.broadcast %log3A_3021 : f32 to vector<64x128xf32>
    %div3A_3023 = arith.divf %log3A_3019, %div3A_3022 : vector<64x128xf32>
    %sub3A_3024 = arith.subf %min3A_3014, %div3A_3023 : vector<64x128xf32>
    %mul3A_3025 = arith.constant 1.500000e+00 : f32
    %mul3A_3026 = vector.broadcast %mul3A_3025 : f32 to vector<64x128xf32>
    %mul3A_3027 = arith.mulf %mul3A_3026, %sub3A_3024 : vector<64x128xf32>
    %exp23A_3028 = math.exp2 %mul3A_3027 : vector<64x128xf32>
    %mul3A_3029 = arith.mulf %exp23A_3028, %div3A_3023 : vector<64x128xf32>
    %mul3A_3030 = arith.mulf %convert_element_type3A_3001, %mul3A_3029 : vector<64x128xf32>
    %add3A_3031 = arith.addf %add3A_2992, %mul3A_3030 : vector<64x128xf32>
    %add3A_3032 = arith.addf %add3A_2993, %mul3A_3029 : vector<64x128xf32>
    %add3A_3033 = arith.addf %add3A_2994, %convert_element_type3A_3001 : vector<64x128xf32>
    %get3A_3034 = arith.constant 4992 : index
    %get3A_3035 = arith.constant 0 : index
    %get3A_3036 = vector.load %arg1[%get3A_3034, %get3A_3035] : memref<5632x128xf32, #tpu.memory_space<vmem>>, vector<64x128xf32>
    %get3A_3037 = arith.constant 4992 : index
    %get3A_3038 = arith.constant 0 : index
    %get3A_3039 = vector.load %arg2[%get3A_3037, %get3A_3038] : memref<5632x128xi32, #tpu.memory_space<vmem>>, vector<64x128xi32>
    %convert_element_type3A_3040 = arith.sitofp %get3A_3039 : vector<64x128xi32> to vector<64x128xf32>
    %mul3A_3041 = arith.constant 2.000000e+00 : f32
    %mul3A_3042 = vector.broadcast %mul3A_3041 : f32 to vector<64x128xf32>
    %mul3A_3043 = arith.mulf %mul3A_3042, %convert_element_type3A_3040 : vector<64x128xf32>
    %sub3A_3044 = arith.constant 1.000000e+00 : f32
    %sub3A_3045 = vector.broadcast %sub3A_3044 : f32 to vector<64x128xf32>
    %sub3A_3046 = arith.subf %mul3A_3043, %sub3A_3045 : vector<64x128xf32>
    %mul3A_3047 = arith.mulf %get3A_3036, %sub3A_3046 : vector<64x128xf32>
    %mul3A_3048 = arith.constant -1.44269502 : f32
    %mul3A_3049 = vector.broadcast %mul3A_3048 : f32 to vector<64x128xf32>
    %mul3A_3050 = arith.mulf %mul3A_3047, %mul3A_3049 : vector<64x128xf32>
    %min3A_3051 = arith.constant 1.260000e+02 : f32
    %min3A_3052 = vector.broadcast %min3A_3051 : f32 to vector<64x128xf32>
    %min3A_3053 = arith.minimumf %mul3A_3050, %min3A_3052 : vector<64x128xf32>
    %exp23A_3054 = math.exp2 %min3A_3053 : vector<64x128xf32>
    %add3A_3055 = arith.constant 1.000000e+00 : f32
    %add3A_3056 = vector.broadcast %add3A_3055 : f32 to vector<64x128xf32>
    %add3A_3057 = arith.addf %add3A_3056, %exp23A_3054 : vector<64x128xf32>
    %log3A_3058 = math.log %add3A_3057 : vector<64x128xf32>
    %log3A_3059 = arith.constant 2.000000e+00 : f32
    %log3A_3060 = math.log %log3A_3059 : f32
    %div3A_3061 = vector.broadcast %log3A_3060 : f32 to vector<64x128xf32>
    %div3A_3062 = arith.divf %log3A_3058, %div3A_3061 : vector<64x128xf32>
    %sub3A_3063 = arith.subf %min3A_3053, %div3A_3062 : vector<64x128xf32>
    %mul3A_3064 = arith.constant 1.500000e+00 : f32
    %mul3A_3065 = vector.broadcast %mul3A_3064 : f32 to vector<64x128xf32>
    %mul3A_3066 = arith.mulf %mul3A_3065, %sub3A_3063 : vector<64x128xf32>
    %exp23A_3067 = math.exp2 %mul3A_3066 : vector<64x128xf32>
    %mul3A_3068 = arith.mulf %exp23A_3067, %div3A_3062 : vector<64x128xf32>
    %mul3A_3069 = arith.mulf %convert_element_type3A_3040, %mul3A_3068 : vector<64x128xf32>
    %add3A_3070 = arith.addf %add3A_3031, %mul3A_3069 : vector<64x128xf32>
    %add3A_3071 = arith.addf %add3A_3032, %mul3A_3068 : vector<64x128xf32>
    %add3A_3072 = arith.addf %add3A_3033, %convert_element_type3A_3040 : vector<64x128xf32>
    %get3A_3073 = arith.constant 5056 : index
    %get3A_3074 = arith.constant 0 : index
    %get3A_3075 = vector.load %arg1[%get3A_3073, %get3A_3074] : memref<5632x128xf32, #tpu.memory_space<vmem>>, vector<64x128xf32>
    %get3A_3076 = arith.constant 5056 : index
    %get3A_3077 = arith.constant 0 : index
    %get3A_3078 = vector.load %arg2[%get3A_3076, %get3A_3077] : memref<5632x128xi32, #tpu.memory_space<vmem>>, vector<64x128xi32>
    %convert_element_type3A_3079 = arith.sitofp %get3A_3078 : vector<64x128xi32> to vector<64x128xf32>
    %mul3A_3080 = arith.constant 2.000000e+00 : f32
    %mul3A_3081 = vector.broadcast %mul3A_3080 : f32 to vector<64x128xf32>
    %mul3A_3082 = arith.mulf %mul3A_3081, %convert_element_type3A_3079 : vector<64x128xf32>
    %sub3A_3083 = arith.constant 1.000000e+00 : f32
    %sub3A_3084 = vector.broadcast %sub3A_3083 : f32 to vector<64x128xf32>
    %sub3A_3085 = arith.subf %mul3A_3082, %sub3A_3084 : vector<64x128xf32>
    %mul3A_3086 = arith.mulf %get3A_3075, %sub3A_3085 : vector<64x128xf32>
    %mul3A_3087 = arith.constant -1.44269502 : f32
    %mul3A_3088 = vector.broadcast %mul3A_3087 : f32 to vector<64x128xf32>
    %mul3A_3089 = arith.mulf %mul3A_3086, %mul3A_3088 : vector<64x128xf32>
    %min3A_3090 = arith.constant 1.260000e+02 : f32
    %min3A_3091 = vector.broadcast %min3A_3090 : f32 to vector<64x128xf32>
    %min3A_3092 = arith.minimumf %mul3A_3089, %min3A_3091 : vector<64x128xf32>
    %exp23A_3093 = math.exp2 %min3A_3092 : vector<64x128xf32>
    %add3A_3094 = arith.constant 1.000000e+00 : f32
    %add3A_3095 = vector.broadcast %add3A_3094 : f32 to vector<64x128xf32>
    %add3A_3096 = arith.addf %add3A_3095, %exp23A_3093 : vector<64x128xf32>
    %log3A_3097 = math.log %add3A_3096 : vector<64x128xf32>
    %log3A_3098 = arith.constant 2.000000e+00 : f32
    %log3A_3099 = math.log %log3A_3098 : f32
    %div3A_3100 = vector.broadcast %log3A_3099 : f32 to vector<64x128xf32>
    %div3A_3101 = arith.divf %log3A_3097, %div3A_3100 : vector<64x128xf32>
    %sub3A_3102 = arith.subf %min3A_3092, %div3A_3101 : vector<64x128xf32>
    %mul3A_3103 = arith.constant 1.500000e+00 : f32
    %mul3A_3104 = vector.broadcast %mul3A_3103 : f32 to vector<64x128xf32>
    %mul3A_3105 = arith.mulf %mul3A_3104, %sub3A_3102 : vector<64x128xf32>
    %exp23A_3106 = math.exp2 %mul3A_3105 : vector<64x128xf32>
    %mul3A_3107 = arith.mulf %exp23A_3106, %div3A_3101 : vector<64x128xf32>
    %mul3A_3108 = arith.mulf %convert_element_type3A_3079, %mul3A_3107 : vector<64x128xf32>
    %add3A_3109 = arith.addf %add3A_3070, %mul3A_3108 : vector<64x128xf32>
    %add3A_3110 = arith.addf %add3A_3071, %mul3A_3107 : vector<64x128xf32>
    %add3A_3111 = arith.addf %add3A_3072, %convert_element_type3A_3079 : vector<64x128xf32>
    %get3A_3112 = arith.constant 5120 : index
    %get3A_3113 = arith.constant 0 : index
    %get3A_3114 = vector.load %arg1[%get3A_3112, %get3A_3113] : memref<5632x128xf32, #tpu.memory_space<vmem>>, vector<64x128xf32>
    %get3A_3115 = arith.constant 5120 : index
    %get3A_3116 = arith.constant 0 : index
    %get3A_3117 = vector.load %arg2[%get3A_3115, %get3A_3116] : memref<5632x128xi32, #tpu.memory_space<vmem>>, vector<64x128xi32>
    %convert_element_type3A_3118 = arith.sitofp %get3A_3117 : vector<64x128xi32> to vector<64x128xf32>
    %mul3A_3119 = arith.constant 2.000000e+00 : f32
    %mul3A_3120 = vector.broadcast %mul3A_3119 : f32 to vector<64x128xf32>
    %mul3A_3121 = arith.mulf %mul3A_3120, %convert_element_type3A_3118 : vector<64x128xf32>
    %sub3A_3122 = arith.constant 1.000000e+00 : f32
    %sub3A_3123 = vector.broadcast %sub3A_3122 : f32 to vector<64x128xf32>
    %sub3A_3124 = arith.subf %mul3A_3121, %sub3A_3123 : vector<64x128xf32>
    %mul3A_3125 = arith.mulf %get3A_3114, %sub3A_3124 : vector<64x128xf32>
    %mul3A_3126 = arith.constant -1.44269502 : f32
    %mul3A_3127 = vector.broadcast %mul3A_3126 : f32 to vector<64x128xf32>
    %mul3A_3128 = arith.mulf %mul3A_3125, %mul3A_3127 : vector<64x128xf32>
    %min3A_3129 = arith.constant 1.260000e+02 : f32
    %min3A_3130 = vector.broadcast %min3A_3129 : f32 to vector<64x128xf32>
    %min3A_3131 = arith.minimumf %mul3A_3128, %min3A_3130 : vector<64x128xf32>
    %exp23A_3132 = math.exp2 %min3A_3131 : vector<64x128xf32>
    %add3A_3133 = arith.constant 1.000000e+00 : f32
    %add3A_3134 = vector.broadcast %add3A_3133 : f32 to vector<64x128xf32>
    %add3A_3135 = arith.addf %add3A_3134, %exp23A_3132 : vector<64x128xf32>
    %log3A_3136 = math.log %add3A_3135 : vector<64x128xf32>
    %log3A_3137 = arith.constant 2.000000e+00 : f32
    %log3A_3138 = math.log %log3A_3137 : f32
    %div3A_3139 = vector.broadcast %log3A_3138 : f32 to vector<64x128xf32>
    %div3A_3140 = arith.divf %log3A_3136, %div3A_3139 : vector<64x128xf32>
    %sub3A_3141 = arith.subf %min3A_3131, %div3A_3140 : vector<64x128xf32>
    %mul3A_3142 = arith.constant 1.500000e+00 : f32
    %mul3A_3143 = vector.broadcast %mul3A_3142 : f32 to vector<64x128xf32>
    %mul3A_3144 = arith.mulf %mul3A_3143, %sub3A_3141 : vector<64x128xf32>
    %exp23A_3145 = math.exp2 %mul3A_3144 : vector<64x128xf32>
    %mul3A_3146 = arith.mulf %exp23A_3145, %div3A_3140 : vector<64x128xf32>
    %mul3A_3147 = arith.mulf %convert_element_type3A_3118, %mul3A_3146 : vector<64x128xf32>
    %add3A_3148 = arith.addf %add3A_3109, %mul3A_3147 : vector<64x128xf32>
    %add3A_3149 = arith.addf %add3A_3110, %mul3A_3146 : vector<64x128xf32>
    %add3A_3150 = arith.addf %add3A_3111, %convert_element_type3A_3118 : vector<64x128xf32>
    %get3A_3151 = arith.constant 5184 : index
    %get3A_3152 = arith.constant 0 : index
    %get3A_3153 = vector.load %arg1[%get3A_3151, %get3A_3152] : memref<5632x128xf32, #tpu.memory_space<vmem>>, vector<64x128xf32>
    %get3A_3154 = arith.constant 5184 : index
    %get3A_3155 = arith.constant 0 : index
    %get3A_3156 = vector.load %arg2[%get3A_3154, %get3A_3155] : memref<5632x128xi32, #tpu.memory_space<vmem>>, vector<64x128xi32>
    %convert_element_type3A_3157 = arith.sitofp %get3A_3156 : vector<64x128xi32> to vector<64x128xf32>
    %mul3A_3158 = arith.constant 2.000000e+00 : f32
    %mul3A_3159 = vector.broadcast %mul3A_3158 : f32 to vector<64x128xf32>
    %mul3A_3160 = arith.mulf %mul3A_3159, %convert_element_type3A_3157 : vector<64x128xf32>
    %sub3A_3161 = arith.constant 1.000000e+00 : f32
    %sub3A_3162 = vector.broadcast %sub3A_3161 : f32 to vector<64x128xf32>
    %sub3A_3163 = arith.subf %mul3A_3160, %sub3A_3162 : vector<64x128xf32>
    %mul3A_3164 = arith.mulf %get3A_3153, %sub3A_3163 : vector<64x128xf32>
    %mul3A_3165 = arith.constant -1.44269502 : f32
    %mul3A_3166 = vector.broadcast %mul3A_3165 : f32 to vector<64x128xf32>
    %mul3A_3167 = arith.mulf %mul3A_3164, %mul3A_3166 : vector<64x128xf32>
    %min3A_3168 = arith.constant 1.260000e+02 : f32
    %min3A_3169 = vector.broadcast %min3A_3168 : f32 to vector<64x128xf32>
    %min3A_3170 = arith.minimumf %mul3A_3167, %min3A_3169 : vector<64x128xf32>
    %exp23A_3171 = math.exp2 %min3A_3170 : vector<64x128xf32>
    %add3A_3172 = arith.constant 1.000000e+00 : f32
    %add3A_3173 = vector.broadcast %add3A_3172 : f32 to vector<64x128xf32>
    %add3A_3174 = arith.addf %add3A_3173, %exp23A_3171 : vector<64x128xf32>
    %log3A_3175 = math.log %add3A_3174 : vector<64x128xf32>
    %log3A_3176 = arith.constant 2.000000e+00 : f32
    %log3A_3177 = math.log %log3A_3176 : f32
    %div3A_3178 = vector.broadcast %log3A_3177 : f32 to vector<64x128xf32>
    %div3A_3179 = arith.divf %log3A_3175, %div3A_3178 : vector<64x128xf32>
    %sub3A_3180 = arith.subf %min3A_3170, %div3A_3179 : vector<64x128xf32>
    %mul3A_3181 = arith.constant 1.500000e+00 : f32
    %mul3A_3182 = vector.broadcast %mul3A_3181 : f32 to vector<64x128xf32>
    %mul3A_3183 = arith.mulf %mul3A_3182, %sub3A_3180 : vector<64x128xf32>
    %exp23A_3184 = math.exp2 %mul3A_3183 : vector<64x128xf32>
    %mul3A_3185 = arith.mulf %exp23A_3184, %div3A_3179 : vector<64x128xf32>
    %mul3A_3186 = arith.mulf %convert_element_type3A_3157, %mul3A_3185 : vector<64x128xf32>
    %add3A_3187 = arith.addf %add3A_3148, %mul3A_3186 : vector<64x128xf32>
    %add3A_3188 = arith.addf %add3A_3149, %mul3A_3185 : vector<64x128xf32>
    %add3A_3189 = arith.addf %add3A_3150, %convert_element_type3A_3157 : vector<64x128xf32>
    %get3A_3190 = arith.constant 5248 : index
    %get3A_3191 = arith.constant 0 : index
    %get3A_3192 = vector.load %arg1[%get3A_3190, %get3A_3191] : memref<5632x128xf32, #tpu.memory_space<vmem>>, vector<64x128xf32>
    %get3A_3193 = arith.constant 5248 : index
    %get3A_3194 = arith.constant 0 : index
    %get3A_3195 = vector.load %arg2[%get3A_3193, %get3A_3194] : memref<5632x128xi32, #tpu.memory_space<vmem>>, vector<64x128xi32>
    %convert_element_type3A_3196 = arith.sitofp %get3A_3195 : vector<64x128xi32> to vector<64x128xf32>
    %mul3A_3197 = arith.constant 2.000000e+00 : f32
    %mul3A_3198 = vector.broadcast %mul3A_3197 : f32 to vector<64x128xf32>
    %mul3A_3199 = arith.mulf %mul3A_3198, %convert_element_type3A_3196 : vector<64x128xf32>
    %sub3A_3200 = arith.constant 1.000000e+00 : f32
    %sub3A_3201 = vector.broadcast %sub3A_3200 : f32 to vector<64x128xf32>
    %sub3A_3202 = arith.subf %mul3A_3199, %sub3A_3201 : vector<64x128xf32>
    %mul3A_3203 = arith.mulf %get3A_3192, %sub3A_3202 : vector<64x128xf32>
    %mul3A_3204 = arith.constant -1.44269502 : f32
    %mul3A_3205 = vector.broadcast %mul3A_3204 : f32 to vector<64x128xf32>
    %mul3A_3206 = arith.mulf %mul3A_3203, %mul3A_3205 : vector<64x128xf32>
    %min3A_3207 = arith.constant 1.260000e+02 : f32
    %min3A_3208 = vector.broadcast %min3A_3207 : f32 to vector<64x128xf32>
    %min3A_3209 = arith.minimumf %mul3A_3206, %min3A_3208 : vector<64x128xf32>
    %exp23A_3210 = math.exp2 %min3A_3209 : vector<64x128xf32>
    %add3A_3211 = arith.constant 1.000000e+00 : f32
    %add3A_3212 = vector.broadcast %add3A_3211 : f32 to vector<64x128xf32>
    %add3A_3213 = arith.addf %add3A_3212, %exp23A_3210 : vector<64x128xf32>
    %log3A_3214 = math.log %add3A_3213 : vector<64x128xf32>
    %log3A_3215 = arith.constant 2.000000e+00 : f32
    %log3A_3216 = math.log %log3A_3215 : f32
    %div3A_3217 = vector.broadcast %log3A_3216 : f32 to vector<64x128xf32>
    %div3A_3218 = arith.divf %log3A_3214, %div3A_3217 : vector<64x128xf32>
    %sub3A_3219 = arith.subf %min3A_3209, %div3A_3218 : vector<64x128xf32>
    %mul3A_3220 = arith.constant 1.500000e+00 : f32
    %mul3A_3221 = vector.broadcast %mul3A_3220 : f32 to vector<64x128xf32>
    %mul3A_3222 = arith.mulf %mul3A_3221, %sub3A_3219 : vector<64x128xf32>
    %exp23A_3223 = math.exp2 %mul3A_3222 : vector<64x128xf32>
    %mul3A_3224 = arith.mulf %exp23A_3223, %div3A_3218 : vector<64x128xf32>
    %mul3A_3225 = arith.mulf %convert_element_type3A_3196, %mul3A_3224 : vector<64x128xf32>
    %add3A_3226 = arith.addf %add3A_3187, %mul3A_3225 : vector<64x128xf32>
    %add3A_3227 = arith.addf %add3A_3188, %mul3A_3224 : vector<64x128xf32>
    %add3A_3228 = arith.addf %add3A_3189, %convert_element_type3A_3196 : vector<64x128xf32>
    %get3A_3229 = arith.constant 5312 : index
    %get3A_3230 = arith.constant 0 : index
    %get3A_3231 = vector.load %arg1[%get3A_3229, %get3A_3230] : memref<5632x128xf32, #tpu.memory_space<vmem>>, vector<64x128xf32>
    %get3A_3232 = arith.constant 5312 : index
    %get3A_3233 = arith.constant 0 : index
    %get3A_3234 = vector.load %arg2[%get3A_3232, %get3A_3233] : memref<5632x128xi32, #tpu.memory_space<vmem>>, vector<64x128xi32>
    %convert_element_type3A_3235 = arith.sitofp %get3A_3234 : vector<64x128xi32> to vector<64x128xf32>
    %mul3A_3236 = arith.constant 2.000000e+00 : f32
    %mul3A_3237 = vector.broadcast %mul3A_3236 : f32 to vector<64x128xf32>
    %mul3A_3238 = arith.mulf %mul3A_3237, %convert_element_type3A_3235 : vector<64x128xf32>
    %sub3A_3239 = arith.constant 1.000000e+00 : f32
    %sub3A_3240 = vector.broadcast %sub3A_3239 : f32 to vector<64x128xf32>
    %sub3A_3241 = arith.subf %mul3A_3238, %sub3A_3240 : vector<64x128xf32>
    %mul3A_3242 = arith.mulf %get3A_3231, %sub3A_3241 : vector<64x128xf32>
    %mul3A_3243 = arith.constant -1.44269502 : f32
    %mul3A_3244 = vector.broadcast %mul3A_3243 : f32 to vector<64x128xf32>
    %mul3A_3245 = arith.mulf %mul3A_3242, %mul3A_3244 : vector<64x128xf32>
    %min3A_3246 = arith.constant 1.260000e+02 : f32
    %min3A_3247 = vector.broadcast %min3A_3246 : f32 to vector<64x128xf32>
    %min3A_3248 = arith.minimumf %mul3A_3245, %min3A_3247 : vector<64x128xf32>
    %exp23A_3249 = math.exp2 %min3A_3248 : vector<64x128xf32>
    %add3A_3250 = arith.constant 1.000000e+00 : f32
    %add3A_3251 = vector.broadcast %add3A_3250 : f32 to vector<64x128xf32>
    %add3A_3252 = arith.addf %add3A_3251, %exp23A_3249 : vector<64x128xf32>
    %log3A_3253 = math.log %add3A_3252 : vector<64x128xf32>
    %log3A_3254 = arith.constant 2.000000e+00 : f32
    %log3A_3255 = math.log %log3A_3254 : f32
    %div3A_3256 = vector.broadcast %log3A_3255 : f32 to vector<64x128xf32>
    %div3A_3257 = arith.divf %log3A_3253, %div3A_3256 : vector<64x128xf32>
    %sub3A_3258 = arith.subf %min3A_3248, %div3A_3257 : vector<64x128xf32>
    %mul3A_3259 = arith.constant 1.500000e+00 : f32
    %mul3A_3260 = vector.broadcast %mul3A_3259 : f32 to vector<64x128xf32>
    %mul3A_3261 = arith.mulf %mul3A_3260, %sub3A_3258 : vector<64x128xf32>
    %exp23A_3262 = math.exp2 %mul3A_3261 : vector<64x128xf32>
    %mul3A_3263 = arith.mulf %exp23A_3262, %div3A_3257 : vector<64x128xf32>
    %mul3A_3264 = arith.mulf %convert_element_type3A_3235, %mul3A_3263 : vector<64x128xf32>
    %add3A_3265 = arith.addf %add3A_3226, %mul3A_3264 : vector<64x128xf32>
    %add3A_3266 = arith.addf %add3A_3227, %mul3A_3263 : vector<64x128xf32>
    %add3A_3267 = arith.addf %add3A_3228, %convert_element_type3A_3235 : vector<64x128xf32>
    %get3A_3268 = arith.constant 5376 : index
    %get3A_3269 = arith.constant 0 : index
    %get3A_3270 = vector.load %arg1[%get3A_3268, %get3A_3269] : memref<5632x128xf32, #tpu.memory_space<vmem>>, vector<64x128xf32>
    %get3A_3271 = arith.constant 5376 : index
    %get3A_3272 = arith.constant 0 : index
    %get3A_3273 = vector.load %arg2[%get3A_3271, %get3A_3272] : memref<5632x128xi32, #tpu.memory_space<vmem>>, vector<64x128xi32>
    %convert_element_type3A_3274 = arith.sitofp %get3A_3273 : vector<64x128xi32> to vector<64x128xf32>
    %mul3A_3275 = arith.constant 2.000000e+00 : f32
    %mul3A_3276 = vector.broadcast %mul3A_3275 : f32 to vector<64x128xf32>
    %mul3A_3277 = arith.mulf %mul3A_3276, %convert_element_type3A_3274 : vector<64x128xf32>
    %sub3A_3278 = arith.constant 1.000000e+00 : f32
    %sub3A_3279 = vector.broadcast %sub3A_3278 : f32 to vector<64x128xf32>
    %sub3A_3280 = arith.subf %mul3A_3277, %sub3A_3279 : vector<64x128xf32>
    %mul3A_3281 = arith.mulf %get3A_3270, %sub3A_3280 : vector<64x128xf32>
    %mul3A_3282 = arith.constant -1.44269502 : f32
    %mul3A_3283 = vector.broadcast %mul3A_3282 : f32 to vector<64x128xf32>
    %mul3A_3284 = arith.mulf %mul3A_3281, %mul3A_3283 : vector<64x128xf32>
    %min3A_3285 = arith.constant 1.260000e+02 : f32
    %min3A_3286 = vector.broadcast %min3A_3285 : f32 to vector<64x128xf32>
    %min3A_3287 = arith.minimumf %mul3A_3284, %min3A_3286 : vector<64x128xf32>
    %exp23A_3288 = math.exp2 %min3A_3287 : vector<64x128xf32>
    %add3A_3289 = arith.constant 1.000000e+00 : f32
    %add3A_3290 = vector.broadcast %add3A_3289 : f32 to vector<64x128xf32>
    %add3A_3291 = arith.addf %add3A_3290, %exp23A_3288 : vector<64x128xf32>
    %log3A_3292 = math.log %add3A_3291 : vector<64x128xf32>
    %log3A_3293 = arith.constant 2.000000e+00 : f32
    %log3A_3294 = math.log %log3A_3293 : f32
    %div3A_3295 = vector.broadcast %log3A_3294 : f32 to vector<64x128xf32>
    %div3A_3296 = arith.divf %log3A_3292, %div3A_3295 : vector<64x128xf32>
    %sub3A_3297 = arith.subf %min3A_3287, %div3A_3296 : vector<64x128xf32>
    %mul3A_3298 = arith.constant 1.500000e+00 : f32
    %mul3A_3299 = vector.broadcast %mul3A_3298 : f32 to vector<64x128xf32>
    %mul3A_3300 = arith.mulf %mul3A_3299, %sub3A_3297 : vector<64x128xf32>
    %exp23A_3301 = math.exp2 %mul3A_3300 : vector<64x128xf32>
    %mul3A_3302 = arith.mulf %exp23A_3301, %div3A_3296 : vector<64x128xf32>
    %mul3A_3303 = arith.mulf %convert_element_type3A_3274, %mul3A_3302 : vector<64x128xf32>
    %add3A_3304 = arith.addf %add3A_3265, %mul3A_3303 : vector<64x128xf32>
    %add3A_3305 = arith.addf %add3A_3266, %mul3A_3302 : vector<64x128xf32>
    %add3A_3306 = arith.addf %add3A_3267, %convert_element_type3A_3274 : vector<64x128xf32>
    %get3A_3307 = arith.constant 5440 : index
    %get3A_3308 = arith.constant 0 : index
    %get3A_3309 = vector.load %arg1[%get3A_3307, %get3A_3308] : memref<5632x128xf32, #tpu.memory_space<vmem>>, vector<64x128xf32>
    %get3A_3310 = arith.constant 5440 : index
    %get3A_3311 = arith.constant 0 : index
    %get3A_3312 = vector.load %arg2[%get3A_3310, %get3A_3311] : memref<5632x128xi32, #tpu.memory_space<vmem>>, vector<64x128xi32>
    %convert_element_type3A_3313 = arith.sitofp %get3A_3312 : vector<64x128xi32> to vector<64x128xf32>
    %mul3A_3314 = arith.constant 2.000000e+00 : f32
    %mul3A_3315 = vector.broadcast %mul3A_3314 : f32 to vector<64x128xf32>
    %mul3A_3316 = arith.mulf %mul3A_3315, %convert_element_type3A_3313 : vector<64x128xf32>
    %sub3A_3317 = arith.constant 1.000000e+00 : f32
    %sub3A_3318 = vector.broadcast %sub3A_3317 : f32 to vector<64x128xf32>
    %sub3A_3319 = arith.subf %mul3A_3316, %sub3A_3318 : vector<64x128xf32>
    %mul3A_3320 = arith.mulf %get3A_3309, %sub3A_3319 : vector<64x128xf32>
    %mul3A_3321 = arith.constant -1.44269502 : f32
    %mul3A_3322 = vector.broadcast %mul3A_3321 : f32 to vector<64x128xf32>
    %mul3A_3323 = arith.mulf %mul3A_3320, %mul3A_3322 : vector<64x128xf32>
    %min3A_3324 = arith.constant 1.260000e+02 : f32
    %min3A_3325 = vector.broadcast %min3A_3324 : f32 to vector<64x128xf32>
    %min3A_3326 = arith.minimumf %mul3A_3323, %min3A_3325 : vector<64x128xf32>
    %exp23A_3327 = math.exp2 %min3A_3326 : vector<64x128xf32>
    %add3A_3328 = arith.constant 1.000000e+00 : f32
    %add3A_3329 = vector.broadcast %add3A_3328 : f32 to vector<64x128xf32>
    %add3A_3330 = arith.addf %add3A_3329, %exp23A_3327 : vector<64x128xf32>
    %log3A_3331 = math.log %add3A_3330 : vector<64x128xf32>
    %log3A_3332 = arith.constant 2.000000e+00 : f32
    %log3A_3333 = math.log %log3A_3332 : f32
    %div3A_3334 = vector.broadcast %log3A_3333 : f32 to vector<64x128xf32>
    %div3A_3335 = arith.divf %log3A_3331, %div3A_3334 : vector<64x128xf32>
    %sub3A_3336 = arith.subf %min3A_3326, %div3A_3335 : vector<64x128xf32>
    %mul3A_3337 = arith.constant 1.500000e+00 : f32
    %mul3A_3338 = vector.broadcast %mul3A_3337 : f32 to vector<64x128xf32>
    %mul3A_3339 = arith.mulf %mul3A_3338, %sub3A_3336 : vector<64x128xf32>
    %exp23A_3340 = math.exp2 %mul3A_3339 : vector<64x128xf32>
    %mul3A_3341 = arith.mulf %exp23A_3340, %div3A_3335 : vector<64x128xf32>
    %mul3A_3342 = arith.mulf %convert_element_type3A_3313, %mul3A_3341 : vector<64x128xf32>
    %add3A_3343 = arith.addf %add3A_3304, %mul3A_3342 : vector<64x128xf32>
    %add3A_3344 = arith.addf %add3A_3305, %mul3A_3341 : vector<64x128xf32>
    %add3A_3345 = arith.addf %add3A_3306, %convert_element_type3A_3313 : vector<64x128xf32>
    %get3A_3346 = arith.constant 5504 : index
    %get3A_3347 = arith.constant 0 : index
    %get3A_3348 = vector.load %arg1[%get3A_3346, %get3A_3347] : memref<5632x128xf32, #tpu.memory_space<vmem>>, vector<64x128xf32>
    %get3A_3349 = arith.constant 5504 : index
    %get3A_3350 = arith.constant 0 : index
    %get3A_3351 = vector.load %arg2[%get3A_3349, %get3A_3350] : memref<5632x128xi32, #tpu.memory_space<vmem>>, vector<64x128xi32>
    %convert_element_type3A_3352 = arith.sitofp %get3A_3351 : vector<64x128xi32> to vector<64x128xf32>
    %mul3A_3353 = arith.constant 2.000000e+00 : f32
    %mul3A_3354 = vector.broadcast %mul3A_3353 : f32 to vector<64x128xf32>
    %mul3A_3355 = arith.mulf %mul3A_3354, %convert_element_type3A_3352 : vector<64x128xf32>
    %sub3A_3356 = arith.constant 1.000000e+00 : f32
    %sub3A_3357 = vector.broadcast %sub3A_3356 : f32 to vector<64x128xf32>
    %sub3A_3358 = arith.subf %mul3A_3355, %sub3A_3357 : vector<64x128xf32>
    %mul3A_3359 = arith.mulf %get3A_3348, %sub3A_3358 : vector<64x128xf32>
    %mul3A_3360 = arith.constant -1.44269502 : f32
    %mul3A_3361 = vector.broadcast %mul3A_3360 : f32 to vector<64x128xf32>
    %mul3A_3362 = arith.mulf %mul3A_3359, %mul3A_3361 : vector<64x128xf32>
    %min3A_3363 = arith.constant 1.260000e+02 : f32
    %min3A_3364 = vector.broadcast %min3A_3363 : f32 to vector<64x128xf32>
    %min3A_3365 = arith.minimumf %mul3A_3362, %min3A_3364 : vector<64x128xf32>
    %exp23A_3366 = math.exp2 %min3A_3365 : vector<64x128xf32>
    %add3A_3367 = arith.constant 1.000000e+00 : f32
    %add3A_3368 = vector.broadcast %add3A_3367 : f32 to vector<64x128xf32>
    %add3A_3369 = arith.addf %add3A_3368, %exp23A_3366 : vector<64x128xf32>
    %log3A_3370 = math.log %add3A_3369 : vector<64x128xf32>
    %log3A_3371 = arith.constant 2.000000e+00 : f32
    %log3A_3372 = math.log %log3A_3371 : f32
    %div3A_3373 = vector.broadcast %log3A_3372 : f32 to vector<64x128xf32>
    %div3A_3374 = arith.divf %log3A_3370, %div3A_3373 : vector<64x128xf32>
    %sub3A_3375 = arith.subf %min3A_3365, %div3A_3374 : vector<64x128xf32>
    %mul3A_3376 = arith.constant 1.500000e+00 : f32
    %mul3A_3377 = vector.broadcast %mul3A_3376 : f32 to vector<64x128xf32>
    %mul3A_3378 = arith.mulf %mul3A_3377, %sub3A_3375 : vector<64x128xf32>
    %exp23A_3379 = math.exp2 %mul3A_3378 : vector<64x128xf32>
    %mul3A_3380 = arith.mulf %exp23A_3379, %div3A_3374 : vector<64x128xf32>
    %mul3A_3381 = arith.mulf %convert_element_type3A_3352, %mul3A_3380 : vector<64x128xf32>
    %add3A_3382 = arith.addf %add3A_3343, %mul3A_3381 : vector<64x128xf32>
    %add3A_3383 = arith.addf %add3A_3344, %mul3A_3380 : vector<64x128xf32>
    %add3A_3384 = arith.addf %add3A_3345, %convert_element_type3A_3352 : vector<64x128xf32>
    %get3A_3385 = arith.constant 5568 : index
    %get3A_3386 = arith.constant 0 : index
    %get3A_3387 = vector.load %arg1[%get3A_3385, %get3A_3386] : memref<5632x128xf32, #tpu.memory_space<vmem>>, vector<64x128xf32>
    %get3A_3388 = arith.constant 5568 : index
    %get3A_3389 = arith.constant 0 : index
    %get3A_3390 = vector.load %arg2[%get3A_3388, %get3A_3389] : memref<5632x128xi32, #tpu.memory_space<vmem>>, vector<64x128xi32>
    %convert_element_type3A_3391 = arith.sitofp %get3A_3390 : vector<64x128xi32> to vector<64x128xf32>
    %mul3A_3392 = arith.constant 2.000000e+00 : f32
    %mul3A_3393 = vector.broadcast %mul3A_3392 : f32 to vector<64x128xf32>
    %mul3A_3394 = arith.mulf %mul3A_3393, %convert_element_type3A_3391 : vector<64x128xf32>
    %sub3A_3395 = arith.constant 1.000000e+00 : f32
    %sub3A_3396 = vector.broadcast %sub3A_3395 : f32 to vector<64x128xf32>
    %sub3A_3397 = arith.subf %mul3A_3394, %sub3A_3396 : vector<64x128xf32>
    %mul3A_3398 = arith.mulf %get3A_3387, %sub3A_3397 : vector<64x128xf32>
    %mul3A_3399 = arith.constant -1.44269502 : f32
    %mul3A_3400 = vector.broadcast %mul3A_3399 : f32 to vector<64x128xf32>
    %mul3A_3401 = arith.mulf %mul3A_3398, %mul3A_3400 : vector<64x128xf32>
    %min3A_3402 = arith.constant 1.260000e+02 : f32
    %min3A_3403 = vector.broadcast %min3A_3402 : f32 to vector<64x128xf32>
    %min3A_3404 = arith.minimumf %mul3A_3401, %min3A_3403 : vector<64x128xf32>
    %exp23A_3405 = math.exp2 %min3A_3404 : vector<64x128xf32>
    %add3A_3406 = arith.constant 1.000000e+00 : f32
    %add3A_3407 = vector.broadcast %add3A_3406 : f32 to vector<64x128xf32>
    %add3A_3408 = arith.addf %add3A_3407, %exp23A_3405 : vector<64x128xf32>
    %log3A_3409 = math.log %add3A_3408 : vector<64x128xf32>
    %log3A_3410 = arith.constant 2.000000e+00 : f32
    %log3A_3411 = math.log %log3A_3410 : f32
    %div3A_3412 = vector.broadcast %log3A_3411 : f32 to vector<64x128xf32>
    %div3A_3413 = arith.divf %log3A_3409, %div3A_3412 : vector<64x128xf32>
    %sub3A_3414 = arith.subf %min3A_3404, %div3A_3413 : vector<64x128xf32>
    %mul3A_3415 = arith.constant 1.500000e+00 : f32
    %mul3A_3416 = vector.broadcast %mul3A_3415 : f32 to vector<64x128xf32>
    %mul3A_3417 = arith.mulf %mul3A_3416, %sub3A_3414 : vector<64x128xf32>
    %exp23A_3418 = math.exp2 %mul3A_3417 : vector<64x128xf32>
    %mul3A_3419 = arith.mulf %exp23A_3418, %div3A_3413 : vector<64x128xf32>
    %mul3A_3420 = arith.mulf %convert_element_type3A_3391, %mul3A_3419 : vector<64x128xf32>
    %add3A_3421 = arith.addf %add3A_3382, %mul3A_3420 : vector<64x128xf32>
    %add3A_3422 = arith.addf %add3A_3383, %mul3A_3419 : vector<64x128xf32>
    %add3A_3423 = arith.addf %add3A_3384, %convert_element_type3A_3391 : vector<64x128xf32>
    %eq3A = arith.constant 0 : i32
    %eq3A_3424 = arith.cmpi eq, %arg0, %eq3A : i32
    %convert_element_type3A_3425 = arith.extui %eq3A_3424 : i1 to i32
    %cond3A = arith.constant 0 : i32
    %cond3A_3426 = arith.cmpi ne, %convert_element_type3A_3425, %cond3A : i32
    scf.if %cond3A_3426 {
      %broadcast_in_dim3A_3466 = arith.constant 0.000000e+00 : f32
      %broadcast_in_dim3A_3467 = vector.broadcast %broadcast_in_dim3A_3466 : f32 to vector<3x128xf32>
      %swap3A_3468 = arith.constant 0 : index
      %swap3A_3469 = arith.constant 0 : index
      %swap3A_3470 = vector.load %arg4[%swap3A_3468, %swap3A_3469] : memref<3x128xf32, #tpu.memory_space<vmem>>, vector<3x128xf32>
      tpu.vector_store %arg4[%swap3A_3468, %swap3A_3469], %broadcast_in_dim3A_3467 {strides = array<i32>} : memref<3x128xf32, #tpu.memory_space<vmem>>, vector<3x128xf32>,
    } else {
    }
    %get3A_3427 = arith.constant 0 : index
    %get3A_3428 = arith.constant 0 : index
    %get3A_3429 = vector.load %arg4[%get3A_3427, %get3A_3428] : memref<3x128xf32, #tpu.memory_space<vmem>>, vector<1x128xf32>
    %get3A_3430 = vector.shape_cast %get3A_3429 : vector<1x128xf32> to vector<128xf32>
    %reduce_sum3A = arith.constant dense<0.000000e+00> : vector<128xf32>
    %reduce_sum3A_3431 = vector.multi_reduction <add>, %add3A_3421, %reduce_sum3A [0] : vector<64x128xf32> to vector<128xf32>
    %add3A_3432 = arith.addf %get3A_3430, %reduce_sum3A_3431 : vector<128xf32>
    %swap3A = arith.constant 0 : index
    %swap3A_3433 = arith.constant 0 : index
    %swap3A_3434 = vector.load %arg4[%swap3A, %swap3A_3433] : memref<3x128xf32, #tpu.memory_space<vmem>>, vector<1x128xf32>
    %swap3A_3435 = vector.shape_cast %swap3A_3434 : vector<1x128xf32> to vector<128xf32>
    %swap3A_3436 = vector.shape_cast %add3A_3432 : vector<128xf32> to vector<1x128xf32>
    tpu.vector_store %arg4[%swap3A, %swap3A_3433], %swap3A_3436 {strides = array<i32>} : memref<3x128xf32, #tpu.memory_space<vmem>>, vector<1x128xf32>,
    %get3A_3437 = arith.constant 1 : index
    %get3A_3438 = arith.constant 0 : index
    %get3A_3439 = vector.load %arg4[%get3A_3437, %get3A_3438] : memref<3x128xf32, #tpu.memory_space<vmem>>, vector<1x128xf32>
    %get3A_3440 = vector.shape_cast %get3A_3439 : vector<1x128xf32> to vector<128xf32>
    %reduce_sum3A_3441 = arith.constant dense<0.000000e+00> : vector<128xf32>
    %reduce_sum3A_3442 = vector.multi_reduction <add>, %add3A_3422, %reduce_sum3A_3441 [0] : vector<64x128xf32> to vector<128xf32>
    %add3A_3443 = arith.addf %get3A_3440, %reduce_sum3A_3442 : vector<128xf32>
    %swap3A_3444 = arith.constant 1 : index
    %swap3A_3445 = arith.constant 0 : index
    %swap3A_3446 = vector.load %arg4[%swap3A_3444, %swap3A_3445] : memref<3x128xf32, #tpu.memory_space<vmem>>, vector<1x128xf32>
    %swap3A_3447 = vector.shape_cast %swap3A_3446 : vector<1x128xf32> to vector<128xf32>
    %swap3A_3448 = vector.shape_cast %add3A_3443 : vector<128xf32> to vector<1x128xf32>
    tpu.vector_store %arg4[%swap3A_3444, %swap3A_3445], %swap3A_3448 {strides = array<i32>} : memref<3x128xf32, #tpu.memory_space<vmem>>, vector<1x128xf32>,
    %get3A_3449 = arith.constant 2 : index
    %get3A_3450 = arith.constant 0 : index
    %get3A_3451 = vector.load %arg4[%get3A_3449, %get3A_3450] : memref<3x128xf32, #tpu.memory_space<vmem>>, vector<1x128xf32>
    %get3A_3452 = vector.shape_cast %get3A_3451 : vector<1x128xf32> to vector<128xf32>
    %reduce_sum3A_3453 = arith.constant dense<0.000000e+00> : vector<128xf32>
    %reduce_sum3A_3454 = vector.multi_reduction <add>, %add3A_3423, %reduce_sum3A_3453 [0] : vector<64x128xf32> to vector<128xf32>
    %add3A_3455 = arith.addf %get3A_3452, %reduce_sum3A_3454 : vector<128xf32>
    %swap3A_3456 = arith.constant 2 : index
    %swap3A_3457 = arith.constant 0 : index
    %swap3A_3458 = vector.load %arg4[%swap3A_3456, %swap3A_3457] : memref<3x128xf32, #tpu.memory_space<vmem>>, vector<1x128xf32>
    %swap3A_3459 = vector.shape_cast %swap3A_3458 : vector<1x128xf32> to vector<128xf32>
    %swap3A_3460 = vector.shape_cast %add3A_3455 : vector<128xf32> to vector<1x128xf32>
    tpu.vector_store %arg4[%swap3A_3456, %swap3A_3457], %swap3A_3460 {strides = array<i32>} : memref<3x128xf32, #tpu.memory_space<vmem>>, vector<1x128xf32>,
    %eq3A_3461 = arith.constant 7 : i32
    %eq3A_3462 = arith.cmpi eq, %arg0, %eq3A_3461 : i32
    %convert_element_type3A_3463 = arith.extui %eq3A_3462 : i1 to i32
    %cond3A_3464 = arith.constant 0 : i32
    %cond3A_3465 = arith.cmpi ne, %convert_element_type3A_3463, %cond3A_3464 : i32
    scf.if %cond3A_3465 {
      %get3A_3466 = arith.constant 0 : index
      %get3A_3467 = arith.constant 0 : index
      %get3A_3468 = vector.load %arg4[%get3A_3466, %get3A_3467] : memref<3x128xf32, #tpu.memory_space<vmem>>, vector<1x128xf32>
      %get3A_3469 = vector.shape_cast %get3A_3468 : vector<1x128xf32> to vector<128xf32>
      %reduce_sum3A_3470 = vector.shape_cast %get3A_3469 : vector<128xf32> to vector<1x128xf32>
      %reduce_sum3A_3471 = arith.constant dense<0.000000e+00> : vector<1xf32>
      %reduce_sum3A_3472 = vector.multi_reduction <add>, %reduce_sum3A_3470, %reduce_sum3A_3471 [1] : vector<1x128xf32> to vector<1xf32>
      %reduce_sum3A_3473 = vector.shape_cast %reduce_sum3A_3472 : vector<1xf32> to vector<1x1xf32>
      %reduce_sum3A_3474 = vector.extract %reduce_sum3A_3473[0, 0] : f32 from vector<1x1xf32>
      %mul3A_3475 = arith.constant 0.693147182 : f32
      %mul3A_3476 = arith.mulf %reduce_sum3A_3474, %mul3A_3475 : f32
      %swap3A_3477 = arith.constant 0 : index
      %swap3A_3478 = memref.load %arg3[%swap3A_3477] : memref<3xf32, #tpu.memory_space<smem>>
      memref.store %mul3A_3476, %arg3[%swap3A_3477] : memref<3xf32, #tpu.memory_space<smem>>
      %get3A_3479 = arith.constant 1 : index
      %get3A_3480 = arith.constant 0 : index
      %get3A_3481 = vector.load %arg4[%get3A_3479, %get3A_3480] : memref<3x128xf32, #tpu.memory_space<vmem>>, vector<1x128xf32>
      %get3A_3482 = vector.shape_cast %get3A_3481 : vector<1x128xf32> to vector<128xf32>
      %reduce_sum3A_3483 = vector.shape_cast %get3A_3482 : vector<128xf32> to vector<1x128xf32>
      %reduce_sum3A_3484 = arith.constant dense<0.000000e+00> : vector<1xf32>
      %reduce_sum3A_3485 = vector.multi_reduction <add>, %reduce_sum3A_3483, %reduce_sum3A_3484 [1] : vector<1x128xf32> to vector<1xf32>
      %reduce_sum3A_3486 = vector.shape_cast %reduce_sum3A_3485 : vector<1xf32> to vector<1x1xf32>
      %reduce_sum3A_3487 = vector.extract %reduce_sum3A_3486[0, 0] : f32 from vector<1x1xf32>
      %mul3A_3488 = arith.constant 0.693147182 : f32
      %mul3A_3489 = arith.mulf %reduce_sum3A_3487, %mul3A_3488 : f32
      %swap3A_3490 = arith.constant 1 : index
      %swap3A_3491 = memref.load %arg3[%swap3A_3490] : memref<3xf32, #tpu.memory_space<smem>>
      memref.store %mul3A_3489, %arg3[%swap3A_3490] : memref<3xf32, #tpu.memory_space<smem>>
      %get3A_3492 = arith.constant 2 : index
      %get3A_3493 = arith.constant 0 : index
      %get3A_3494 = vector.load %arg4[%get3A_3492, %get3A_3493] : memref<3x128xf32, #tpu.memory_space<vmem>>, vector<1x128xf32>
      %get3A_3495 = vector.shape_cast %get3A_3494 : vector<1x128xf32> to vector<128xf32>
      %reduce_sum3A_3496 = vector.shape_cast %get3A_3495 : vector<128xf32> to vector<1x128xf32>
      %reduce_sum3A_3497 = arith.constant dense<0.000000e+00> : vector<1xf32>
      %reduce_sum3A_3498 = vector.multi_reduction <add>, %reduce_sum3A_3496, %reduce_sum3A_3497 [1] : vector<1x128xf32> to vector<1xf32>
      %reduce_sum3A_3499 = vector.shape_cast %reduce_sum3A_3498 : vector<1xf32> to vector<1x1xf32>
      %reduce_sum3A_3500 = vector.extract %reduce_sum3A_3499[0, 0] : f32 from vector<1x1xf32>
      %swap3A_3501 = arith.constant 2 : index
      %swap3A_3502 = memref.load %arg3[%swap3A_3501] : memref<3xf32, #tpu.memory_space<smem>>
      memref.store %reduce_sum3A_3500, %arg3[%swap3A_3501] : memref<3xf32, #tpu.memory_space<smem>>
    } else {
    }
    return
  }
  func.func @transform_0(%arg0: i32) -> (i32, i32) {
    %c0_i32 = arith.constant 0 : i32
    %c0_i32_0 = arith.constant 0 : i32
    return %arg0, %c0_i32 : i32, i32
  }
  func.func @transform_1(%arg0: i32) -> (i32, i32) {
    %c0_i32 = arith.constant 0 : i32
    %c0_i32_0 = arith.constant 0 : i32
    return %arg0, %c0_i32 : i32, i32
  }
  func.func @transform_2(%arg0: i32) -> i32 {
    %c0_i32 = arith.constant 0 : i32
    %c0_i32_0 = arith.constant 0 : i32
    return %c0_i32 : i32
  }
}

</mosaic_0001>

<sc_bundles>
// kernel: kernel.4.cloned.1.call-start
scs
__scs_entry_jumppad:
0x0: {  	(pc) =	sbr.rel $0x88, $3  }
0x1: {  	(tag) =	ssettag $0x0;
	lr =	simm.s32 $0x1  }
0x2: {  	[smem:$0x3F9F] =	sst lr;
	_ =	strace $0xD0000000  }
0x3: {  	_ = 	snop  }
0x4: {  	_ = 	snop  }
0x5: {  	_ = 	snop  }
0x6: {  	_ = 	snop  }
0x7: {  	_ = 	snop  }
__scs_overlays_trampoline_lowered:
0x8: {  	[smem:$0x3FAE] =	sst s0  }
0x9: {  	[smem:$0x3FAF] =	sst s1  }
0xa: {  	[smem:$0x3FB0] =	sst s2  }
0xb: {  	[smem:$0x3FB1] =	sst s3  }
0xc: {  	[smem:$0x3FB2] =	sst s4  }
0xd: {  	[smem:$0x3FB3] =	sst s5  }
0xe: {  	[smem:$0x3FB4] =	sst s6  }
0xf: {  	[smem:$0x3FB5] =	sst s7  }
0x10: {  	[smem:$0x3FB6] =	sst s8  }
0x11: {  	[smem:$0x3FB7] =	sst s9;
	s0 =	simm.s32 @!p0 $0x0  }
0x12: {  	s1 =	sld [smem:$0x3F9D];
	s0 =	simm.s32 @p0 $0x1  }
0x13: {  	[smem:$0x3FB8] =	sst s0;
	s0 =	simm.s32 @!p1 $0x0  }
0x14: {  	s2 =	sld [smem:$0x3F9C];
	s0 =	simm.s32 @p1 $0x1  }
0x15: {  	[smem:$0x3FB9] =	sst s0;
	s0 =	simm.s32 @!p2 $0x0  }
0x16: {  	s3 =	sld [smem:$0x3FDB];
	s0 =	simm.s32 @p2 $0x1  }
0x17: {  	s4 =	simm.s32 $0x1BF5;
	[smem:$0x3FBB] =	sst s0  }
0x18: {  	s0 =	sld [smem:$0x3F9E];
	_ =	swait.ge [sflag:s4], $0x0  }
0x19: {  	s7 =	sld [smem:$0x3F9F]  }
0x1a: {  	s8 =	sadd.s32 $0xFFFFE003, lr  }
0x1b: {  	s9 =	sadd.s32 $0xFFFFFEF7, lr;
	s5 =	simm.s32 $0xFFFFFFFF;
	p2 =	slt.u32 s8, $0xFFFFF086  }
0x1c: {  	p1 =	slt.u32 s9, $0xF7A;
	s5 =	simm.s32 @!p2 $0x0  }
0x1d: {  	s5 =	simm.s32 @p1 $0x1;
	p0 =	seq.s32 s7, s2  }
0x1e: {  	s7 =	smul.u32 @!p0 $0xF7A, s2;
	p2 =	seq.s32 @!p0 s5, $0x0  }
0x1f: {  	s9 =	smul.u32 $0xF7A, s1;
	s8 =	simm.s32 @!p0 $0x1BF5;
	p2 =	por !p2, p0  }
0x20: {  	[sflag:s8] =	ssyncset.s32 @!p0 $0xFFFFF086;
	s6 =	sadd.s32 @!p0 s3, s7;
	s7 =	simm.s32 @!p0 $0x108  }
0x21: {  	s3 =	sadd.s32 s3, s9;
	s6 =	sadd.s32 @!p0 $0x88, s6;
	s7 =	simm.s32 @p2 $0x1082  }
0x22: {  	[simem:s7], [sflag:s8] =	dma.local @!p0 [hbm:s6], $0xF7A  }
0x23: {  	s9 =	sor.u32 $0xD0000000, s2;
	s6 =	simm.s32 $0x108;
	_ =	swait.ge @!p0 [sflag:s8], $0x0  }
0x24: {  	s3 =	sadd.s32 $0x88, s3;
	s6 =	simm.s32 @!p1 $0x1082;
	[sflag:s4] =	ssyncset.s32 $0xFFFFF086  }
0x25: {  	[simem:s6], [sflag:s4] =	dma.local [hbm:s3], $0xF7A  }
0x26: {  	[smem:$0x3F9F] =	sst s1;
	(tag) =	ssettag s2;
	_ =	strace s9  }
0x27: {  	s1 =	sld [smem:$0x3FAF]  }
0x28: {  	s2 =	sld [smem:$0x3FB0]  }
0x29: {  	s4 =	sld [smem:$0x3FB2]  }
0x2a: {  	p0 =	seq.s32 s5, $0x0;
	s5 =	sld [smem:$0x3FB3]  }
0x2b: {  	s6 =	sld [smem:$0x3FB4]  }
0x2c: {  	s7 =	sld [smem:$0x3FB5]  }
0x2d: {  	s3 =	simm.s32 $0x108;
	s8 =	sld [smem:$0x3FB6]  }
0x2e: {  	s3 =	simm.s32 @!p0 $0x1082;
	s9 =	sld [smem:$0x3FB7]  }
0x2f: {  	lr =	sadd.s32 s0, s3;
	s0 =	sld [smem:$0x3FAE]  }
0x30: {  	s3 =	sld [smem:$0x3FB1]  }
0x31: {  	[smem:$0x3FBA] =	sst s10  }
0x32: {  	s10 =	sld [smem:$0x3FB8];
	_ =	sdelay $0x3  }
0x33: {  	p0 =	seq.s32 s10, $0x1;
	s10 =	sld [smem:$0x3FBA];
	_ =	sdelay $0x3  }
0x34: {  	[smem:$0x3FBA] =	sst s10  }
0x35: {  	s10 =	sld [smem:$0x3FB9];
	_ =	sdelay $0x3  }
0x36: {  	p1 =	seq.s32 s10, $0x1;
	s10 =	sld [smem:$0x3FBA];
	_ =	sdelay $0x3  }
0x37: {  	[smem:$0x3FBA] =	sst s10  }
0x38: {  	s10 =	sld [smem:$0x3FBB]  }
0x39: {  	_ = 	snop;
	(pc) =	sbr.ind lr, $3  }
0x3a: {  	_ = 	snop  }
0x3b: {  	_ = 	snop  }
0x3c: {  	p2 =	seq.s32 s10, $0x1;
	s10 =	sld [smem:$0x3FBA]  }
0x3d: {  	_ =	shalt  }
0x3e: {  	_ =	shalt  }
0x3f: {  	_ =	shalt  }
0x40: {  	_ =	shalt  }
0x41: {  	_ =	shalt  }
0x42: {  	_ =	shalt  }
0x43: {  	_ =	shalt  }
0x44: {  	_ =	shalt  }
0x45: {  	_ =	shalt  }
0x46: {  	_ =	shalt  }
0x47: {  	_ =	shalt  }
0x48: {  	_ =	shalt  }
0x49: {  	_ =	shalt  }
0x4a: {  	_ =	shalt  }
0x4b: {  	_ =	shalt  }
0x4c: {  	_ =	shalt  }
0x4d: {  	_ =	shalt  }
0x4e: {  	_ =	shalt  }
0x4f: {  	_ =	shalt  }
0x50: {  	_ =	shalt  }
0x51: {  	_ =	shalt  }
0x52: {  	_ =	shalt  }
0x53: {  	_ =	shalt  }
0x54: {  	_ =	shalt  }
0x55: {  	_ =	shalt  }
0x56: {  	_ =	shalt  }
0x57: {  	_ =	shalt  }
0x58: {  	_ =	shalt  }
0x59: {  	_ =	shalt  }
0x5a: {  	_ =	shalt  }
0x5b: {  	_ =	shalt  }
0x5c: {  	_ =	shalt  }
0x5d: {  	_ =	shalt  }
0x5e: {  	_ =	shalt  }
0x5f: {  	_ =	shalt  }
0x60: {  	_ =	shalt  }
0x61: {  	_ =	shalt  }
0x62: {  	_ =	shalt  }
0x63: {  	_ =	shalt  }
0x64: {  	_ =	shalt  }
0x65: {  	_ =	shalt  }
0x66: {  	_ =	shalt  }
0x67: {  	_ =	shalt  }
0x68: {  	_ =	shalt  }
0x69: {  	_ =	shalt  }
0x6a: {  	_ =	shalt  }
0x6b: {  	_ =	shalt  }
0x6c: {  	_ =	shalt  }
0x6d: {  	_ =	shalt  }
0x6e: {  	_ =	shalt  }
0x6f: {  	_ =	shalt  }
0x70: {  	_ =	shalt  }
0x71: {  	_ =	shalt  }
0x72: {  	_ =	shalt  }
0x73: {  	_ =	shalt  }
0x74: {  	_ =	shalt  }
0x75: {  	_ =	shalt  }
0x76: {  	_ =	shalt  }
0x77: {  	_ =	shalt  }
0x78: {  	_ =	shalt  }
0x79: {  	_ =	shalt  }
0x7a: {  	_ =	shalt  }
0x7b: {  	_ =	shalt  }
0x7c: {  	_ =	shalt  }
0x7d: {  	_ =	shalt  }
0x7e: {  	_ =	shalt  }
0x7f: {  	_ =	shalt  }
0x80: {  	_ =	shalt  }
0x81: {  	_ =	shalt  }
0x82: {  	_ =	shalt  }
0x83: {  	_ =	shalt  }
0x84: {  	_ =	shalt  }
0x85: {  	_ =	shalt  }
0x86: {  	_ =	shalt  }
0x87: {  	_ =	shalt  }
.Lfunc_end0:
.L_simem_size_0:
called_computation_lowered:
.L_overlay_start_0:
0x88: {  	s2 =	sld [smem:$0x3FD9]  }
0x89: {  	s3 =	sld [smem:$0x3FFE];
	_ =	sdelay $0x1  }
0x8a: {  	s1 =	srdreg.scid  }
0x8b: {  	s0 =	sand.u32 $0x1, s1  }
0x8c: {  	s17 =	sshll.u32 s0, $0xA;
	s2 =	sadd.s32 s3, s2  }
0x8d: {  	s2 =	sadd.s32 s2, s17  }
0x8e: {  	[smem:$0x3FC6] =	sst s2  }
0x8f: {  	_ = 	snop  }
0x90: {  	s2 =	sld [smem:$0x3FC9]  }
0x91: {  	s18 =	sld [smem:$0x3FC8];
	(tm) =	ssettm $0x1  }
0x92: {  	s4 =	sld [smem:$0x3FFB];
	_ =	sdelay $0x3  }
0x93: {  	_ =	strace s4  }
0x94: {  	s4 =	sld [smem:$0x3FFC];
	_ =	sdelay $0x3  }
0x95: {  	_ =	strace s4  }
0x96: {  	s4 =	sld [smem:$0x3FFD];
	_ =	sdelay $0x3  }
0x97: {  	_ =	strace s4  }
0x98: {  	_ =	strace $0x8FFFFFFF  }
0x99: {  	s19 =	sld [smem:$0x3FDB];
	_ =	sdelay $0x1  }
0x9a: {  	s5 =	simm.s32 $_scs_section_size  }
0x9b: {  	s6 =	simm.s32 $_size__tile_overlayer_lowered;
	s7 =	simm.s32 $_tile_overlayer_lowered  }
0x9c: {  	s22 =	simm.s32 $0x1BFF;
	s21 =	sshll.u32 s7, $0x1;
	s4 =	sadd.s32 s5, s19  }
0x9d: {  	s8 =	simm.s32 $0x0;
	s20 =	sshll.u32 s6, $0x1;
	s6 =	sadd.s32 s21, s4  }
0x9e: {  	[timem:s8], [sflag:s22] =	dma.local [hbm:s6], s20  }
0x9f: {  	_ =	swait.ge [sflag:s22], s20  }
0xa0: {  	s5 =	ssub.s32 $0x0, s20;
	[sflag:s22] =	ssyncset.done $0x0  }
0xa1: {  	[sflag:s22] =	ssyncadd.s32 s5;
	_ =	sdelay $0x1  }
0xa2: {  	s23 =	simm.s32 $0x1B8B  }
0xa3: {  	_ =	swait.ge [sflag:s23], $0x1  }
0xa4: {  	[sflag:s23] =	ssyncset.done $0x0  }
0xa5: {  	s25 =	simm.s32 $0x1B8E;
	s24 =	sld [smem:$0x3FFE];
	[sflag:s23] =	ssyncadd.s32 $0xFFFFFFFF  }
0xa6: {  	s26 =	simm.s32 $execute0_lowered;
	[smem:$0x3FD2] =	sst s25  }
0xa7: {  	s6 =	sshll.u32 s26, $0x1;
	_ =	strace $0x80000046;
	[dreg:$0x1] =	wrdreg $0xFFFFFFFF  }
0xa8: {  	s28 =	simm.s32 $_size_execute0_lowered;
	s4 =	sadd.s32 s4, s6;
	[dreg:$0x0] =	wrdreg $0x0  }
0xa9: {  	s6 =	sshll.u32 s28, $0x1;
	[dreg:$0x2] =	wrdreg s4  }
0xaa: {  	[dreg:$0x3] =	wrdreg s6  }
0xab: {  	[dreg:$0x4] =	wrdreg $0xC0  }
0xac: {  	_ =	task [dreg:s8], $0x5FFFF  }
0xad: {  	[dreg:$0x1] =	wrdreg $0xFFFFFFFF  }
0xae: {  	[dreg:$0x0] =	wrdreg $0x60  }
0xaf: {  	[dreg:$0x2] =	wrdreg s2  }
0xb0: {  	[dreg:$0x3] =	wrdreg s18  }
0xb1: {  	[dreg:$0x4] =	wrdreg s24  }
0xb2: {  	[dreg:$0x5] =	wrdreg $0x9  }
0xb3: {  	_ =	task.clear_ibuf [dreg:s8], $0x6FFFF;
	_ =	strace $0x90000046  }
0xb4: {  	s29 =	simm.s32 $0x9;
	_ =	strace $0x80000048  }
0xb5: {  	_ =	swait.ge [sflag:s29], $0x1  }
0xb6: {  	[sflag:s29] =	ssyncadd.s32 $0xFFFFFFFF  }
0xb7: {  	_ =	strace $0x90000048  }
0xb8: {  	_ =	sfence  }
0xb9: {  	s30 =	sld [smem:$0x0];
	_ =	sdelay $0x2  }
0xba: {  	s31 =	sshll.u32 s1, $0xD;
	s1 =	sshrl.u32 s1, $0x2  }
0xbb: {  	s3 =	sand.u32 $0x4000, s31;
	s1 =	sadd.s32 s1, s30  }
0xbc: {  	s0 =	sor.u32 s3, s0;
	s1 =	sshll.u32 s1, $0x11  }
0xbd: {  	s0 =	sor.u32 s1, s0  }
0xbe: {  	s0 =	sadd.s32 $0x8F2B, s0  }
0xbf: {  	[sflag:s0] =	ssyncadd.remote.s32 $0x1  }
0xc0: {  	_ =	sfence.sel $0xFFFF  }
0xc1: {  	[dreg:$0x0] =	wrdreg $0xFFFFFFFF;
	(pc) =	sbr.abs _section_cstart, $3  }
0xc2: {  	[dreg:$0x1] =	wrdreg $0xFFFFFFFF  }
0xc3: {  	_ =	task.clear_ibuf [dreg:s8], $0x2FFFF;
	_ =	strace $0x9FFFFFFF  }
0xc4: {  	(tm) =	ssettm $0x7FFFFFFF  }
0xc5: {  	_ =	shalt  }
tec
execute0_lowered:
.L_overlay_start_1:
0x0: {  	(tag) =	ssettag $0x1  }
0x1: {  	s3 =	rddreg [dreg:$0x0]  }
0x2: {  	s4 =	rddreg [dreg:$0x1]  }
0x3: {  	s1 =	srdreg.scid;
	s0 =	stileid.u32  }
0x4: {  	s5 =	rddreg [dreg:$0x2];
	s2 =	simm.s32 $0x0;
	s10 =	simm.s32 $0x8000  }
0x5: {  	s11 =	simm.s32 $0x3;
	s6 =	sand.u32 $0x1, s1;
	s1 =	rddreg [dreg:$0x3]  }
0x6: {  	s12 =	simm.s32 $0x0;
	s7 =	sshll.u32 s0, $0x1;
	[smem:$0x7FF] =	sst s2  }
0x7: {  	s7 =	sor.u32 s6, s7;
	s6 =	ssub.s32 $0x2, s6;
	_ =	strace $0x80000047  }
0x8: {  	s8 =	sshll.u32 s7, $0xB;
	s9 =	sshrl.u32 s6, $0x1;
	s7 =	sshll.u32 s7, $0x6  }
0x9: {  	s8 =	sor.u32 $0xB0000, s8;
	s6 =	ssub.s32 s6, s9;
	s5 =	sadd.s32 s5, s7  }
0xa: {  	s7 =	simm.s32 $0x4000;
	s9 =	simm.s32 $0x2;
	s3 =	sadd.s32 s3, s8  }
0xb: {  	s4 =	sadd.s32 s4, s8;
	s6 =	smax.u32 s6, $0x1;
	s8 =	simm.s32 $0x1  }
.LBB2_1:
0xc: {  	[tilespmem:s2], [sflag:$0x1] =	stream.linear.gather [hbm4b:s3+s2], $0x4000, $0x38;
	[tilespmem:$0x8200] =	vst v63  }
0xd: {  	_ = 	snop  }
0xe: {  	[tilespmem:s7], [sflag:$0x2] =	stream.linear.gather [hbm4b:s4+s2], $0x4000, $0x38;
	[tilespmem:$0x8200] =	vst v63  }
0xf: {  	_ =	swait.ge [sflag:s8], $0x4000  }
0x10: {  	[sflag:s8] =	ssyncset.done $0x0  }
0x11: {  	[sflag:s8] =	ssyncadd.s32 $0xFFFFC000  }
0x12: {  	_ =	swait.ge [sflag:s9], $0x4000  }
0x13: {  	[sflag:s9] =	ssyncset.done $0x0  }
0x14: {  	s13 =	simm.s32 $0x0;
	[sflag:s9] =	ssyncadd.s32 $0xFFFFC000  }
0x15: {  	v0 =	vld [tilespmem:s13+$0x4000];
	_ =	sdelay $0x4  }
0x16: {  	v0 =	vcvt.s32.f32 v0  }
0x17: {  	v1 =	vld [tilespmem:s13+$0x0]  }
0x18: {  	v2 =	vadd.f32 v0, v0;
	_ =	sdelay $0x1  }
0x19: {  	v2 =	vadd.f32 $-1.000000000e+00, v2;
	_ =	sdelay $0x1  }
0x1a: {  	v1 =	vmul.f32 v2, v1  }
0x1b: {  	s25 =	simm.s32 $0x10  }
0x1c: {  	v2 =	vld [tilespmem:s25+$0x4000];
	v1 =	vsub.f32 $0.0e+00, v1;
	_ =	sdelay $0x1  }
0x1d: {  	v9 =	vmin.f32 v1, $8.700000000e+01  }
0x1e: {  	v3 =	vmul.f32 $1.442695020e+00, v9;
	_ =	sdelay $0x1  }
0x1f: {  	v1 =	vcvt.s32.f32 v2;
	(erf) = vpow2.f32 v3  }
0x20: {  	v2 =	vld [tilespmem:s25+$0x0]  }
0x21: {  	v3 =	vadd.f32 v1, v1;
	_ =	sdelay $0x1  }
0x22: {  	v3 =	vadd.f32 $-1.000000000e+00, v3;
	_ =	sdelay $0x1  }
0x23: {  	v2 =	vmul.f32 v3, v2  }
0x24: {  	s26 =	simm.s32 $0x20  }
0x25: {  	v3 =	vld [tilespmem:s26+$0x4000];
	v2 =	vsub.f32 $0.0e+00, v2  }
0x26: {  	v4 =	vpop (erf)  }
0x27: {  	v14 =	vmin.f32 v2, $8.700000000e+01;
	v5 =	vadd.f32 $1.000000000e+00, v4  }
0x28: {  	v4 =	vmul.f32 $1.442695020e+00, v14  }
0x29: {  	v6 =	vand.u32 $0x7FFFFF, v5  }
0x2a: {  	v2 =	vcvt.s32.f32 v3;
	(erf) = vpow2.f32 v4;
	v3 =	vor.u32 $0x3F800000, v6  }
0x2b: {  	v4 =	vld [tilespmem:s26+$0x0];
	v7 =	vadd.f32 $-1.000000000e+00, v3  }
0x2c: {  	v3 =	vadd.f32 v2, v2  }
0x2d: {  	v6 =	vmul.f32 $-3.417637200e-02, v7  }
0x2e: {  	s28 =	simm.s32 $0x30;
	v3 =	vadd.f32 $-1.000000000e+00, v3  }
0x2f: {  	v8 =	vld [tilespmem:s28+$0x4000];
	v6 =	vadd.f32 $1.446838530e-01, v6  }
0x30: {  	v3 =	vmul.f32 v3, v4  }
0x31: {  	v4 =	vmul.f32 v6, v7  }
0x32: {  	v6 =	vsub.f32 $0.0e+00, v3  }
0x33: {  	v10 =	vpop (erf);
	v4 =	vadd.f32 $-3.010466990e-01, v4  }
0x34: {  	v3 =	vcvt.s32.f32 v8;
	v6 =	vmin.f32 v6, $8.700000000e+01;
	v10 =	vadd.f32 $1.000000000e+00, v10  }
0x35: {  	v11 =	vld [tilespmem:s28+$0x0];
	v8 =	vmul.f32 $1.442695020e+00, v6;
	v4 =	vmul.f32 v4, v7  }
0x36: {  	v12 =	vadd.f32 v3, v3;
	v13 =	vand.u32 $0x7FFFFF, v10  }
0x37: {  	(erf) = vpow2.f32 v8;
	v13 =	vor.u32 $0x3F800000, v13;
	v4 =	vadd.f32 $4.680273230e-01, v4  }
0x38: {  	s29 =	simm.s32 $0x40;
	v12 =	vadd.f32 $-1.000000000e+00, v12;
	v13 =	vadd.f32 $-1.000000000e+00, v13  }
0x39: {  	v8 =	vld [tilespmem:s29+$0x4000];
	v4 =	vmul.f32 v4, v7  }
0x3a: {  	v11 =	vmul.f32 v12, v11;
	v12 =	vmul.f32 $-3.417637200e-02, v13  }
0x3b: {  	v15 =	vadd.f32 $-7.201758620e-01, v4  }
0x3c: {  	v5 =	vshra.s32 v5, $0x17;
	v12 =	vadd.f32 $1.446838530e-01, v12  }
0x3d: {  	v5 =	vadd.s32 $0xFFFFFF81, v5;
	v15 =	vmul.f32 v15, v7  }
0x3e: {  	v11 =	vsub.f32 $0.0e+00, v11;
	v4 =	vcvt.s32.f32 v8;
	v12 =	vmul.f32 v12, v13  }
0x3f: {  	v16 =	vld [tilespmem:s29+$0x0];
	v5 =	vcvt.s32.f32 v5;
	v10 =	vshra.s32 v10, $0x17;
	v15 =	vadd.f32 $1.442668910e+00, v15  }
0x40: {  	v8 =	vmin.f32 v11, $8.700000000e+01;
	v11 =	vadd.f32 v4, v4;
	v17 =	vpop (erf);
	v12 =	vadd.f32 $-3.010466990e-01, v12  }
0x41: {  	s30 =	simm.s32 $0x50;
	v18 =	vmul.f32 $1.442695020e+00, v8;
	v17 =	vadd.f32 $1.000000000e+00, v17;
	v7 =	vmul.f32 v15, v7  }
0x42: {  	v19 =	vld [tilespmem:s30+$0x4000];
	v10 =	vadd.s32 $0xFFFFFF81, v10;
	v11 =	vadd.f32 $-1.000000000e+00, v11;
	v12 =	vmul.f32 v12, v13  }
0x43: {  	(erf) = vpow2.f32 v18;
	v15 =	vand.u32 $0x7FFFFF, v17;
	v5 =	vadd.f32 v5, v7  }
0x44: {  	v11 =	vmul.f32 v11, v16;
	v15 =	vor.u32 $0x3F800000, v15;
	v12 =	vadd.f32 $4.680273230e-01, v12  }
0x45: {  	v7 =	vimm.f32 $0.0e+00;
	v15 =	vadd.f32 $-1.000000000e+00, v15;
	v18 =	vmul.f32 $6.931471820e-01, v5  }
0x46: {  	v11 =	vsub.f32 $0.0e+00, v11;
	v16 =	vadd.f32 v0, v7;
	v12 =	vmul.f32 v12, v13  }
0x47: {  	v5 =	vcvt.s32.f32 v19;
	v19 =	vmul.f32 $-3.417637200e-02, v15;
	v9 =	vsub.f32 v9, v18  }
0x48: {  	v10 =	vcvt.s32.f32 v10;
	v16 =	vadd.f32 v1, v16;
	v12 =	vadd.f32 $-7.201758620e-01, v12  }
0x49: {  	v22 =	vld [tilespmem:s30+$0x0];
	v11 =	vmin.f32 v11, $8.700000000e+01;
	v19 =	vadd.f32 $1.446838530e-01, v19;
	v9 =	vmul.f32 $1.500000000e+00, v9  }
0x4a: {  	v20 =	vmul.f32 $1.442695020e+00, v11;
	v21 =	vadd.f32 v5, v5;
	v12 =	vmul.f32 v12, v13  }
0x4b: {  	v23 =	vadd.f32 v2, v16;
	v19 =	vmul.f32 v19, v15;
	v9 =	vmul.f32 $1.442695020e+00, v9  }
0x4c: {  	s31 =	simm.s32 $0x60;
	(erf) = vpow2.f32 v20;
	v20 =	vadd.f32 $-1.000000000e+00, v21;
	v16 =	vpop (erf);
	v12 =	vadd.f32 $1.442668910e+00, v12  }
0x4d: {  	v16 =	vadd.f32 $1.000000000e+00, v16;
	v19 =	vadd.f32 $-3.010466990e-01, v19;
	(erf) = vpow2.f32 v9;
	v9 =	vld [tilespmem:s31+$0x4000]  }
0x4e: {  	v12 =	vmul.f32 v12, v13;
	v13 =	vmul.f32 v20, v22  }
0x4f: {  	v20 =	vadd.f32 v3, v23;
	v21 =	vand.u32 $0x7FFFFF, v16;
	v19 =	vmul.f32 v19, v15  }
0x50: {  	v10 =	vadd.f32 v10, v12;
	v13 =	vsub.f32 $0.0e+00, v13;
	v12 =	vor.u32 $0x3F800000, v21  }
0x51: {  	v21 =	vadd.f32 $4.680273230e-01, v19;
	v19 =	vadd.f32 $-1.000000000e+00, v12  }
0x52: {  	v12 =	vmul.f32 $6.931471820e-01, v10;
	v13 =	vmin.f32 v13, $8.700000000e+01;
	v10 =	vcvt.s32.f32 v9  }
0x53: {  	v9 =	vadd.f32 v4, v20;
	v20 =	vmul.f32 v21, v15;
	v21 =	vmul.f32 $1.442695020e+00, v13  }
0x54: {  	v22 =	vmul.f32 $-3.417637200e-02, v19;
	v14 =	vsub.f32 v14, v12;
	v23 =	vadd.f32 v10, v10  }
0x55: {  	v24 =	vpop (erf);
	v9 =	vadd.f32 v5, v9;
	v20 =	vadd.f32 $-7.201758620e-01, v20;
	(erf) = vpow2.f32 v21  }
0x56: {  	v25 =	vadd.f32 $1.446838530e-01, v22;
	v14 =	vmul.f32 $1.500000000e+00, v14;
	v26 =	vpop (erf);
	v22 =	vadd.f32 $-1.000000000e+00, v23  }
0x57: {  	v21 =	vmul.f32 v20, v15;
	v20 =	vadd.f32 $1.000000000e+00, v24;
	v23 =	vld [tilespmem:s31+$0x0];
	v18 =	vmul.f32 v26, v18  }
0x58: {  	s13 =	simm.s32 $0x1C0;
	v24 =	vmul.f32 v25, v19;
	v25 =	vmul.f32 $1.442695020e+00, v14;
	v14 =	vimm.f32 $0.0e+00  }
.LBB2_2:
0x59: {  	p0 =	sne.s32 s13, $0xFFC0;
	v17 =	vshra.s32 v17, $0x17;
	v21 =	vadd.f32 $1.442668910e+00, v21;
	v26 =	vmul.f32 v0, v18;
	v0 =	vmovc v1;
	v1 =	vmovc v2  }
0x5a: {  	s14 =	sshra.s32 s13, $0x2;
	v2 =	vmovc v3;
	v3 =	vmovc v4;
	v24 =	vadd.f32 $-3.010466990e-01, v24;
	v17 =	vadd.s32 $0xFFFFFF81, v17;
	(erf) = vpow2.f32 v25  }
0x5b: {  	v4 =	vmovc v5;
	v25 =	vld [tilespmem:s14+$0x4000];
	v21 =	vmul.f32 v21, v15;
	v27 =	vcvt.s32.f32 v17;
	v7 =	vadd.f32 v26, v7;
	v15 =	vmovc v19  }
0x5c: {  	v14 =	vadd.f32 v18, v14;
	v5 =	vmovc v10;
	v19 =	vmul.f32 v22, v23;
	v22 =	vmul.f32 v24, v15  }
0x5d: {  	v9 =	vadd.f32 v5, v9;
	v10 =	vand.u32 $0x7FFFFF, v20;
	v18 =	vadd.f32 v27, v21;
	v17 =	vmovc v16;
	v16 =	vmovc v20  }
0x5e: {  	v10 =	vor.u32 $0x3F800000, v10;
	v20 =	vsub.f32 $0.0e+00, v19;
	v21 =	vadd.f32 $4.680273230e-01, v22  }
0x5f: {  	v19 =	vadd.f32 $-1.000000000e+00, v10;
	v24 =	vpop (erf);
	v26 =	vmul.f32 $6.931471820e-01, v18  }
0x60: {  	v10 =	vcvt.s32.f32 v25;
	v18 =	vmin.f32 v20, $8.700000000e+01;
	v20 =	vmul.f32 v21, v15  }
.Ltmp0:
0x61: {  	v22 =	vmul.f32 $-3.417637200e-02, v19;
	v21 =	vmul.f32 $1.442695020e+00, v18;
	v23 =	vsub.f32 v6, v26;
	v6 =	vmovc v8;
	v8 =	vmovc v11;
	(pc) =	sbr.rel @p0 .LBB2_2-.Ltmp0, $4  }
0x62: {  	v11 =	vmovc v13;
	v13 =	vmov v18;
	v25 =	vadd.f32 v10, v10;
	v20 =	vadd.f32 $-7.201758620e-01, v20  }
0x63: {  	v27 =	vadd.f32 $1.446838530e-01, v22;
	(erf) = vpow2.f32 v21;
	v28 =	vmul.f32 $1.500000000e+00, v23;
	v18 =	vpop (erf)  }
0x64: {  	v23 =	vld [tilespmem:s14+$0x0];
	v22 =	vadd.f32 $-1.000000000e+00, v25;
	v21 =	vmul.f32 v20, v15;
	v18 =	vmul.f32 v18, v12;
	v12 =	vmovc v26  }
0x65: {  	s13 =	sadd.s32 $0x40, s13;
	v20 =	vadd.f32 $1.000000000e+00, v24;
	v24 =	vmul.f32 v27, v19;
	v25 =	vmul.f32 $1.442695020e+00, v28  }
0x66: {  	_ =	sdelay $0x2  }
0x67: {  	v22 =	vmul.f32 v22, v23;
	_ =	sdelay $0x1  }
0x68: {  	v22 =	vsub.f32 $0.0e+00, v22;
	_ =	sdelay $0x1  }
0x69: {  	v22 =	vmin.f32 v22, $8.700000000e+01  }
0x6a: {  	v52 =	vmul.f32 $1.442695020e+00, v22  }
0x6b: {  	(erf) = vpow2.f32 v25  }
0x6c: {  	(erf) = vpow2.f32 v52;
	_ =	sdelay $0x6  }
0x6d: {  	v53 =	vand.u32 $0x7FFFFF, v20;
	v54 =	vpop (erf)  }
0x6e: {  	v23 =	vor.u32 $0x3F800000, v53;
	v25 =	vadd.f32 $1.000000000e+00, v54;
	v27 =	vpop (erf)  }
0x6f: {  	v23 =	vadd.f32 $-1.000000000e+00, v23;
	v29 =	vpop (erf)  }
0x70: {  	v28 =	vand.u32 $0x7FFFFF, v25;
	v29 =	vadd.f32 $1.000000000e+00, v29  }
0x71: {  	v26 =	vmul.f32 $-3.417637200e-02, v23;
	v28 =	vor.u32 $0x3F800000, v28  }
0x72: {  	v28 =	vadd.f32 $-1.000000000e+00, v28;
	v31 =	vand.u32 $0x7FFFFF, v29  }
0x73: {  	v24 =	vadd.f32 $-3.010466990e-01, v24;
	v26 =	vadd.f32 $1.446838530e-01, v26;
	v31 =	vor.u32 $0x3F800000, v31  }
0x74: {  	v30 =	vmul.f32 $-3.417637200e-02, v28;
	v31 =	vadd.f32 $-1.000000000e+00, v31  }
0x75: {  	v24 =	vmul.f32 v24, v19;
	v26 =	vmul.f32 v26, v23  }
0x76: {  	v21 =	vadd.f32 $1.442668910e+00, v21;
	v30 =	vadd.f32 $1.446838530e-01, v30;
	v32 =	vmul.f32 $-3.417637200e-02, v31  }
0x77: {  	v17 =	vshra.s32 v17, $0x17;
	v24 =	vadd.f32 $4.680273230e-01, v24;
	v26 =	vadd.f32 $-3.010466990e-01, v26  }
0x78: {  	v15 =	vmul.f32 v21, v15;
	v30 =	vmul.f32 v30, v28;
	v32 =	vadd.f32 $1.446838530e-01, v32  }
0x79: {  	v17 =	vadd.s32 $0xFFFFFF81, v17;
	v24 =	vmul.f32 v24, v19;
	v26 =	vmul.f32 v26, v23  }
0x7a: {  	v17 =	vcvt.s32.f32 v17;
	v30 =	vadd.f32 $-3.010466990e-01, v30;
	v58 =	vmul.f32 v32, v31  }
0x7b: {  	v16 =	vshra.s32 v16, $0x17;
	v55 =	vadd.f32 $-7.201758620e-01, v24;
	v26 =	vadd.f32 $4.680273230e-01, v26  }
0x7c: {  	v15 =	vadd.f32 v17, v15;
	v57 =	vmul.f32 v30, v28;
	v30 =	vadd.f32 $-3.010466990e-01, v58  }
0x7d: {  	v16 =	vadd.s32 $0xFFFFFF81, v16;
	v21 =	vmul.f32 v55, v19;
	v56 =	vmul.f32 v26, v23  }
0x7e: {  	v15 =	vmul.f32 $6.931471820e-01, v15;
	v26 =	vadd.f32 $4.680273230e-01, v57;
	v60 =	vmul.f32 v30, v31  }
0x7f: {  	v16 =	vcvt.s32.f32 v16;
	v21 =	vadd.f32 $1.442668910e+00, v21;
	v24 =	vadd.f32 $-7.201758620e-01, v56  }
0x80: {  	v6 =	vsub.f32 v6, v15;
	v59 =	vmul.f32 v26, v28;
	v63 =	vadd.f32 $4.680273230e-01, v60  }
0x81: {  	v61 =	vmul.f32 v21, v19;
	v24 =	vmul.f32 v24, v23  }
0x82: {  	v6 =	vmul.f32 $1.500000000e+00, v6;
	v17 =	vadd.f32 $-7.201758620e-01, v59;
	v32 =	vmul.f32 v63, v31  }
0x83: {  	v16 =	vadd.f32 v16, v61;
	v62 =	vadd.f32 $1.442668910e+00, v24;
	v30 =	vshra.s32 v20, $0x17  }
0x84: {  	v17 =	vmul.f32 v17, v28;
	v20 =	vadd.s32 $0xFFFFFF81, v30;
	v34 =	vadd.f32 $-7.201758620e-01, v32  }
0x85: {  	v35 =	vshra.s32 v25, $0x17;
	v21 =	vmul.f32 v62, v23;
	v33 =	vcvt.s32.f32 v20  }
0x86: {  	v16 =	vmul.f32 $6.931471820e-01, v16;
	v17 =	vadd.f32 $1.442668910e+00, v17;
	v20 =	vmul.f32 v34, v31  }
0x87: {  	v36 =	vshra.s32 v29, $0x17;
	v19 =	vadd.f32 v33, v21;
	v21 =	vadd.s32 $0xFFFFFF81, v35  }
0x88: {  	v17 =	vmul.f32 v17, v28;
	v21 =	vcvt.s32.f32 v21;
	v20 =	vadd.f32 $1.442668910e+00, v20  }
0x89: {  	v8 =	vsub.f32 v8, v16;
	v23 =	vadd.s32 $0xFFFFFF81, v36;
	v19 =	vmul.f32 $6.931471820e-01, v19  }
0x8a: {  	v37 =	vcvt.s32.f32 v23;
	v17 =	vadd.f32 v21, v17;
	v20 =	vmul.f32 v20, v31  }
0x8b: {  	v6 =	vmul.f32 $1.442695020e+00, v6;
	v11 =	vsub.f32 v11, v19  }
0x8c: {  	v8 =	vmul.f32 $1.500000000e+00, v8;
	v17 =	vmul.f32 $6.931471820e-01, v17;
	v20 =	vadd.f32 v37, v20  }
0x8d: {  	(erf) = vpow2.f32 v6;
	v38 =	vmul.f32 $1.500000000e+00, v11  }
0x8e: {  	v8 =	vmul.f32 $1.442695020e+00, v8;
	v39 =	vsub.f32 v13, v17;
	v40 =	vmul.f32 $6.931471820e-01, v20  }
0x8f: {  	v6 =	vmul.f32 $1.442695020e+00, v38  }
0x90: {  	(erf) = vpow2.f32 v8;
	v41 =	vmul.f32 $1.500000000e+00, v39;
	v42 =	vsub.f32 v22, v40  }
0x91: {  	(erf) = vpow2.f32 v6  }
0x92: {  	v43 =	vmul.f32 $1.442695020e+00, v41;
	v44 =	vmul.f32 $1.500000000e+00, v42;
	_ =	sdelay $0x1  }
0x93: {  	(erf) = vpow2.f32 v43;
	v45 =	vmul.f32 $1.442695020e+00, v44  }
0x94: {  	v0 =	vmul.f32 v0, v18  }
0x95: {  	v46 =	vmul.f32 v27, v12;
	(erf) = vpow2.f32 v45  }
0x96: {  	v49 =	vadd.f32 v18, v14;
	v47 =	vpop (erf)  }
0x97: {  	v0 =	vadd.f32 v0, v7;
	v1 =	vmul.f32 v1, v46;
	v6 =	vmul.f32 v47, v15  }
0x98: {  	v8 =	vadd.f32 v46, v49;
	v48 =	vpop (erf)  }
0x99: {  	v0 =	vadd.f32 v1, v0;
	v51 =	vmul.f32 v48, v16;
	v50 =	vmul.f32 v2, v6  }
0x9a: {  	v6 =	vadd.f32 v6, v8;
	v52 =	vpop (erf)  }
0x9b: {  	v53 =	vmul.f32 v3, v51;
	v0 =	vadd.f32 v50, v0;
	v54 =	vmul.f32 v52, v19  }
0x9c: {  	v2 =	vadd.f32 v51, v6;
	v55 =	vpop (erf)  }
0x9d: {  	v0 =	vadd.f32 v53, v0;
	v56 =	vmul.f32 v4, v54;
	v57 =	vmul.f32 v55, v17  }
0x9e: {  	v2 =	vadd.f32 v54, v2;
	v58 =	vpop (erf)  }
0x9f: {  	v0 =	vadd.f32 v56, v0;
	v59 =	vmul.f32 v5, v57;
	v60 =	vmul.f32 v58, v40  }
0xa0: {  	v2 =	vadd.f32 v57, v2  }
0xa1: {  	v63 =	vadd.f32 v10, v9;
	v0 =	vadd.f32 v59, v0;
	v61 =	vmul.f32 v10, v60  }
0xa2: {  	v62 =	vadd.f32 v60, v2  }
0xa3: {  	s12 =	sadd.s32 $0x1, s12;
	[tilespmem:$0x8100] =	vst v63;
	v0 =	vadd.f32 v61, v0  }
0xa4: {  	p0 =	sne.s32 s12, s6;
	[tilespmem:$0x8080] =	vst v62  }
.Ltmp1:
0xa5: {  	[tilespmem:$0x8000] =	vst v0;
	(pc) =	sbr.rel @p0 .LBB2_1-.Ltmp1, $4  }
0xa6: {  	[hbm4b:s5+s2] =	stream.linear.scatter [tilespmem:s10], [sflag:$0x3], $0x180, $0x38;
	[tilespmem:$0x8200] =	vst v63  }
0xa7: {  	_ =	swait.ge [sflag:s11], $0x180  }
0xa8: {  	[sflag:s11] =	ssyncset.done $0x0  }
0xa9: {  	[sflag:s11] =	ssyncadd.s32 $0xFFFFFE80  }
0xaa: {  	_ =	sfence.sel $0x180000  }
0xab: {  	[bflag:$0x0] =	sbarrier.arrive $0xFFFF  }
0xac: {  	p0 =	sne.s32 s0, $0x0;
	_ =	strace $0x90000047  }
0xad: {  	s0 =	sadd.s32 @!p0 $0x100000, s1;
	[bflag:$0x2] =	sbarrier.arrive $0xFFFF  }
0xae: {  	[sflag:s0] =	ssyncadd.tile.s32 @!p0 $0x1;
	_ =	shalt  }
.Lfunc_end2:
_tile_overlayer_lowered:
.L_overlay_start_2:
0xaf: {  	(tag) =	ssettag $0x2  }
0xb0: {  	s0 =	rddreg [dreg:$0x0];
	s2 =	stileid.u32  }
0xb1: {  	s1 =	rddreg [dreg:$0x1];
	p0 =	sne.s32 s2, $0x0  }
0xb2: {  	s3 =	rddreg [dreg:$0x2];
	[bflag:$0x3] =	sbarrier.arrive $0xFFFF;
	s2 =	simm.s32 @!p0 $0x1C03  }
0xb3: {  	[timem:s3], [sflag:s2] =	dma.local @!p0 [hbm:s0], s1  }
0xb4: {  	s0 =	simm.s32 @!p0 $0x3  }
0xb5: {  	_ =	swait.ge @!p0 [sflag:s0], s1  }
0xb6: {  	s1 =	ssub.s32 @!p0 $0x0, s1;
	[sflag:s0] =	ssyncset.done @!p0 $0x0  }
0xb7: {  	[sflag:s0] =	ssyncadd.s32 @!p0 s1  }
0xb8: {  	[bflag:$0x3] =	sbarrier.arrive $0xFFFF  }
0xb9: {  	_ =	shalt  }

</sc_bundles>
